<compile_context>
chip_gen: v7x
topology: tpu7x:2x2x1
jax: 0.10.2.dev20260603
libtpu: 0.0.44.dev20260713+nightly
codegen_flags: <defaults>
</compile_context>

<pallas_src>
import functools

import jax
import jax.numpy as jnp
from jax import lax
from jax.experimental import pallas as pl
from jax.experimental.pallas import tpu as pltpu
from jax.experimental.pallas import tpu_sc as plsc

G = 256
R = 1000
B = 80
NTILES = 32
ZRPAD = 640


def _mesh():
    return plsc.VectorSubcoreMesh(core_axis_name="c", subcore_axis_name="s",
                                  num_cores=2, num_subcores=16)


def _dinv_block(degp_blk):
    deg = degp_blk[0, :, 0] + degp_blk[1, :, 0] + 1.0
    return lax.rsqrt(deg)


def _sc_degree(dst, zeros128, ones128, n_nodes, n_edges):
    np_ = ZRPAD * 16
    ept = n_edges // NTILES
    nb = ept // B

    @functools.partial(
        pl.kernel,
        out_type=jax.ShapeDtypeStruct((2, np_, 128), jnp.float32),
        mesh=_mesh(),
        scratch_types=[
            pltpu.VMEM((B,), jnp.int32),
            pltpu.VMEM((B, 128), jnp.float32),
            pltpu.VMEM_SHARED((np_, 128), jnp.float32),
        ],
    )
    def deg_k(dst_hbm, z_hbm, ones_hbm, out_hbm, dstv, onesv, acc):
        cid = lax.axis_index("c")
        sid = lax.axis_index("s")
        wid = sid * 2 + cid
        pltpu.sync_copy(z_hbm.at[pl.ds(sid * ZRPAD, ZRPAD)],
                        acc.at[pl.ds(sid * ZRPAD, ZRPAD)])
        pltpu.sync_copy(ones_hbm, onesv)
        plsc.subcore_barrier()
        base = wid * ept

        def body(i, carry):
            pltpu.sync_copy(dst_hbm.at[pl.ds(base + i * B, B)], dstv)
            pltpu.sync_copy(onesv, acc.at[dstv], add=True)
            return carry

        lax.fori_loop(0, nb, body, 0)
        plsc.subcore_barrier()
        pltpu.sync_copy(acc.at[pl.ds(sid * ZRPAD, ZRPAD)],
                        out_hbm.at[cid, pl.ds(sid * ZRPAD, ZRPAD)])

    return deg_k(dst, zeros128, ones128)


def _sc_aggregate(hp_flat, src, dst, zeros128, n_nodes, n_edges, n_chunks):
    np_ = ZRPAD * 16
    ept = n_edges // NTILES
    nb = ept // B

    @functools.partial(
        pl.kernel,
        out_type=jax.ShapeDtypeStruct((2, n_chunks, np_, 128), jnp.float32),
        mesh=_mesh(),
        scratch_types=[
            pltpu.VMEM((B,), jnp.int32),
            pltpu.VMEM((B,), jnp.int32),
            pltpu.VMEM((B,), jnp.int32),
            pltpu.VMEM((B, 128), jnp.float32),
            pltpu.VMEM_SHARED((np_, 128), jnp.float32),
            pltpu.SemaphoreType.DMA,
        ],
    )
    def agg_k(hp_hbm, src_hbm, dst_hbm, z_hbm, out_hbm,
              srcv, srcsh, dstv, rows, acc, sem):
        cid = lax.axis_index("c")
        sid = lax.axis_index("s")
        wid = sid * 2 + cid
        base = wid * ept

        for c in range(n_chunks):
            pltpu.sync_copy(z_hbm.at[pl.ds(sid * ZRPAD, ZRPAD)],
                            acc.at[pl.ds(sid * ZRPAD, ZRPAD)])
            plsc.subcore_barrier()

            def body(i, carry, c=c):
                off = base + i * B
                pltpu.sync_copy(src_hbm.at[pl.ds(off, B)], srcv)
                pltpu.sync_copy(dst_hbm.at[pl.ds(off, B)], dstv)
                if c == 0:
                    idxref = srcv
                else:
                    for j in range(B // 16):
                        srcsh[pl.ds(j * 16, 16)] = (
                            srcv[pl.ds(j * 16, 16)] + c * n_nodes)
                    idxref = srcsh
                pltpu.async_copy(hp_hbm.at[idxref], rows, sem).wait()
                pltpu.sync_copy(rows, acc.at[dstv], add=True)
                return carry

            lax.fori_loop(0, nb, body, 0)
            plsc.subcore_barrier()
            pltpu.sync_copy(acc.at[pl.ds(sid * ZRPAD, ZRPAD)],
                            out_hbm.at[cid, c, pl.ds(sid * ZRPAD, ZRPAD)])

    return agg_k(hp_flat, src, dst, zeros128)


def _tc_first(x, W1, degp, n_nodes):
    d = x.shape[1]

    def body(x_ref, w_ref, degp_ref, out_ref):
        dinv = _dinv_block(degp_ref[...])
        h = jnp.dot(x_ref[...], w_ref[...],
                    preferred_element_type=jnp.float32)
        out_ref[0] = h * dinv[:, None]

    return pl.pallas_call(
        body,
        grid=(n_nodes // R,),
        in_specs=[
            pl.BlockSpec((R, d), lambda i: (i, 0)),
            pl.BlockSpec((d, d), lambda i: (0, 0)),
            pl.BlockSpec((2, R, 128), lambda i: (0, i, 0)),
        ],
        out_specs=pl.BlockSpec((1, R, d), lambda i: (0, i, 0)),
        out_shape=jax.ShapeDtypeStruct((1, n_nodes, d), jnp.float32),
    )(x, W1, degp)


def _tc_mid(aggp, hpc, degp, b, W, c_in, f_out, n_nodes):
    c_out = f_out // 128
    f_in = c_in * 128

    def body(aggp_ref, hpc_ref, degp_ref, b_ref, w_ref, out_ref):
        dinv = _dinv_block(degp_ref[...])[:, None]
        pieces = []
        for c in range(c_in):
            s = aggp_ref[0, c] + aggp_ref[1, c] + hpc_ref[c]
            pieces.append(
                jnp.maximum(dinv * s + b_ref[0, c * 128:(c + 1) * 128], 0.0))
        xblk = pieces[0] if c_in == 1 else jnp.concatenate(pieces, axis=1)
        h = jnp.dot(xblk, w_ref[...], preferred_element_type=jnp.float32)
        hp = h * dinv
        for c in range(c_out):
            out_ref[c] = hp[:, c * 128:(c + 1) * 128]

    return pl.pallas_call(
        body,
        grid=(n_nodes // R,),
        in_specs=[
            pl.BlockSpec((2, c_in, R, 128), lambda i: (0, 0, i, 0)),
            pl.BlockSpec((c_in, R, 128), lambda i: (0, i, 0)),
            pl.BlockSpec((2, R, 128), lambda i: (0, i, 0)),
            pl.BlockSpec((1, f_in), lambda i: (0, 0)),
            pl.BlockSpec((f_in, f_out), lambda i: (0, 0)),
        ],
        out_specs=pl.BlockSpec((c_out, R, 128), lambda i: (0, i, 0)),
        out_shape=jax.ShapeDtypeStruct((c_out, n_nodes, 128), jnp.float32),
    )(aggp, hpc, degp, b.reshape(1, -1), W)


def _tc_final(aggp3, hpc3, degp, b3, batchr, Wg1, bg1, Wg2, bg2, n_nodes):
    nsteps = n_nodes // R

    def body(aggp_ref, hpc_ref, degp_ref, b_ref, batch_ref,
             wg1_ref, bg1_ref, wg2_ref, bg2_ref, out_ref, acc_ref, y_ref):
        i = pl.program_id(0)

        @pl.when(i == 0)
        def _():
            acc_ref[...] = jnp.full((G, 512), -jnp.inf, jnp.float32)

        dinv = _dinv_block(degp_ref[...])[:, None]
        pieces = []
        for c in range(4):
            s = aggp_ref[0, c] + aggp_ref[1, c] + hpc_ref[c]
            pieces.append(
                jnp.maximum(dinv * s + b_ref[0, c * 128:(c + 1) * 128], 0.0))
        y_ref[...] = jnp.concatenate(pieces, axis=1)

        def rmw(r, carry):
            g = batch_ref[0, 0, r]
            row = y_ref[pl.ds(r, 1), :]
            acc_ref[pl.ds(g, 1), :] = jnp.maximum(acc_ref[pl.ds(g, 1), :], row)
            return carry

        lax.fori_loop(0, R, rmw, 0)

        @pl.when(i == nsteps - 1)
        def _():
            acc = acc_ref[...]
            pooled = jnp.where(acc > -jnp.inf, acc, 0.0)
            z = jnp.maximum(
                jnp.dot(pooled, wg1_ref[...],
                        preferred_element_type=jnp.float32) + bg1_ref[0], 0.0)
            o = jnp.dot(z, wg2_ref[...],
                        preferred_element_type=jnp.float32) + bg2_ref[0]
            out_ref[...] = jnp.maximum(o, 0.0)

    return pl.pallas_call(
        body,
        grid=(nsteps,),
        in_specs=[
            pl.BlockSpec((2, 4, R, 128), lambda i: (0, 0, i, 0)),
            pl.BlockSpec((4, R, 128), lambda i: (0, i, 0)),
            pl.BlockSpec((2, R, 128), lambda i: (0, i, 0)),
            pl.BlockSpec((1, 512), lambda i: (0, 0)),
            pl.BlockSpec((1, 1, R), lambda i: (i, 0, 0),
                         memory_space=pltpu.SMEM),
            pl.BlockSpec((512, 1024), lambda i: (0, 0)),
            pl.BlockSpec((1, 1024), lambda i: (0, 0)),
            pl.BlockSpec((1024, 128), lambda i: (0, 0)),
            pl.BlockSpec((1, 128), lambda i: (0, 0)),
        ],
        out_specs=pl.BlockSpec((G, 128), lambda i: (0, 0)),
        out_shape=jax.ShapeDtypeStruct((G, 128), jnp.float32),
        scratch_shapes=[
            pltpu.VMEM((G, 512), jnp.float32),
            pltpu.VMEM((R, 512), jnp.float32),
        ],
    )(aggp3, hpc3, degp, b3.reshape(1, -1), batchr,
      Wg1, bg1.reshape(1, -1), Wg2, bg2.reshape(1, -1))


def kernel(x, edge_index, batch, W1, b1, W2, b2, W3, b3, Wg1, bg1, Wg2, bg2):
    n_nodes, d = x.shape
    n_edges = edge_index.shape[1]
    src = edge_index[0].astype(jnp.int32)
    dst = edge_index[1].astype(jnp.int32)

    np_ = ZRPAD * 16
    zeros128 = jnp.zeros((np_, 128), jnp.float32)
    ones128 = jnp.ones((B, 128), jnp.float32)

    degp = _sc_degree(dst, zeros128, ones128, n_nodes, n_edges)

    hpc1 = _tc_first(x, W1, degp, n_nodes)
    aggp1 = _sc_aggregate(hpc1.reshape(n_nodes, 128), src, dst,
                          zeros128, n_nodes, n_edges, 1)
    hpc2 = _tc_mid(aggp1, hpc1, degp, b1, W2, 1, 256, n_nodes)
    aggp2 = _sc_aggregate(hpc2.reshape(2 * n_nodes, 128), src, dst,
                          zeros128, n_nodes, n_edges, 2)
    hpc3 = _tc_mid(aggp2, hpc2, degp, b2, W3, 2, 512, n_nodes)
    aggp3 = _sc_aggregate(hpc3.reshape(4 * n_nodes, 128), src, dst,
                          zeros128, n_nodes, n_edges, 4)

    batchr = batch.astype(jnp.int32).reshape(n_nodes // R, 1, R)
    return _tc_final(aggp3, hpc3, degp, b3, batchr,
                     Wg1, bg1, Wg2, bg2, n_nodes)

# --- scband reference (transcript-rebuilt; emitter-appended) ---
"""Pipeline reference for scband-molecular-emb-2551210574176 (READ-ONLY COPY).

The authoritative reference and input builder live on the scoring server;
editing this copy changes nothing except your own understanding.
"""

import jax, jax.numpy as jnp
import numpy as np

N = 10000
E = 320000
G = 256
D = 128


def gcn_conv(x, W, b, src, dst, num_nodes):
    # PyG GCNConv: h = D^{-1/2} (A + I) D^{-1/2} x W + b  (self-loops already in src/dst)
    deg = jnp.zeros((num_nodes,), x.dtype).at[dst].add(1.0)
    dinv = jnp.where(deg > 0, 1.0 / jnp.sqrt(deg), 0.0)
    norm = dinv[src] * dinv[dst]
    h = x @ W
    msg = h[src] * norm[:, None]
    out = jnp.zeros((num_nodes, h.shape[1]), h.dtype).at[dst].add(msg)
    return out + b


def setup_inputs(seed: int = 0) -> dict:
    key = jax.random.key(seed)
    ks = jax.random.split(key, 16)
    x = jax.random.normal(ks[0], (N, D), dtype=jnp.float32)
    edge_index = jax.random.randint(ks[1], (2, E), 0, N)
    batch = jnp.sort(jax.random.randint(ks[2], (N,), 0, G))
    def lin(k, fan_in, fan_out):
        kw, kb = jax.random.split(k)
        W = jax.random.normal(kw, (fan_in, fan_out), jnp.float32) * (1.0 / np.sqrt(fan_in))
        b = jnp.zeros((fan_out,), jnp.float32)
        return W, b
    W1, b1 = lin(ks[3], D, D)
    W2, b2 = lin(ks[4], D, 2 * D)
    W3, b3 = lin(ks[5], 2 * D, 4 * D)
    Wg1, bg1 = lin(ks[6], 4 * D, 1024)
    Wg2, bg2 = lin(ks[7], 1024, 128)
    return {"x": x, "edge_index": edge_index, "batch": batch,
            "W1": W1, "b1": b1, "W2": W2, "b2": b2, "W3": W3, "b3": b3,
            "Wg1": Wg1, "bg1": bg1, "Wg2": Wg2, "bg2": bg2}


def reference(x, edge_index, batch, W1, b1, W2, b2, W3, b3, Wg1, bg1, Wg2, bg2):
    loop = jnp.arange(N, dtype=edge_index.dtype)
    src = jnp.concatenate([edge_index[0], loop])
    dst = jnp.concatenate([edge_index[1], loop])
    h = jax.nn.relu(gcn_conv(x, W1, b1, src, dst, N))
    h = jax.nn.relu(gcn_conv(h, W2, b2, src, dst, N))
    h = jax.nn.relu(gcn_conv(h, W3, b3, src, dst, N))
    pooled = jax.ops.segment_max(h, batch, num_segments=G)
    pooled = jnp.where(jnp.isfinite(pooled), pooled, 0.0)
    z = jax.nn.relu(pooled @ Wg1 + bg1)
    # dropout is identity in eval mode
    z = z @ Wg2 + bg2
    return jax.nn.relu(z)

if __name__ == "__main__":
    import jax
    _d = setup_inputs()
    print(jax.jit(kernel)(*tuple(_d.values())))

</pallas_src>

<mosaic_0001>
#map = affine_map<(d0, d1) -> (0, 0)>
#map1 = affine_map<(d0, d1) -> (0)>
#map2 = affine_map<(d0, d1) -> (0, 0, 0, 0)>
module attributes {stable_mosaic.version = 14 : i64} {
  func.func @agg_k(%arg0: i32, %arg1: i32, %arg2: memref<40000x128xf32, #tpu.memory_space<hbm>>, %arg3: memref<320000xi32, #tpu.memory_space<hbm>>, %arg4: memref<320000xi32, #tpu.memory_space<hbm>>, %arg5: memref<10240x128xf32, #tpu.memory_space<hbm>>, %arg6: memref<2x4x10240x128xf32, #tpu.memory_space<hbm>>, %arg7: memref<80xi32, #tpu.memory_space<vmem>>, %arg8: memref<80xi32, #tpu.memory_space<vmem>>, %arg9: memref<80xi32, #tpu.memory_space<vmem>>, %arg10: memref<80x128xf32, #tpu.memory_space<vmem>>, %arg11: memref<10240x128xf32, #tpu.memory_space<vmem_shared>>, %arg12: memref<!tpu.dma_semaphore, #tpu.memory_space<semaphore_mem>>) attributes {dimension_semantics = [#tpu.dimension_semantics<core_parallel>, #tpu.dimension_semantics<subcore_parallel>], iteration_bounds = array<i64: 2, 16>, scalar_prefetch = 0 : i64, scratch_operands = 6 : i64, tpu.core_type = #tpu.core_type<sc_vector_subcore>, window_params = [{transform_indices = #map}, {transform_indices = #map1}, {transform_indices = #map1}, {transform_indices = #map}, {transform_indices = #map2}]} {
    %mul3A = arith.constant 2 : i32
    %mul3A_0 = arith.muli %arg1, %mul3A : i32
    %add3A = arith.addi %mul3A_0, %arg0 : i32
    %mul3A_1 = arith.constant 10000 : i32
    %mul3A_2 = arith.muli %add3A, %mul3A_1 : i32
    %mul3A_3 = arith.constant 640 : i32
    %mul3A_4 = arith.muli %arg1, %mul3A_3 : i32
    %mul3A_5 = arith.constant 640 : i32
    %mul3A_6 = arith.muli %arg1, %mul3A_5 : i32
    "tpu.region"() ({
      %run_scoped3A_68 = tpu.sem_alloc : memref<!tpu.dma_semaphore, #tpu.memory_space<semaphore_mem>>
      %dma_start3A = arith.constant 0 : i32
      %dma_start3A_69 = tpu.memref_slice %arg11[%mul3A_6, %dma_start3A] : memref<10240x128xf32, #tpu.memory_space<vmem_shared>> -> memref<640x128xf32, #tpu.memory_space<vmem_shared>>
      %dma_start3A_70 = arith.constant 0 : i32
      %dma_start3A_71 = tpu.memref_slice %arg5[%mul3A_4, %dma_start3A_70] : memref<10240x128xf32, #tpu.memory_space<hbm>> -> memref<640x128xf32, #tpu.memory_space<hbm>>
      tpu.enqueue_dma source(%dma_start3A_71 : memref<640x128xf32, #tpu.memory_space<hbm>>) target(%dma_start3A_69 : memref<640x128xf32, #tpu.memory_space<vmem_shared>>) target_semaphore(%run_scoped3A_68 : memref<!tpu.dma_semaphore, #tpu.memory_space<semaphore_mem>>)
      %dma_wait3A = arith.constant 0 : i32
      %dma_wait3A_72 = tpu.memref_slice %arg11[%mul3A_6, %dma_wait3A] : memref<10240x128xf32, #tpu.memory_space<vmem_shared>> -> memref<640x128xf32, #tpu.memory_space<vmem_shared>>
      %dma_wait3A_73 = arith.constant 0 : i32
      %dma_wait3A_74 = tpu.memref_slice %arg5[%mul3A_4, %dma_wait3A_73] : memref<10240x128xf32, #tpu.memory_space<hbm>> -> memref<640x128xf32, #tpu.memory_space<hbm>>
      tpu.wait_dma2 semaphore(%run_scoped3A_68 : memref<!tpu.dma_semaphore, #tpu.memory_space<semaphore_mem>>) src(%dma_wait3A_74 : memref<640x128xf32, #tpu.memory_space<hbm>>) dst(%dma_wait3A_72 : memref<640x128xf32, #tpu.memory_space<vmem_shared>>)
      tpu.yield
    }) : () -> ()
    %barrier3A = arith.constant 0 : index
    tpu.barrier barrier_id(%barrier3A)
    %scan3A = arith.constant 0 : i32
    %scan3A_7 = arith.constant 0 : i32
    %scan3A_8 = arith.constant 125 : i32
    %scan3A_9 = arith.addi %scan3A_7, %scan3A_8 : i32
    %scan3A_10 = arith.constant 1 : i32
    scf.for %scan3A_68 = %scan3A_7 to %scan3A_9 step %scan3A_10  : i32 {
      %mul3A_69 = arith.constant 80 : i32
      %mul3A_70 = arith.muli %scan3A_68, %mul3A_69 : i32
      %add3A_71 = arith.addi %mul3A_2, %mul3A_70 : i32
      "tpu.region"() ({
        %run_scoped3A_76 = tpu.sem_alloc : memref<!tpu.dma_semaphore, #tpu.memory_space<semaphore_mem>>
        %dma_start3A_77 = tpu.memref_slice %arg3[%add3A_71] : memref<320000xi32, #tpu.memory_space<hbm>> -> memref<80xi32, #tpu.memory_space<hbm>>
        %dma_start3A_78 = tpu.memref_slice %arg3[%add3A_71] : memref<320000xi32, #tpu.memory_space<hbm>> -> memref<80xi32, #tpu.memory_space<hbm>>
        tpu.enqueue_dma source(%dma_start3A_78 : memref<80xi32, #tpu.memory_space<hbm>>) target(%arg7 : memref<80xi32, #tpu.memory_space<vmem>>) target_semaphore(%run_scoped3A_76 : memref<!tpu.dma_semaphore, #tpu.memory_space<semaphore_mem>>)
        %dma_wait3A_79 = tpu.memref_slice %arg3[%add3A_71] : memref<320000xi32, #tpu.memory_space<hbm>> -> memref<80xi32, #tpu.memory_space<hbm>>
        %dma_wait3A_80 = tpu.memref_slice %arg3[%add3A_71] : memref<320000xi32, #tpu.memory_space<hbm>> -> memref<80xi32, #tpu.memory_space<hbm>>
        tpu.wait_dma2 semaphore(%run_scoped3A_76 : memref<!tpu.dma_semaphore, #tpu.memory_space<semaphore_mem>>) src(%dma_wait3A_80 : memref<80xi32, #tpu.memory_space<hbm>>) dst(%arg7 : memref<80xi32, #tpu.memory_space<vmem>>)
        tpu.yield
      }) : () -> ()
      "tpu.region"() ({
        %run_scoped3A_76 = tpu.sem_alloc : memref<!tpu.dma_semaphore, #tpu.memory_space<semaphore_mem>>
        %dma_start3A_77 = tpu.memref_slice %arg4[%add3A_71] : memref<320000xi32, #tpu.memory_space<hbm>> -> memref<80xi32, #tpu.memory_space<hbm>>
        %dma_start3A_78 = tpu.memref_slice %arg4[%add3A_71] : memref<320000xi32, #tpu.memory_space<hbm>> -> memref<80xi32, #tpu.memory_space<hbm>>
        tpu.enqueue_dma source(%dma_start3A_78 : memref<80xi32, #tpu.memory_space<hbm>>) target(%arg9 : memref<80xi32, #tpu.memory_space<vmem>>) target_semaphore(%run_scoped3A_76 : memref<!tpu.dma_semaphore, #tpu.memory_space<semaphore_mem>>)
        %dma_wait3A_79 = tpu.memref_slice %arg4[%add3A_71] : memref<320000xi32, #tpu.memory_space<hbm>> -> memref<80xi32, #tpu.memory_space<hbm>>
        %dma_wait3A_80 = tpu.memref_slice %arg4[%add3A_71] : memref<320000xi32, #tpu.memory_space<hbm>> -> memref<80xi32, #tpu.memory_space<hbm>>
        tpu.wait_dma2 semaphore(%run_scoped3A_76 : memref<!tpu.dma_semaphore, #tpu.memory_space<semaphore_mem>>) src(%dma_wait3A_80 : memref<80xi32, #tpu.memory_space<hbm>>) dst(%arg9 : memref<80xi32, #tpu.memory_space<vmem>>)
        tpu.yield
      }) : () -> ()
      %dma_start3A = arith.constant 0 : i32
      %dma_start3A_72 = arith.constant 0 : i32
      %dma_start3A_73 = tpu.memref_slice %arg2[%dma_start3A, %dma_start3A_72] : memref<40000x128xf32, #tpu.memory_space<hbm>> -> memref<40000x128xf32, #tpu.memory_space<hbm>>
      tpu.enqueue_indirect_dma source(%dma_start3A_73 : memref<40000x128xf32, #tpu.memory_space<hbm>>) target(%arg10 : memref<80x128xf32, #tpu.memory_space<vmem>>) offsets(%arg7 : memref<80xi32, #tpu.memory_space<vmem>>) semaphore(%arg12 : memref<!tpu.dma_semaphore, #tpu.memory_space<semaphore_mem>>)
      %dma_wait3A = arith.constant 0 : i32
      %dma_wait3A_74 = arith.constant 0 : i32
      %dma_wait3A_75 = tpu.memref_slice %arg2[%dma_wait3A, %dma_wait3A_74] : memref<40000x128xf32, #tpu.memory_space<hbm>> -> memref<40000x128xf32, #tpu.memory_space<hbm>>
      tpu.wait_indirect_dma semaphore(%arg12 : memref<!tpu.dma_semaphore, #tpu.memory_space<semaphore_mem>>) src(%dma_wait3A_75 : memref<40000x128xf32, #tpu.memory_space<hbm>>) dst(%arg10 : memref<80x128xf32, #tpu.memory_space<vmem>>)
      "tpu.region"() ({
        %run_scoped3A_76 = tpu.sem_alloc : memref<!tpu.dma_semaphore, #tpu.memory_space<semaphore_mem>>
        %dma_start3A_77 = arith.constant 0 : i32
        %dma_start3A_78 = arith.constant 0 : i32
        %dma_start3A_79 = tpu.memref_slice %arg11[%dma_start3A_77, %dma_start3A_78] : memref<10240x128xf32, #tpu.memory_space<vmem_shared>> -> memref<10240x128xf32, #tpu.memory_space<vmem_shared>>
        tpu.enqueue_indirect_dma source(%arg10 : memref<80x128xf32, #tpu.memory_space<vmem>>) target(%dma_start3A_79 : memref<10240x128xf32, #tpu.memory_space<vmem_shared>>) offsets(%arg9 : memref<80xi32, #tpu.memory_space<vmem>>) semaphore(%run_scoped3A_76 : memref<!tpu.dma_semaphore, #tpu.memory_space<semaphore_mem>>) {add = true}
        %dma_wait3A_80 = arith.constant 0 : i32
        %dma_wait3A_81 = arith.constant 0 : i32
        %dma_wait3A_82 = tpu.memref_slice %arg11[%dma_wait3A_80, %dma_wait3A_81] : memref<10240x128xf32, #tpu.memory_space<vmem_shared>> -> memref<10240x128xf32, #tpu.memory_space<vmem_shared>>
        tpu.wait_indirect_dma semaphore(%run_scoped3A_76 : memref<!tpu.dma_semaphore, #tpu.memory_space<semaphore_mem>>) src(%arg10 : memref<80x128xf32, #tpu.memory_space<vmem>>) dst(%dma_wait3A_82 : memref<10240x128xf32, #tpu.memory_space<vmem_shared>>)
        tpu.yield
      }) : () -> ()
    }
    %scan3A_11 = arith.constant 125 : i32
    %barrier3A_12 = arith.constant 0 : index
    tpu.barrier barrier_id(%barrier3A_12)
    %mul3A_13 = arith.constant 640 : i32
    %mul3A_14 = arith.muli %arg1, %mul3A_13 : i32
    %mul3A_15 = arith.constant 640 : i32
    %mul3A_16 = arith.muli %arg1, %mul3A_15 : i32
    %run_scoped3A = arith.constant 0 : i32
    "tpu.region"() ({
      %run_scoped3A_68 = tpu.sem_alloc : memref<!tpu.dma_semaphore, #tpu.memory_space<semaphore_mem>>
      %dma_start3A = arith.constant 0 : i32
      %dma_start3A_69 = tpu.memref_slice %arg6[%arg0, %run_scoped3A, %mul3A_16, %dma_start3A] : memref<2x4x10240x128xf32, #tpu.memory_space<hbm>> -> memref<1x1x640x128xf32, #tpu.memory_space<hbm>>
      %dma_start3A_70 = tpu.memref_squeeze %dma_start3A_69 : memref<1x1x640x128xf32, #tpu.memory_space<hbm>> -> memref<640x128xf32, #tpu.memory_space<hbm>>
      %dma_start3A_71 = arith.constant 0 : i32
      %dma_start3A_72 = tpu.memref_slice %arg11[%mul3A_14, %dma_start3A_71] : memref<10240x128xf32, #tpu.memory_space<vmem_shared>> -> memref<640x128xf32, #tpu.memory_space<vmem_shared>>
      tpu.enqueue_dma source(%dma_start3A_72 : memref<640x128xf32, #tpu.memory_space<vmem_shared>>) target(%dma_start3A_70 : memref<640x128xf32, #tpu.memory_space<hbm>>) target_semaphore(%run_scoped3A_68 : memref<!tpu.dma_semaphore, #tpu.memory_space<semaphore_mem>>)
      %dma_wait3A = arith.constant 0 : i32
      %dma_wait3A_73 = tpu.memref_slice %arg6[%arg0, %run_scoped3A, %mul3A_16, %dma_wait3A] : memref<2x4x10240x128xf32, #tpu.memory_space<hbm>> -> memref<1x1x640x128xf32, #tpu.memory_space<hbm>>
      %dma_wait3A_74 = tpu.memref_squeeze %dma_wait3A_73 : memref<1x1x640x128xf32, #tpu.memory_space<hbm>> -> memref<640x128xf32, #tpu.memory_space<hbm>>
      %dma_wait3A_75 = arith.constant 0 : i32
      %dma_wait3A_76 = tpu.memref_slice %arg11[%mul3A_14, %dma_wait3A_75] : memref<10240x128xf32, #tpu.memory_space<vmem_shared>> -> memref<640x128xf32, #tpu.memory_space<vmem_shared>>
      tpu.wait_dma2 semaphore(%run_scoped3A_68 : memref<!tpu.dma_semaphore, #tpu.memory_space<semaphore_mem>>) src(%dma_wait3A_76 : memref<640x128xf32, #tpu.memory_space<vmem_shared>>) dst(%dma_wait3A_74 : memref<640x128xf32, #tpu.memory_space<hbm>>)
      tpu.yield
    }) : () -> ()
    %mul3A_17 = arith.constant 640 : i32
    %mul3A_18 = arith.muli %arg1, %mul3A_17 : i32
    %mul3A_19 = arith.constant 640 : i32
    %mul3A_20 = arith.muli %arg1, %mul3A_19 : i32
    "tpu.region"() ({
      %run_scoped3A_68 = tpu.sem_alloc : memref<!tpu.dma_semaphore, #tpu.memory_space<semaphore_mem>>
      %dma_start3A = arith.constant 0 : i32
      %dma_start3A_69 = tpu.memref_slice %arg11[%mul3A_20, %dma_start3A] : memref<10240x128xf32, #tpu.memory_space<vmem_shared>> -> memref<640x128xf32, #tpu.memory_space<vmem_shared>>
      %dma_start3A_70 = arith.constant 0 : i32
      %dma_start3A_71 = tpu.memref_slice %arg5[%mul3A_18, %dma_start3A_70] : memref<10240x128xf32, #tpu.memory_space<hbm>> -> memref<640x128xf32, #tpu.memory_space<hbm>>
      tpu.enqueue_dma source(%dma_start3A_71 : memref<640x128xf32, #tpu.memory_space<hbm>>) target(%dma_start3A_69 : memref<640x128xf32, #tpu.memory_space<vmem_shared>>) target_semaphore(%run_scoped3A_68 : memref<!tpu.dma_semaphore, #tpu.memory_space<semaphore_mem>>)
      %dma_wait3A = arith.constant 0 : i32
      %dma_wait3A_72 = tpu.memref_slice %arg11[%mul3A_20, %dma_wait3A] : memref<10240x128xf32, #tpu.memory_space<vmem_shared>> -> memref<640x128xf32, #tpu.memory_space<vmem_shared>>
      %dma_wait3A_73 = arith.constant 0 : i32
      %dma_wait3A_74 = tpu.memref_slice %arg5[%mul3A_18, %dma_wait3A_73] : memref<10240x128xf32, #tpu.memory_space<hbm>> -> memref<640x128xf32, #tpu.memory_space<hbm>>
      tpu.wait_dma2 semaphore(%run_scoped3A_68 : memref<!tpu.dma_semaphore, #tpu.memory_space<semaphore_mem>>) src(%dma_wait3A_74 : memref<640x128xf32, #tpu.memory_space<hbm>>) dst(%dma_wait3A_72 : memref<640x128xf32, #tpu.memory_space<vmem_shared>>)
      tpu.yield
    }) : () -> ()
    %barrier3A_21 = arith.constant 0 : index
    tpu.barrier barrier_id(%barrier3A_21)
    %scan3A_22 = arith.constant 0 : i32
    %scan3A_23 = arith.constant 0 : i32
    %scan3A_24 = arith.constant 125 : i32
    %scan3A_25 = arith.addi %scan3A_23, %scan3A_24 : i32
    %scan3A_26 = arith.constant 1 : i32
    scf.for %scan3A_68 = %scan3A_23 to %scan3A_25 step %scan3A_26  : i32 {
      %mul3A_69 = arith.constant 80 : i32
      %mul3A_70 = arith.muli %scan3A_68, %mul3A_69 : i32
      %add3A_71 = arith.addi %mul3A_2, %mul3A_70 : i32
      "tpu.region"() ({
        %run_scoped3A_124 = tpu.sem_alloc : memref<!tpu.dma_semaphore, #tpu.memory_space<semaphore_mem>>
        %dma_start3A_125 = tpu.memref_slice %arg3[%add3A_71] : memref<320000xi32, #tpu.memory_space<hbm>> -> memref<80xi32, #tpu.memory_space<hbm>>
        %dma_start3A_126 = tpu.memref_slice %arg3[%add3A_71] : memref<320000xi32, #tpu.memory_space<hbm>> -> memref<80xi32, #tpu.memory_space<hbm>>
        tpu.enqueue_dma source(%dma_start3A_126 : memref<80xi32, #tpu.memory_space<hbm>>) target(%arg7 : memref<80xi32, #tpu.memory_space<vmem>>) target_semaphore(%run_scoped3A_124 : memref<!tpu.dma_semaphore, #tpu.memory_space<semaphore_mem>>)
        %dma_wait3A_127 = tpu.memref_slice %arg3[%add3A_71] : memref<320000xi32, #tpu.memory_space<hbm>> -> memref<80xi32, #tpu.memory_space<hbm>>
        %dma_wait3A_128 = tpu.memref_slice %arg3[%add3A_71] : memref<320000xi32, #tpu.memory_space<hbm>> -> memref<80xi32, #tpu.memory_space<hbm>>
        tpu.wait_dma2 semaphore(%run_scoped3A_124 : memref<!tpu.dma_semaphore, #tpu.memory_space<semaphore_mem>>) src(%dma_wait3A_128 : memref<80xi32, #tpu.memory_space<hbm>>) dst(%arg7 : memref<80xi32, #tpu.memory_space<vmem>>)
        tpu.yield
      }) : () -> ()
      "tpu.region"() ({
        %run_scoped3A_124 = tpu.sem_alloc : memref<!tpu.dma_semaphore, #tpu.memory_space<semaphore_mem>>
        %dma_start3A_125 = tpu.memref_slice %arg4[%add3A_71] : memref<320000xi32, #tpu.memory_space<hbm>> -> memref<80xi32, #tpu.memory_space<hbm>>
        %dma_start3A_126 = tpu.memref_slice %arg4[%add3A_71] : memref<320000xi32, #tpu.memory_space<hbm>> -> memref<80xi32, #tpu.memory_space<hbm>>
        tpu.enqueue_dma source(%dma_start3A_126 : memref<80xi32, #tpu.memory_space<hbm>>) target(%arg9 : memref<80xi32, #tpu.memory_space<vmem>>) target_semaphore(%run_scoped3A_124 : memref<!tpu.dma_semaphore, #tpu.memory_space<semaphore_mem>>)
        %dma_wait3A_127 = tpu.memref_slice %arg4[%add3A_71] : memref<320000xi32, #tpu.memory_space<hbm>> -> memref<80xi32, #tpu.memory_space<hbm>>
        %dma_wait3A_128 = tpu.memref_slice %arg4[%add3A_71] : memref<320000xi32, #tpu.memory_space<hbm>> -> memref<80xi32, #tpu.memory_space<hbm>>
        tpu.wait_dma2 semaphore(%run_scoped3A_124 : memref<!tpu.dma_semaphore, #tpu.memory_space<semaphore_mem>>) src(%dma_wait3A_128 : memref<80xi32, #tpu.memory_space<hbm>>) dst(%arg9 : memref<80xi32, #tpu.memory_space<vmem>>)
        tpu.yield
      }) : () -> ()
      %get3A = arith.constant 0 : index
      %get3A_72 = tpu.vector_load %arg7[%get3A] {strides = array<i32>} : memref<80xi32, #tpu.memory_space<vmem>>, vector<16xi32>,
      %get3A_73 = vector.shape_cast %get3A_72 : vector<16xi32> to vector<16xi32>
      %add3A_74 = arith.constant 10000 : i32
      %add3A_75 = vector.broadcast %add3A_74 : i32 to vector<16xi32>
      %add3A_76 = arith.addi %get3A_73, %add3A_75 : vector<16xi32>
      %swap3A = arith.constant 0 : index
      %swap3A_77 = tpu.vector_load %arg8[%swap3A] {strides = array<i32>} : memref<80xi32, #tpu.memory_space<vmem>>, vector<16xi32>,
      %swap3A_78 = vector.shape_cast %swap3A_77 : vector<16xi32> to vector<16xi32>
      %swap3A_79 = vector.shape_cast %add3A_76 : vector<16xi32> to vector<16xi32>
      tpu.vector_store %arg8[%swap3A], %swap3A_79 {strides = array<i32>} : memref<80xi32, #tpu.memory_space<vmem>>, vector<16xi32>,
      %get3A_80 = arith.constant 16 : index
      %get3A_81 = tpu.vector_load %arg7[%get3A_80] {strides = array<i32>} : memref<80xi32, #tpu.memory_space<vmem>>, vector<16xi32>,
      %get3A_82 = vector.shape_cast %get3A_81 : vector<16xi32> to vector<16xi32>
      %add3A_83 = arith.constant 10000 : i32
      %add3A_84 = vector.broadcast %add3A_83 : i32 to vector<16xi32>
      %add3A_85 = arith.addi %get3A_82, %add3A_84 : vector<16xi32>
      %swap3A_86 = arith.constant 16 : index
      %swap3A_87 = tpu.vector_load %arg8[%swap3A_86] {strides = array<i32>} : memref<80xi32, #tpu.memory_space<vmem>>, vector<16xi32>,
      %swap3A_88 = vector.shape_cast %swap3A_87 : vector<16xi32> to vector<16xi32>
      %swap3A_89 = vector.shape_cast %add3A_85 : vector<16xi32> to vector<16xi32>
      tpu.vector_store %arg8[%swap3A_86], %swap3A_89 {strides = array<i32>} : memref<80xi32, #tpu.memory_space<vmem>>, vector<16xi32>,
      %get3A_90 = arith.constant 32 : index
      %get3A_91 = tpu.vector_load %arg7[%get3A_90] {strides = array<i32>} : memref<80xi32, #tpu.memory_space<vmem>>, vector<16xi32>,
      %get3A_92 = vector.shape_cast %get3A_91 : vector<16xi32> to vector<16xi32>
      %add3A_93 = arith.constant 10000 : i32
      %add3A_94 = vector.broadcast %add3A_93 : i32 to vector<16xi32>
      %add3A_95 = arith.addi %get3A_92, %add3A_94 : vector<16xi32>
      %swap3A_96 = arith.constant 32 : index
      %swap3A_97 = tpu.vector_load %arg8[%swap3A_96] {strides = array<i32>} : memref<80xi32, #tpu.memory_space<vmem>>, vector<16xi32>,
      %swap3A_98 = vector.shape_cast %swap3A_97 : vector<16xi32> to vector<16xi32>
      %swap3A_99 = vector.shape_cast %add3A_95 : vector<16xi32> to vector<16xi32>
      tpu.vector_store %arg8[%swap3A_96], %swap3A_99 {strides = array<i32>} : memref<80xi32, #tpu.memory_space<vmem>>, vector<16xi32>,
      %get3A_100 = arith.constant 48 : index
      %get3A_101 = tpu.vector_load %arg7[%get3A_100] {strides = array<i32>} : memref<80xi32, #tpu.memory_space<vmem>>, vector<16xi32>,
      %get3A_102 = vector.shape_cast %get3A_101 : vector<16xi32> to vector<16xi32>
      %add3A_103 = arith.constant 10000 : i32
      %add3A_104 = vector.broadcast %add3A_103 : i32 to vector<16xi32>
      %add3A_105 = arith.addi %get3A_102, %add3A_104 : vector<16xi32>
      %swap3A_106 = arith.constant 48 : index
      %swap3A_107 = tpu.vector_load %arg8[%swap3A_106] {strides = array<i32>} : memref<80xi32, #tpu.memory_space<vmem>>, vector<16xi32>,
      %swap3A_108 = vector.shape_cast %swap3A_107 : vector<16xi32> to vector<16xi32>
      %swap3A_109 = vector.shape_cast %add3A_105 : vector<16xi32> to vector<16xi32>
      tpu.vector_store %arg8[%swap3A_106], %swap3A_109 {strides = array<i32>} : memref<80xi32, #tpu.memory_space<vmem>>, vector<16xi32>,
      %get3A_110 = arith.constant 64 : index
      %get3A_111 = tpu.vector_load %arg7[%get3A_110] {strides = array<i32>} : memref<80xi32, #tpu.memory_space<vmem>>, vector<16xi32>,
      %get3A_112 = vector.shape_cast %get3A_111 : vector<16xi32> to vector<16xi32>
      %add3A_113 = arith.constant 10000 : i32
      %add3A_114 = vector.broadcast %add3A_113 : i32 to vector<16xi32>
      %add3A_115 = arith.addi %get3A_112, %add3A_114 : vector<16xi32>
      %swap3A_116 = arith.constant 64 : index
      %swap3A_117 = tpu.vector_load %arg8[%swap3A_116] {strides = array<i32>} : memref<80xi32, #tpu.memory_space<vmem>>, vector<16xi32>,
      %swap3A_118 = vector.shape_cast %swap3A_117 : vector<16xi32> to vector<16xi32>
      %swap3A_119 = vector.shape_cast %add3A_115 : vector<16xi32> to vector<16xi32>
      tpu.vector_store %arg8[%swap3A_116], %swap3A_119 {strides = array<i32>} : memref<80xi32, #tpu.memory_space<vmem>>, vector<16xi32>,
      %dma_start3A = arith.constant 0 : i32
      %dma_start3A_120 = arith.constant 0 : i32
      %dma_start3A_121 = tpu.memref_slice %arg2[%dma_start3A, %dma_start3A_120] : memref<40000x128xf32, #tpu.memory_space<hbm>> -> memref<40000x128xf32, #tpu.memory_space<hbm>>
      tpu.enqueue_indirect_dma source(%dma_start3A_121 : memref<40000x128xf32, #tpu.memory_space<hbm>>) target(%arg10 : memref<80x128xf32, #tpu.memory_space<vmem>>) offsets(%arg8 : memref<80xi32, #tpu.memory_space<vmem>>) semaphore(%arg12 : memref<!tpu.dma_semaphore, #tpu.memory_space<semaphore_mem>>)
      %dma_wait3A = arith.constant 0 : i32
      %dma_wait3A_122 = arith.constant 0 : i32
      %dma_wait3A_123 = tpu.memref_slice %arg2[%dma_wait3A, %dma_wait3A_122] : memref<40000x128xf32, #tpu.memory_space<hbm>> -> memref<40000x128xf32, #tpu.memory_space<hbm>>
      tpu.wait_indirect_dma semaphore(%arg12 : memref<!tpu.dma_semaphore, #tpu.memory_space<semaphore_mem>>) src(%dma_wait3A_123 : memref<40000x128xf32, #tpu.memory_space<hbm>>) dst(%arg10 : memref<80x128xf32, #tpu.memory_space<vmem>>)
      "tpu.region"() ({
        %run_scoped3A_124 = tpu.sem_alloc : memref<!tpu.dma_semaphore, #tpu.memory_space<semaphore_mem>>
        %dma_start3A_125 = arith.constant 0 : i32
        %dma_start3A_126 = arith.constant 0 : i32
        %dma_start3A_127 = tpu.memref_slice %arg11[%dma_start3A_125, %dma_start3A_126] : memref<10240x128xf32, #tpu.memory_space<vmem_shared>> -> memref<10240x128xf32, #tpu.memory_space<vmem_shared>>
        tpu.enqueue_indirect_dma source(%arg10 : memref<80x128xf32, #tpu.memory_space<vmem>>) target(%dma_start3A_127 : memref<10240x128xf32, #tpu.memory_space<vmem_shared>>) offsets(%arg9 : memref<80xi32, #tpu.memory_space<vmem>>) semaphore(%run_scoped3A_124 : memref<!tpu.dma_semaphore, #tpu.memory_space<semaphore_mem>>) {add = true}
        %dma_wait3A_128 = arith.constant 0 : i32
        %dma_wait3A_129 = arith.constant 0 : i32
        %dma_wait3A_130 = tpu.memref_slice %arg11[%dma_wait3A_128, %dma_wait3A_129] : memref<10240x128xf32, #tpu.memory_space<vmem_shared>> -> memref<10240x128xf32, #tpu.memory_space<vmem_shared>>
        tpu.wait_indirect_dma semaphore(%run_scoped3A_124 : memref<!tpu.dma_semaphore, #tpu.memory_space<semaphore_mem>>) src(%arg10 : memref<80x128xf32, #tpu.memory_space<vmem>>) dst(%dma_wait3A_130 : memref<10240x128xf32, #tpu.memory_space<vmem_shared>>)
        tpu.yield
      }) : () -> ()
    }
    %scan3A_27 = arith.constant 125 : i32
    %barrier3A_28 = arith.constant 0 : index
    tpu.barrier barrier_id(%barrier3A_28)
    %mul3A_29 = arith.constant 640 : i32
    %mul3A_30 = arith.muli %arg1, %mul3A_29 : i32
    %mul3A_31 = arith.constant 640 : i32
    %mul3A_32 = arith.muli %arg1, %mul3A_31 : i32
    %run_scoped3A_33 = arith.constant 1 : i32
    "tpu.region"() ({
      %run_scoped3A_68 = tpu.sem_alloc : memref<!tpu.dma_semaphore, #tpu.memory_space<semaphore_mem>>
      %dma_start3A = arith.constant 0 : i32
      %dma_start3A_69 = tpu.memref_slice %arg6[%arg0, %run_scoped3A_33, %mul3A_32, %dma_start3A] : memref<2x4x10240x128xf32, #tpu.memory_space<hbm>> -> memref<1x1x640x128xf32, #tpu.memory_space<hbm>>
      %dma_start3A_70 = tpu.memref_squeeze %dma_start3A_69 : memref<1x1x640x128xf32, #tpu.memory_space<hbm>> -> memref<640x128xf32, #tpu.memory_space<hbm>>
      %dma_start3A_71 = arith.constant 0 : i32
      %dma_start3A_72 = tpu.memref_slice %arg11[%mul3A_30, %dma_start3A_71] : memref<10240x128xf32, #tpu.memory_space<vmem_shared>> -> memref<640x128xf32, #tpu.memory_space<vmem_shared>>
      tpu.enqueue_dma source(%dma_start3A_72 : memref<640x128xf32, #tpu.memory_space<vmem_shared>>) target(%dma_start3A_70 : memref<640x128xf32, #tpu.memory_space<hbm>>) target_semaphore(%run_scoped3A_68 : memref<!tpu.dma_semaphore, #tpu.memory_space<semaphore_mem>>)
      %dma_wait3A = arith.constant 0 : i32
      %dma_wait3A_73 = tpu.memref_slice %arg6[%arg0, %run_scoped3A_33, %mul3A_32, %dma_wait3A] : memref<2x4x10240x128xf32, #tpu.memory_space<hbm>> -> memref<1x1x640x128xf32, #tpu.memory_space<hbm>>
      %dma_wait3A_74 = tpu.memref_squeeze %dma_wait3A_73 : memref<1x1x640x128xf32, #tpu.memory_space<hbm>> -> memref<640x128xf32, #tpu.memory_space<hbm>>
      %dma_wait3A_75 = arith.constant 0 : i32
      %dma_wait3A_76 = tpu.memref_slice %arg11[%mul3A_30, %dma_wait3A_75] : memref<10240x128xf32, #tpu.memory_space<vmem_shared>> -> memref<640x128xf32, #tpu.memory_space<vmem_shared>>
      tpu.wait_dma2 semaphore(%run_scoped3A_68 : memref<!tpu.dma_semaphore, #tpu.memory_space<semaphore_mem>>) src(%dma_wait3A_76 : memref<640x128xf32, #tpu.memory_space<vmem_shared>>) dst(%dma_wait3A_74 : memref<640x128xf32, #tpu.memory_space<hbm>>)
      tpu.yield
    }) : () -> ()
    %mul3A_34 = arith.constant 640 : i32
    %mul3A_35 = arith.muli %arg1, %mul3A_34 : i32
    %mul3A_36 = arith.constant 640 : i32
    %mul3A_37 = arith.muli %arg1, %mul3A_36 : i32
    "tpu.region"() ({
      %run_scoped3A_68 = tpu.sem_alloc : memref<!tpu.dma_semaphore, #tpu.memory_space<semaphore_mem>>
      %dma_start3A = arith.constant 0 : i32
      %dma_start3A_69 = tpu.memref_slice %arg11[%mul3A_37, %dma_start3A] : memref<10240x128xf32, #tpu.memory_space<vmem_shared>> -> memref<640x128xf32, #tpu.memory_space<vmem_shared>>
      %dma_start3A_70 = arith.constant 0 : i32
      %dma_start3A_71 = tpu.memref_slice %arg5[%mul3A_35, %dma_start3A_70] : memref<10240x128xf32, #tpu.memory_space<hbm>> -> memref<640x128xf32, #tpu.memory_space<hbm>>
      tpu.enqueue_dma source(%dma_start3A_71 : memref<640x128xf32, #tpu.memory_space<hbm>>) target(%dma_start3A_69 : memref<640x128xf32, #tpu.memory_space<vmem_shared>>) target_semaphore(%run_scoped3A_68 : memref<!tpu.dma_semaphore, #tpu.memory_space<semaphore_mem>>)
      %dma_wait3A = arith.constant 0 : i32
      %dma_wait3A_72 = tpu.memref_slice %arg11[%mul3A_37, %dma_wait3A] : memref<10240x128xf32, #tpu.memory_space<vmem_shared>> -> memref<640x128xf32, #tpu.memory_space<vmem_shared>>
      %dma_wait3A_73 = arith.constant 0 : i32
      %dma_wait3A_74 = tpu.memref_slice %arg5[%mul3A_35, %dma_wait3A_73] : memref<10240x128xf32, #tpu.memory_space<hbm>> -> memref<640x128xf32, #tpu.memory_space<hbm>>
      tpu.wait_dma2 semaphore(%run_scoped3A_68 : memref<!tpu.dma_semaphore, #tpu.memory_space<semaphore_mem>>) src(%dma_wait3A_74 : memref<640x128xf32, #tpu.memory_space<hbm>>) dst(%dma_wait3A_72 : memref<640x128xf32, #tpu.memory_space<vmem_shared>>)
      tpu.yield
    }) : () -> ()
    %barrier3A_38 = arith.constant 0 : index
    tpu.barrier barrier_id(%barrier3A_38)
    %scan3A_39 = arith.constant 0 : i32
    %scan3A_40 = arith.constant 0 : i32
    %scan3A_41 = arith.constant 125 : i32
    %scan3A_42 = arith.addi %scan3A_40, %scan3A_41 : i32
    %scan3A_43 = arith.constant 1 : i32
    scf.for %scan3A_68 = %scan3A_40 to %scan3A_42 step %scan3A_43  : i32 {
      %mul3A_69 = arith.constant 80 : i32
      %mul3A_70 = arith.muli %scan3A_68, %mul3A_69 : i32
      %add3A_71 = arith.addi %mul3A_2, %mul3A_70 : i32
      "tpu.region"() ({
        %run_scoped3A_124 = tpu.sem_alloc : memref<!tpu.dma_semaphore, #tpu.memory_space<semaphore_mem>>
        %dma_start3A_125 = tpu.memref_slice %arg3[%add3A_71] : memref<320000xi32, #tpu.memory_space<hbm>> -> memref<80xi32, #tpu.memory_space<hbm>>
        %dma_start3A_126 = tpu.memref_slice %arg3[%add3A_71] : memref<320000xi32, #tpu.memory_space<hbm>> -> memref<80xi32, #tpu.memory_space<hbm>>
        tpu.enqueue_dma source(%dma_start3A_126 : memref<80xi32, #tpu.memory_space<hbm>>) target(%arg7 : memref<80xi32, #tpu.memory_space<vmem>>) target_semaphore(%run_scoped3A_124 : memref<!tpu.dma_semaphore, #tpu.memory_space<semaphore_mem>>)
        %dma_wait3A_127 = tpu.memref_slice %arg3[%add3A_71] : memref<320000xi32, #tpu.memory_space<hbm>> -> memref<80xi32, #tpu.memory_space<hbm>>
        %dma_wait3A_128 = tpu.memref_slice %arg3[%add3A_71] : memref<320000xi32, #tpu.memory_space<hbm>> -> memref<80xi32, #tpu.memory_space<hbm>>
        tpu.wait_dma2 semaphore(%run_scoped3A_124 : memref<!tpu.dma_semaphore, #tpu.memory_space<semaphore_mem>>) src(%dma_wait3A_128 : memref<80xi32, #tpu.memory_space<hbm>>) dst(%arg7 : memref<80xi32, #tpu.memory_space<vmem>>)
        tpu.yield
      }) : () -> ()
      "tpu.region"() ({
        %run_scoped3A_124 = tpu.sem_alloc : memref<!tpu.dma_semaphore, #tpu.memory_space<semaphore_mem>>
        %dma_start3A_125 = tpu.memref_slice %arg4[%add3A_71] : memref<320000xi32, #tpu.memory_space<hbm>> -> memref<80xi32, #tpu.memory_space<hbm>>
        %dma_start3A_126 = tpu.memref_slice %arg4[%add3A_71] : memref<320000xi32, #tpu.memory_space<hbm>> -> memref<80xi32, #tpu.memory_space<hbm>>
        tpu.enqueue_dma source(%dma_start3A_126 : memref<80xi32, #tpu.memory_space<hbm>>) target(%arg9 : memref<80xi32, #tpu.memory_space<vmem>>) target_semaphore(%run_scoped3A_124 : memref<!tpu.dma_semaphore, #tpu.memory_space<semaphore_mem>>)
        %dma_wait3A_127 = tpu.memref_slice %arg4[%add3A_71] : memref<320000xi32, #tpu.memory_space<hbm>> -> memref<80xi32, #tpu.memory_space<hbm>>
        %dma_wait3A_128 = tpu.memref_slice %arg4[%add3A_71] : memref<320000xi32, #tpu.memory_space<hbm>> -> memref<80xi32, #tpu.memory_space<hbm>>
        tpu.wait_dma2 semaphore(%run_scoped3A_124 : memref<!tpu.dma_semaphore, #tpu.memory_space<semaphore_mem>>) src(%dma_wait3A_128 : memref<80xi32, #tpu.memory_space<hbm>>) dst(%arg9 : memref<80xi32, #tpu.memory_space<vmem>>)
        tpu.yield
      }) : () -> ()
      %get3A = arith.constant 0 : index
      %get3A_72 = tpu.vector_load %arg7[%get3A] {strides = array<i32>} : memref<80xi32, #tpu.memory_space<vmem>>, vector<16xi32>,
      %get3A_73 = vector.shape_cast %get3A_72 : vector<16xi32> to vector<16xi32>
      %add3A_74 = arith.constant 20000 : i32
      %add3A_75 = vector.broadcast %add3A_74 : i32 to vector<16xi32>
      %add3A_76 = arith.addi %get3A_73, %add3A_75 : vector<16xi32>
      %swap3A = arith.constant 0 : index
      %swap3A_77 = tpu.vector_load %arg8[%swap3A] {strides = array<i32>} : memref<80xi32, #tpu.memory_space<vmem>>, vector<16xi32>,
      %swap3A_78 = vector.shape_cast %swap3A_77 : vector<16xi32> to vector<16xi32>
      %swap3A_79 = vector.shape_cast %add3A_76 : vector<16xi32> to vector<16xi32>
      tpu.vector_store %arg8[%swap3A], %swap3A_79 {strides = array<i32>} : memref<80xi32, #tpu.memory_space<vmem>>, vector<16xi32>,
      %get3A_80 = arith.constant 16 : index
      %get3A_81 = tpu.vector_load %arg7[%get3A_80] {strides = array<i32>} : memref<80xi32, #tpu.memory_space<vmem>>, vector<16xi32>,
      %get3A_82 = vector.shape_cast %get3A_81 : vector<16xi32> to vector<16xi32>
      %add3A_83 = arith.constant 20000 : i32
      %add3A_84 = vector.broadcast %add3A_83 : i32 to vector<16xi32>
      %add3A_85 = arith.addi %get3A_82, %add3A_84 : vector<16xi32>
      %swap3A_86 = arith.constant 16 : index
      %swap3A_87 = tpu.vector_load %arg8[%swap3A_86] {strides = array<i32>} : memref<80xi32, #tpu.memory_space<vmem>>, vector<16xi32>,
      %swap3A_88 = vector.shape_cast %swap3A_87 : vector<16xi32> to vector<16xi32>
      %swap3A_89 = vector.shape_cast %add3A_85 : vector<16xi32> to vector<16xi32>
      tpu.vector_store %arg8[%swap3A_86], %swap3A_89 {strides = array<i32>} : memref<80xi32, #tpu.memory_space<vmem>>, vector<16xi32>,
      %get3A_90 = arith.constant 32 : index
      %get3A_91 = tpu.vector_load %arg7[%get3A_90] {strides = array<i32>} : memref<80xi32, #tpu.memory_space<vmem>>, vector<16xi32>,
      %get3A_92 = vector.shape_cast %get3A_91 : vector<16xi32> to vector<16xi32>
      %add3A_93 = arith.constant 20000 : i32
      %add3A_94 = vector.broadcast %add3A_93 : i32 to vector<16xi32>
      %add3A_95 = arith.addi %get3A_92, %add3A_94 : vector<16xi32>
      %swap3A_96 = arith.constant 32 : index
      %swap3A_97 = tpu.vector_load %arg8[%swap3A_96] {strides = array<i32>} : memref<80xi32, #tpu.memory_space<vmem>>, vector<16xi32>,
      %swap3A_98 = vector.shape_cast %swap3A_97 : vector<16xi32> to vector<16xi32>
      %swap3A_99 = vector.shape_cast %add3A_95 : vector<16xi32> to vector<16xi32>
      tpu.vector_store %arg8[%swap3A_96], %swap3A_99 {strides = array<i32>} : memref<80xi32, #tpu.memory_space<vmem>>, vector<16xi32>,
      %get3A_100 = arith.constant 48 : index
      %get3A_101 = tpu.vector_load %arg7[%get3A_100] {strides = array<i32>} : memref<80xi32, #tpu.memory_space<vmem>>, vector<16xi32>,
      %get3A_102 = vector.shape_cast %get3A_101 : vector<16xi32> to vector<16xi32>
      %add3A_103 = arith.constant 20000 : i32
      %add3A_104 = vector.broadcast %add3A_103 : i32 to vector<16xi32>
      %add3A_105 = arith.addi %get3A_102, %add3A_104 : vector<16xi32>
      %swap3A_106 = arith.constant 48 : index
      %swap3A_107 = tpu.vector_load %arg8[%swap3A_106] {strides = array<i32>} : memref<80xi32, #tpu.memory_space<vmem>>, vector<16xi32>,
      %swap3A_108 = vector.shape_cast %swap3A_107 : vector<16xi32> to vector<16xi32>
      %swap3A_109 = vector.shape_cast %add3A_105 : vector<16xi32> to vector<16xi32>
      tpu.vector_store %arg8[%swap3A_106], %swap3A_109 {strides = array<i32>} : memref<80xi32, #tpu.memory_space<vmem>>, vector<16xi32>,
      %get3A_110 = arith.constant 64 : index
      %get3A_111 = tpu.vector_load %arg7[%get3A_110] {strides = array<i32>} : memref<80xi32, #tpu.memory_space<vmem>>, vector<16xi32>,
      %get3A_112 = vector.shape_cast %get3A_111 : vector<16xi32> to vector<16xi32>
      %add3A_113 = arith.constant 20000 : i32
      %add3A_114 = vector.broadcast %add3A_113 : i32 to vector<16xi32>
      %add3A_115 = arith.addi %get3A_112, %add3A_114 : vector<16xi32>
      %swap3A_116 = arith.constant 64 : index
      %swap3A_117 = tpu.vector_load %arg8[%swap3A_116] {strides = array<i32>} : memref<80xi32, #tpu.memory_space<vmem>>, vector<16xi32>,
      %swap3A_118 = vector.shape_cast %swap3A_117 : vector<16xi32> to vector<16xi32>
      %swap3A_119 = vector.shape_cast %add3A_115 : vector<16xi32> to vector<16xi32>
      tpu.vector_store %arg8[%swap3A_116], %swap3A_119 {strides = array<i32>} : memref<80xi32, #tpu.memory_space<vmem>>, vector<16xi32>,
      %dma_start3A = arith.constant 0 : i32
      %dma_start3A_120 = arith.constant 0 : i32
      %dma_start3A_121 = tpu.memref_slice %arg2[%dma_start3A, %dma_start3A_120] : memref<40000x128xf32, #tpu.memory_space<hbm>> -> memref<40000x128xf32, #tpu.memory_space<hbm>>
      tpu.enqueue_indirect_dma source(%dma_start3A_121 : memref<40000x128xf32, #tpu.memory_space<hbm>>) target(%arg10 : memref<80x128xf32, #tpu.memory_space<vmem>>) offsets(%arg8 : memref<80xi32, #tpu.memory_space<vmem>>) semaphore(%arg12 : memref<!tpu.dma_semaphore, #tpu.memory_space<semaphore_mem>>)
      %dma_wait3A = arith.constant 0 : i32
      %dma_wait3A_122 = arith.constant 0 : i32
      %dma_wait3A_123 = tpu.memref_slice %arg2[%dma_wait3A, %dma_wait3A_122] : memref<40000x128xf32, #tpu.memory_space<hbm>> -> memref<40000x128xf32, #tpu.memory_space<hbm>>
      tpu.wait_indirect_dma semaphore(%arg12 : memref<!tpu.dma_semaphore, #tpu.memory_space<semaphore_mem>>) src(%dma_wait3A_123 : memref<40000x128xf32, #tpu.memory_space<hbm>>) dst(%arg10 : memref<80x128xf32, #tpu.memory_space<vmem>>)
      "tpu.region"() ({
        %run_scoped3A_124 = tpu.sem_alloc : memref<!tpu.dma_semaphore, #tpu.memory_space<semaphore_mem>>
        %dma_start3A_125 = arith.constant 0 : i32
        %dma_start3A_126 = arith.constant 0 : i32
        %dma_start3A_127 = tpu.memref_slice %arg11[%dma_start3A_125, %dma_start3A_126] : memref<10240x128xf32, #tpu.memory_space<vmem_shared>> -> memref<10240x128xf32, #tpu.memory_space<vmem_shared>>
        tpu.enqueue_indirect_dma source(%arg10 : memref<80x128xf32, #tpu.memory_space<vmem>>) target(%dma_start3A_127 : memref<10240x128xf32, #tpu.memory_space<vmem_shared>>) offsets(%arg9 : memref<80xi32, #tpu.memory_space<vmem>>) semaphore(%run_scoped3A_124 : memref<!tpu.dma_semaphore, #tpu.memory_space<semaphore_mem>>) {add = true}
        %dma_wait3A_128 = arith.constant 0 : i32
        %dma_wait3A_129 = arith.constant 0 : i32
        %dma_wait3A_130 = tpu.memref_slice %arg11[%dma_wait3A_128, %dma_wait3A_129] : memref<10240x128xf32, #tpu.memory_space<vmem_shared>> -> memref<10240x128xf32, #tpu.memory_space<vmem_shared>>
        tpu.wait_indirect_dma semaphore(%run_scoped3A_124 : memref<!tpu.dma_semaphore, #tpu.memory_space<semaphore_mem>>) src(%arg10 : memref<80x128xf32, #tpu.memory_space<vmem>>) dst(%dma_wait3A_130 : memref<10240x128xf32, #tpu.memory_space<vmem_shared>>)
        tpu.yield
      }) : () -> ()
    }
    %scan3A_44 = arith.constant 125 : i32
    %barrier3A_45 = arith.constant 0 : index
    tpu.barrier barrier_id(%barrier3A_45)
    %mul3A_46 = arith.constant 640 : i32
    %mul3A_47 = arith.muli %arg1, %mul3A_46 : i32
    %mul3A_48 = arith.constant 640 : i32
    %mul3A_49 = arith.muli %arg1, %mul3A_48 : i32
    %run_scoped3A_50 = arith.constant 2 : i32
    "tpu.region"() ({
      %run_scoped3A_68 = tpu.sem_alloc : memref<!tpu.dma_semaphore, #tpu.memory_space<semaphore_mem>>
      %dma_start3A = arith.constant 0 : i32
      %dma_start3A_69 = tpu.memref_slice %arg6[%arg0, %run_scoped3A_50, %mul3A_49, %dma_start3A] : memref<2x4x10240x128xf32, #tpu.memory_space<hbm>> -> memref<1x1x640x128xf32, #tpu.memory_space<hbm>>
      %dma_start3A_70 = tpu.memref_squeeze %dma_start3A_69 : memref<1x1x640x128xf32, #tpu.memory_space<hbm>> -> memref<640x128xf32, #tpu.memory_space<hbm>>
      %dma_start3A_71 = arith.constant 0 : i32
      %dma_start3A_72 = tpu.memref_slice %arg11[%mul3A_47, %dma_start3A_71] : memref<10240x128xf32, #tpu.memory_space<vmem_shared>> -> memref<640x128xf32, #tpu.memory_space<vmem_shared>>
      tpu.enqueue_dma source(%dma_start3A_72 : memref<640x128xf32, #tpu.memory_space<vmem_shared>>) target(%dma_start3A_70 : memref<640x128xf32, #tpu.memory_space<hbm>>) target_semaphore(%run_scoped3A_68 : memref<!tpu.dma_semaphore, #tpu.memory_space<semaphore_mem>>)
      %dma_wait3A = arith.constant 0 : i32
      %dma_wait3A_73 = tpu.memref_slice %arg6[%arg0, %run_scoped3A_50, %mul3A_49, %dma_wait3A] : memref<2x4x10240x128xf32, #tpu.memory_space<hbm>> -> memref<1x1x640x128xf32, #tpu.memory_space<hbm>>
      %dma_wait3A_74 = tpu.memref_squeeze %dma_wait3A_73 : memref<1x1x640x128xf32, #tpu.memory_space<hbm>> -> memref<640x128xf32, #tpu.memory_space<hbm>>
      %dma_wait3A_75 = arith.constant 0 : i32
      %dma_wait3A_76 = tpu.memref_slice %arg11[%mul3A_47, %dma_wait3A_75] : memref<10240x128xf32, #tpu.memory_space<vmem_shared>> -> memref<640x128xf32, #tpu.memory_space<vmem_shared>>
      tpu.wait_dma2 semaphore(%run_scoped3A_68 : memref<!tpu.dma_semaphore, #tpu.memory_space<semaphore_mem>>) src(%dma_wait3A_76 : memref<640x128xf32, #tpu.memory_space<vmem_shared>>) dst(%dma_wait3A_74 : memref<640x128xf32, #tpu.memory_space<hbm>>)
      tpu.yield
    }) : () -> ()
    %mul3A_51 = arith.constant 640 : i32
    %mul3A_52 = arith.muli %arg1, %mul3A_51 : i32
    %mul3A_53 = arith.constant 640 : i32
    %mul3A_54 = arith.muli %arg1, %mul3A_53 : i32
    "tpu.region"() ({
      %run_scoped3A_68 = tpu.sem_alloc : memref<!tpu.dma_semaphore, #tpu.memory_space<semaphore_mem>>
      %dma_start3A = arith.constant 0 : i32
      %dma_start3A_69 = tpu.memref_slice %arg11[%mul3A_54, %dma_start3A] : memref<10240x128xf32, #tpu.memory_space<vmem_shared>> -> memref<640x128xf32, #tpu.memory_space<vmem_shared>>
      %dma_start3A_70 = arith.constant 0 : i32
      %dma_start3A_71 = tpu.memref_slice %arg5[%mul3A_52, %dma_start3A_70] : memref<10240x128xf32, #tpu.memory_space<hbm>> -> memref<640x128xf32, #tpu.memory_space<hbm>>
      tpu.enqueue_dma source(%dma_start3A_71 : memref<640x128xf32, #tpu.memory_space<hbm>>) target(%dma_start3A_69 : memref<640x128xf32, #tpu.memory_space<vmem_shared>>) target_semaphore(%run_scoped3A_68 : memref<!tpu.dma_semaphore, #tpu.memory_space<semaphore_mem>>)
      %dma_wait3A = arith.constant 0 : i32
      %dma_wait3A_72 = tpu.memref_slice %arg11[%mul3A_54, %dma_wait3A] : memref<10240x128xf32, #tpu.memory_space<vmem_shared>> -> memref<640x128xf32, #tpu.memory_space<vmem_shared>>
      %dma_wait3A_73 = arith.constant 0 : i32
      %dma_wait3A_74 = tpu.memref_slice %arg5[%mul3A_52, %dma_wait3A_73] : memref<10240x128xf32, #tpu.memory_space<hbm>> -> memref<640x128xf32, #tpu.memory_space<hbm>>
      tpu.wait_dma2 semaphore(%run_scoped3A_68 : memref<!tpu.dma_semaphore, #tpu.memory_space<semaphore_mem>>) src(%dma_wait3A_74 : memref<640x128xf32, #tpu.memory_space<hbm>>) dst(%dma_wait3A_72 : memref<640x128xf32, #tpu.memory_space<vmem_shared>>)
      tpu.yield
    }) : () -> ()
    %barrier3A_55 = arith.constant 0 : index
    tpu.barrier barrier_id(%barrier3A_55)
    %scan3A_56 = arith.constant 0 : i32
    %scan3A_57 = arith.constant 0 : i32
    %scan3A_58 = arith.constant 125 : i32
    %scan3A_59 = arith.addi %scan3A_57, %scan3A_58 : i32
    %scan3A_60 = arith.constant 1 : i32
    scf.for %scan3A_68 = %scan3A_57 to %scan3A_59 step %scan3A_60  : i32 {
      %mul3A_69 = arith.constant 80 : i32
      %mul3A_70 = arith.muli %scan3A_68, %mul3A_69 : i32
      %add3A_71 = arith.addi %mul3A_2, %mul3A_70 : i32
      "tpu.region"() ({
        %run_scoped3A_124 = tpu.sem_alloc : memref<!tpu.dma_semaphore, #tpu.memory_space<semaphore_mem>>
        %dma_start3A_125 = tpu.memref_slice %arg3[%add3A_71] : memref<320000xi32, #tpu.memory_space<hbm>> -> memref<80xi32, #tpu.memory_space<hbm>>
        %dma_start3A_126 = tpu.memref_slice %arg3[%add3A_71] : memref<320000xi32, #tpu.memory_space<hbm>> -> memref<80xi32, #tpu.memory_space<hbm>>
        tpu.enqueue_dma source(%dma_start3A_126 : memref<80xi32, #tpu.memory_space<hbm>>) target(%arg7 : memref<80xi32, #tpu.memory_space<vmem>>) target_semaphore(%run_scoped3A_124 : memref<!tpu.dma_semaphore, #tpu.memory_space<semaphore_mem>>)
        %dma_wait3A_127 = tpu.memref_slice %arg3[%add3A_71] : memref<320000xi32, #tpu.memory_space<hbm>> -> memref<80xi32, #tpu.memory_space<hbm>>
        %dma_wait3A_128 = tpu.memref_slice %arg3[%add3A_71] : memref<320000xi32, #tpu.memory_space<hbm>> -> memref<80xi32, #tpu.memory_space<hbm>>
        tpu.wait_dma2 semaphore(%run_scoped3A_124 : memref<!tpu.dma_semaphore, #tpu.memory_space<semaphore_mem>>) src(%dma_wait3A_128 : memref<80xi32, #tpu.memory_space<hbm>>) dst(%arg7 : memref<80xi32, #tpu.memory_space<vmem>>)
        tpu.yield
      }) : () -> ()
      "tpu.region"() ({
        %run_scoped3A_124 = tpu.sem_alloc : memref<!tpu.dma_semaphore, #tpu.memory_space<semaphore_mem>>
        %dma_start3A_125 = tpu.memref_slice %arg4[%add3A_71] : memref<320000xi32, #tpu.memory_space<hbm>> -> memref<80xi32, #tpu.memory_space<hbm>>
        %dma_start3A_126 = tpu.memref_slice %arg4[%add3A_71] : memref<320000xi32, #tpu.memory_space<hbm>> -> memref<80xi32, #tpu.memory_space<hbm>>
        tpu.enqueue_dma source(%dma_start3A_126 : memref<80xi32, #tpu.memory_space<hbm>>) target(%arg9 : memref<80xi32, #tpu.memory_space<vmem>>) target_semaphore(%run_scoped3A_124 : memref<!tpu.dma_semaphore, #tpu.memory_space<semaphore_mem>>)
        %dma_wait3A_127 = tpu.memref_slice %arg4[%add3A_71] : memref<320000xi32, #tpu.memory_space<hbm>> -> memref<80xi32, #tpu.memory_space<hbm>>
        %dma_wait3A_128 = tpu.memref_slice %arg4[%add3A_71] : memref<320000xi32, #tpu.memory_space<hbm>> -> memref<80xi32, #tpu.memory_space<hbm>>
        tpu.wait_dma2 semaphore(%run_scoped3A_124 : memref<!tpu.dma_semaphore, #tpu.memory_space<semaphore_mem>>) src(%dma_wait3A_128 : memref<80xi32, #tpu.memory_space<hbm>>) dst(%arg9 : memref<80xi32, #tpu.memory_space<vmem>>)
        tpu.yield
      }) : () -> ()
      %get3A = arith.constant 0 : index
      %get3A_72 = tpu.vector_load %arg7[%get3A] {strides = array<i32>} : memref<80xi32, #tpu.memory_space<vmem>>, vector<16xi32>,
      %get3A_73 = vector.shape_cast %get3A_72 : vector<16xi32> to vector<16xi32>
      %add3A_74 = arith.constant 30000 : i32
      %add3A_75 = vector.broadcast %add3A_74 : i32 to vector<16xi32>
      %add3A_76 = arith.addi %get3A_73, %add3A_75 : vector<16xi32>
      %swap3A = arith.constant 0 : index
      %swap3A_77 = tpu.vector_load %arg8[%swap3A] {strides = array<i32>} : memref<80xi32, #tpu.memory_space<vmem>>, vector<16xi32>,
      %swap3A_78 = vector.shape_cast %swap3A_77 : vector<16xi32> to vector<16xi32>
      %swap3A_79 = vector.shape_cast %add3A_76 : vector<16xi32> to vector<16xi32>
      tpu.vector_store %arg8[%swap3A], %swap3A_79 {strides = array<i32>} : memref<80xi32, #tpu.memory_space<vmem>>, vector<16xi32>,
      %get3A_80 = arith.constant 16 : index
      %get3A_81 = tpu.vector_load %arg7[%get3A_80] {strides = array<i32>} : memref<80xi32, #tpu.memory_space<vmem>>, vector<16xi32>,
      %get3A_82 = vector.shape_cast %get3A_81 : vector<16xi32> to vector<16xi32>
      %add3A_83 = arith.constant 30000 : i32
      %add3A_84 = vector.broadcast %add3A_83 : i32 to vector<16xi32>
      %add3A_85 = arith.addi %get3A_82, %add3A_84 : vector<16xi32>
      %swap3A_86 = arith.constant 16 : index
      %swap3A_87 = tpu.vector_load %arg8[%swap3A_86] {strides = array<i32>} : memref<80xi32, #tpu.memory_space<vmem>>, vector<16xi32>,
      %swap3A_88 = vector.shape_cast %swap3A_87 : vector<16xi32> to vector<16xi32>
      %swap3A_89 = vector.shape_cast %add3A_85 : vector<16xi32> to vector<16xi32>
      tpu.vector_store %arg8[%swap3A_86], %swap3A_89 {strides = array<i32>} : memref<80xi32, #tpu.memory_space<vmem>>, vector<16xi32>,
      %get3A_90 = arith.constant 32 : index
      %get3A_91 = tpu.vector_load %arg7[%get3A_90] {strides = array<i32>} : memref<80xi32, #tpu.memory_space<vmem>>, vector<16xi32>,
      %get3A_92 = vector.shape_cast %get3A_91 : vector<16xi32> to vector<16xi32>
      %add3A_93 = arith.constant 30000 : i32
      %add3A_94 = vector.broadcast %add3A_93 : i32 to vector<16xi32>
      %add3A_95 = arith.addi %get3A_92, %add3A_94 : vector<16xi32>
      %swap3A_96 = arith.constant 32 : index
      %swap3A_97 = tpu.vector_load %arg8[%swap3A_96] {strides = array<i32>} : memref<80xi32, #tpu.memory_space<vmem>>, vector<16xi32>,
      %swap3A_98 = vector.shape_cast %swap3A_97 : vector<16xi32> to vector<16xi32>
      %swap3A_99 = vector.shape_cast %add3A_95 : vector<16xi32> to vector<16xi32>
      tpu.vector_store %arg8[%swap3A_96], %swap3A_99 {strides = array<i32>} : memref<80xi32, #tpu.memory_space<vmem>>, vector<16xi32>,
      %get3A_100 = arith.constant 48 : index
      %get3A_101 = tpu.vector_load %arg7[%get3A_100] {strides = array<i32>} : memref<80xi32, #tpu.memory_space<vmem>>, vector<16xi32>,
      %get3A_102 = vector.shape_cast %get3A_101 : vector<16xi32> to vector<16xi32>
      %add3A_103 = arith.constant 30000 : i32
      %add3A_104 = vector.broadcast %add3A_103 : i32 to vector<16xi32>
      %add3A_105 = arith.addi %get3A_102, %add3A_104 : vector<16xi32>
      %swap3A_106 = arith.constant 48 : index
      %swap3A_107 = tpu.vector_load %arg8[%swap3A_106] {strides = array<i32>} : memref<80xi32, #tpu.memory_space<vmem>>, vector<16xi32>,
      %swap3A_108 = vector.shape_cast %swap3A_107 : vector<16xi32> to vector<16xi32>
      %swap3A_109 = vector.shape_cast %add3A_105 : vector<16xi32> to vector<16xi32>
      tpu.vector_store %arg8[%swap3A_106], %swap3A_109 {strides = array<i32>} : memref<80xi32, #tpu.memory_space<vmem>>, vector<16xi32>,
      %get3A_110 = arith.constant 64 : index
      %get3A_111 = tpu.vector_load %arg7[%get3A_110] {strides = array<i32>} : memref<80xi32, #tpu.memory_space<vmem>>, vector<16xi32>,
      %get3A_112 = vector.shape_cast %get3A_111 : vector<16xi32> to vector<16xi32>
      %add3A_113 = arith.constant 30000 : i32
      %add3A_114 = vector.broadcast %add3A_113 : i32 to vector<16xi32>
      %add3A_115 = arith.addi %get3A_112, %add3A_114 : vector<16xi32>
      %swap3A_116 = arith.constant 64 : index
      %swap3A_117 = tpu.vector_load %arg8[%swap3A_116] {strides = array<i32>} : memref<80xi32, #tpu.memory_space<vmem>>, vector<16xi32>,
      %swap3A_118 = vector.shape_cast %swap3A_117 : vector<16xi32> to vector<16xi32>
      %swap3A_119 = vector.shape_cast %add3A_115 : vector<16xi32> to vector<16xi32>
      tpu.vector_store %arg8[%swap3A_116], %swap3A_119 {strides = array<i32>} : memref<80xi32, #tpu.memory_space<vmem>>, vector<16xi32>,
      %dma_start3A = arith.constant 0 : i32
      %dma_start3A_120 = arith.constant 0 : i32
      %dma_start3A_121 = tpu.memref_slice %arg2[%dma_start3A, %dma_start3A_120] : memref<40000x128xf32, #tpu.memory_space<hbm>> -> memref<40000x128xf32, #tpu.memory_space<hbm>>
      tpu.enqueue_indirect_dma source(%dma_start3A_121 : memref<40000x128xf32, #tpu.memory_space<hbm>>) target(%arg10 : memref<80x128xf32, #tpu.memory_space<vmem>>) offsets(%arg8 : memref<80xi32, #tpu.memory_space<vmem>>) semaphore(%arg12 : memref<!tpu.dma_semaphore, #tpu.memory_space<semaphore_mem>>)
      %dma_wait3A = arith.constant 0 : i32
      %dma_wait3A_122 = arith.constant 0 : i32
      %dma_wait3A_123 = tpu.memref_slice %arg2[%dma_wait3A, %dma_wait3A_122] : memref<40000x128xf32, #tpu.memory_space<hbm>> -> memref<40000x128xf32, #tpu.memory_space<hbm>>
      tpu.wait_indirect_dma semaphore(%arg12 : memref<!tpu.dma_semaphore, #tpu.memory_space<semaphore_mem>>) src(%dma_wait3A_123 : memref<40000x128xf32, #tpu.memory_space<hbm>>) dst(%arg10 : memref<80x128xf32, #tpu.memory_space<vmem>>)
      "tpu.region"() ({
        %run_scoped3A_124 = tpu.sem_alloc : memref<!tpu.dma_semaphore, #tpu.memory_space<semaphore_mem>>
        %dma_start3A_125 = arith.constant 0 : i32
        %dma_start3A_126 = arith.constant 0 : i32
        %dma_start3A_127 = tpu.memref_slice %arg11[%dma_start3A_125, %dma_start3A_126] : memref<10240x128xf32, #tpu.memory_space<vmem_shared>> -> memref<10240x128xf32, #tpu.memory_space<vmem_shared>>
        tpu.enqueue_indirect_dma source(%arg10 : memref<80x128xf32, #tpu.memory_space<vmem>>) target(%dma_start3A_127 : memref<10240x128xf32, #tpu.memory_space<vmem_shared>>) offsets(%arg9 : memref<80xi32, #tpu.memory_space<vmem>>) semaphore(%run_scoped3A_124 : memref<!tpu.dma_semaphore, #tpu.memory_space<semaphore_mem>>) {add = true}
        %dma_wait3A_128 = arith.constant 0 : i32
        %dma_wait3A_129 = arith.constant 0 : i32
        %dma_wait3A_130 = tpu.memref_slice %arg11[%dma_wait3A_128, %dma_wait3A_129] : memref<10240x128xf32, #tpu.memory_space<vmem_shared>> -> memref<10240x128xf32, #tpu.memory_space<vmem_shared>>
        tpu.wait_indirect_dma semaphore(%run_scoped3A_124 : memref<!tpu.dma_semaphore, #tpu.memory_space<semaphore_mem>>) src(%arg10 : memref<80x128xf32, #tpu.memory_space<vmem>>) dst(%dma_wait3A_130 : memref<10240x128xf32, #tpu.memory_space<vmem_shared>>)
        tpu.yield
      }) : () -> ()
    }
    %scan3A_61 = arith.constant 125 : i32
    %barrier3A_62 = arith.constant 0 : index
    tpu.barrier barrier_id(%barrier3A_62)
    %mul3A_63 = arith.constant 640 : i32
    %mul3A_64 = arith.muli %arg1, %mul3A_63 : i32
    %mul3A_65 = arith.constant 640 : i32
    %mul3A_66 = arith.muli %arg1, %mul3A_65 : i32
    %run_scoped3A_67 = arith.constant 3 : i32
    "tpu.region"() ({
      %run_scoped3A_68 = tpu.sem_alloc : memref<!tpu.dma_semaphore, #tpu.memory_space<semaphore_mem>>
      %dma_start3A = arith.constant 0 : i32
      %dma_start3A_69 = tpu.memref_slice %arg6[%arg0, %run_scoped3A_67, %mul3A_66, %dma_start3A] : memref<2x4x10240x128xf32, #tpu.memory_space<hbm>> -> memref<1x1x640x128xf32, #tpu.memory_space<hbm>>
      %dma_start3A_70 = tpu.memref_squeeze %dma_start3A_69 : memref<1x1x640x128xf32, #tpu.memory_space<hbm>> -> memref<640x128xf32, #tpu.memory_space<hbm>>
      %dma_start3A_71 = arith.constant 0 : i32
      %dma_start3A_72 = tpu.memref_slice %arg11[%mul3A_64, %dma_start3A_71] : memref<10240x128xf32, #tpu.memory_space<vmem_shared>> -> memref<640x128xf32, #tpu.memory_space<vmem_shared>>
      tpu.enqueue_dma source(%dma_start3A_72 : memref<640x128xf32, #tpu.memory_space<vmem_shared>>) target(%dma_start3A_70 : memref<640x128xf32, #tpu.memory_space<hbm>>) target_semaphore(%run_scoped3A_68 : memref<!tpu.dma_semaphore, #tpu.memory_space<semaphore_mem>>)
      %dma_wait3A = arith.constant 0 : i32
      %dma_wait3A_73 = tpu.memref_slice %arg6[%arg0, %run_scoped3A_67, %mul3A_66, %dma_wait3A] : memref<2x4x10240x128xf32, #tpu.memory_space<hbm>> -> memref<1x1x640x128xf32, #tpu.memory_space<hbm>>
      %dma_wait3A_74 = tpu.memref_squeeze %dma_wait3A_73 : memref<1x1x640x128xf32, #tpu.memory_space<hbm>> -> memref<640x128xf32, #tpu.memory_space<hbm>>
      %dma_wait3A_75 = arith.constant 0 : i32
      %dma_wait3A_76 = tpu.memref_slice %arg11[%mul3A_64, %dma_wait3A_75] : memref<10240x128xf32, #tpu.memory_space<vmem_shared>> -> memref<640x128xf32, #tpu.memory_space<vmem_shared>>
      tpu.wait_dma2 semaphore(%run_scoped3A_68 : memref<!tpu.dma_semaphore, #tpu.memory_space<semaphore_mem>>) src(%dma_wait3A_76 : memref<640x128xf32, #tpu.memory_space<vmem_shared>>) dst(%dma_wait3A_74 : memref<640x128xf32, #tpu.memory_space<hbm>>)
      tpu.yield
    }) : () -> ()
    return
  }
}

#map = affine_map<(d0, d1) -> (0, 0)>
#map1 = affine_map<(d0, d1) -> (0)>
#map2 = affine_map<(d0, d1) -> (0, 0, 0, 0)>
module attributes {stable_mosaic.version = 14 : i64} {
  func.func @agg_k(%arg0: i32, %arg1: i32, %arg2: memref<10000x128xf32, #tpu.memory_space<hbm>>, %arg3: memref<320000xi32, #tpu.memory_space<hbm>>, %arg4: memref<320000xi32, #tpu.memory_space<hbm>>, %arg5: memref<10240x128xf32, #tpu.memory_space<hbm>>, %arg6: memref<2x1x10240x128xf32, #tpu.memory_space<hbm>>, %arg7: memref<80xi32, #tpu.memory_space<vmem>>, %arg8: memref<80xi32, #tpu.memory_space<vmem>>, %arg9: memref<80xi32, #tpu.memory_space<vmem>>, %arg10: memref<80x128xf32, #tpu.memory_space<vmem>>, %arg11: memref<10240x128xf32, #tpu.memory_space<vmem_shared>>, %arg12: memref<!tpu.dma_semaphore, #tpu.memory_space<semaphore_mem>>) attributes {dimension_semantics = [#tpu.dimension_semantics<core_parallel>, #tpu.dimension_semantics<subcore_parallel>], iteration_bounds = array<i64: 2, 16>, scalar_prefetch = 0 : i64, scratch_operands = 6 : i64, tpu.core_type = #tpu.core_type<sc_vector_subcore>, window_params = [{transform_indices = #map}, {transform_indices = #map1}, {transform_indices = #map1}, {transform_indices = #map}, {transform_indices = #map2}]} {
    %mul3A = arith.constant 2 : i32
    %mul3A_0 = arith.muli %arg1, %mul3A : i32
    %add3A = arith.addi %mul3A_0, %arg0 : i32
    %mul3A_1 = arith.constant 10000 : i32
    %mul3A_2 = arith.muli %add3A, %mul3A_1 : i32
    %mul3A_3 = arith.constant 640 : i32
    %mul3A_4 = arith.muli %arg1, %mul3A_3 : i32
    %mul3A_5 = arith.constant 640 : i32
    %mul3A_6 = arith.muli %arg1, %mul3A_5 : i32
    "tpu.region"() ({
      %run_scoped3A_17 = tpu.sem_alloc : memref<!tpu.dma_semaphore, #tpu.memory_space<semaphore_mem>>
      %dma_start3A = arith.constant 0 : i32
      %dma_start3A_18 = tpu.memref_slice %arg11[%mul3A_6, %dma_start3A] : memref<10240x128xf32, #tpu.memory_space<vmem_shared>> -> memref<640x128xf32, #tpu.memory_space<vmem_shared>>
      %dma_start3A_19 = arith.constant 0 : i32
      %dma_start3A_20 = tpu.memref_slice %arg5[%mul3A_4, %dma_start3A_19] : memref<10240x128xf32, #tpu.memory_space<hbm>> -> memref<640x128xf32, #tpu.memory_space<hbm>>
      tpu.enqueue_dma source(%dma_start3A_20 : memref<640x128xf32, #tpu.memory_space<hbm>>) target(%dma_start3A_18 : memref<640x128xf32, #tpu.memory_space<vmem_shared>>) target_semaphore(%run_scoped3A_17 : memref<!tpu.dma_semaphore, #tpu.memory_space<semaphore_mem>>)
      %dma_wait3A = arith.constant 0 : i32
      %dma_wait3A_21 = tpu.memref_slice %arg11[%mul3A_6, %dma_wait3A] : memref<10240x128xf32, #tpu.memory_space<vmem_shared>> -> memref<640x128xf32, #tpu.memory_space<vmem_shared>>
      %dma_wait3A_22 = arith.constant 0 : i32
      %dma_wait3A_23 = tpu.memref_slice %arg5[%mul3A_4, %dma_wait3A_22] : memref<10240x128xf32, #tpu.memory_space<hbm>> -> memref<640x128xf32, #tpu.memory_space<hbm>>
      tpu.wait_dma2 semaphore(%run_scoped3A_17 : memref<!tpu.dma_semaphore, #tpu.memory_space<semaphore_mem>>) src(%dma_wait3A_23 : memref<640x128xf32, #tpu.memory_space<hbm>>) dst(%dma_wait3A_21 : memref<640x128xf32, #tpu.memory_space<vmem_shared>>)
      tpu.yield
    }) : () -> ()
    %barrier3A = arith.constant 0 : index
    tpu.barrier barrier_id(%barrier3A)
    %scan3A = arith.constant 0 : i32
    %scan3A_7 = arith.constant 0 : i32
    %scan3A_8 = arith.constant 125 : i32
    %scan3A_9 = arith.addi %scan3A_7, %scan3A_8 : i32
    %scan3A_10 = arith.constant 1 : i32
    scf.for %scan3A_17 = %scan3A_7 to %scan3A_9 step %scan3A_10  : i32 {
      %mul3A_18 = arith.constant 80 : i32
      %mul3A_19 = arith.muli %scan3A_17, %mul3A_18 : i32
      %add3A_20 = arith.addi %mul3A_2, %mul3A_19 : i32
      "tpu.region"() ({
        %run_scoped3A_25 = tpu.sem_alloc : memref<!tpu.dma_semaphore, #tpu.memory_space<semaphore_mem>>
        %dma_start3A_26 = tpu.memref_slice %arg3[%add3A_20] : memref<320000xi32, #tpu.memory_space<hbm>> -> memref<80xi32, #tpu.memory_space<hbm>>
        %dma_start3A_27 = tpu.memref_slice %arg3[%add3A_20] : memref<320000xi32, #tpu.memory_space<hbm>> -> memref<80xi32, #tpu.memory_space<hbm>>
        tpu.enqueue_dma source(%dma_start3A_27 : memref<80xi32, #tpu.memory_space<hbm>>) target(%arg7 : memref<80xi32, #tpu.memory_space<vmem>>) target_semaphore(%run_scoped3A_25 : memref<!tpu.dma_semaphore, #tpu.memory_space<semaphore_mem>>)
        %dma_wait3A_28 = tpu.memref_slice %arg3[%add3A_20] : memref<320000xi32, #tpu.memory_space<hbm>> -> memref<80xi32, #tpu.memory_space<hbm>>
        %dma_wait3A_29 = tpu.memref_slice %arg3[%add3A_20] : memref<320000xi32, #tpu.memory_space<hbm>> -> memref<80xi32, #tpu.memory_space<hbm>>
        tpu.wait_dma2 semaphore(%run_scoped3A_25 : memref<!tpu.dma_semaphore, #tpu.memory_space<semaphore_mem>>) src(%dma_wait3A_29 : memref<80xi32, #tpu.memory_space<hbm>>) dst(%arg7 : memref<80xi32, #tpu.memory_space<vmem>>)
        tpu.yield
      }) : () -> ()
      "tpu.region"() ({
        %run_scoped3A_25 = tpu.sem_alloc : memref<!tpu.dma_semaphore, #tpu.memory_space<semaphore_mem>>
        %dma_start3A_26 = tpu.memref_slice %arg4[%add3A_20] : memref<320000xi32, #tpu.memory_space<hbm>> -> memref<80xi32, #tpu.memory_space<hbm>>
        %dma_start3A_27 = tpu.memref_slice %arg4[%add3A_20] : memref<320000xi32, #tpu.memory_space<hbm>> -> memref<80xi32, #tpu.memory_space<hbm>>
        tpu.enqueue_dma source(%dma_start3A_27 : memref<80xi32, #tpu.memory_space<hbm>>) target(%arg9 : memref<80xi32, #tpu.memory_space<vmem>>) target_semaphore(%run_scoped3A_25 : memref<!tpu.dma_semaphore, #tpu.memory_space<semaphore_mem>>)
        %dma_wait3A_28 = tpu.memref_slice %arg4[%add3A_20] : memref<320000xi32, #tpu.memory_space<hbm>> -> memref<80xi32, #tpu.memory_space<hbm>>
        %dma_wait3A_29 = tpu.memref_slice %arg4[%add3A_20] : memref<320000xi32, #tpu.memory_space<hbm>> -> memref<80xi32, #tpu.memory_space<hbm>>
        tpu.wait_dma2 semaphore(%run_scoped3A_25 : memref<!tpu.dma_semaphore, #tpu.memory_space<semaphore_mem>>) src(%dma_wait3A_29 : memref<80xi32, #tpu.memory_space<hbm>>) dst(%arg9 : memref<80xi32, #tpu.memory_space<vmem>>)
        tpu.yield
      }) : () -> ()
      %dma_start3A = arith.constant 0 : i32
      %dma_start3A_21 = arith.constant 0 : i32
      %dma_start3A_22 = tpu.memref_slice %arg2[%dma_start3A, %dma_start3A_21] : memref<10000x128xf32, #tpu.memory_space<hbm>> -> memref<10000x128xf32, #tpu.memory_space<hbm>>
      tpu.enqueue_indirect_dma source(%dma_start3A_22 : memref<10000x128xf32, #tpu.memory_space<hbm>>) target(%arg10 : memref<80x128xf32, #tpu.memory_space<vmem>>) offsets(%arg7 : memref<80xi32, #tpu.memory_space<vmem>>) semaphore(%arg12 : memref<!tpu.dma_semaphore, #tpu.memory_space<semaphore_mem>>)
      %dma_wait3A = arith.constant 0 : i32
      %dma_wait3A_23 = arith.constant 0 : i32
      %dma_wait3A_24 = tpu.memref_slice %arg2[%dma_wait3A, %dma_wait3A_23] : memref<10000x128xf32, #tpu.memory_space<hbm>> -> memref<10000x128xf32, #tpu.memory_space<hbm>>
      tpu.wait_indirect_dma semaphore(%arg12 : memref<!tpu.dma_semaphore, #tpu.memory_space<semaphore_mem>>) src(%dma_wait3A_24 : memref<10000x128xf32, #tpu.memory_space<hbm>>) dst(%arg10 : memref<80x128xf32, #tpu.memory_space<vmem>>)
      "tpu.region"() ({
        %run_scoped3A_25 = tpu.sem_alloc : memref<!tpu.dma_semaphore, #tpu.memory_space<semaphore_mem>>
        %dma_start3A_26 = arith.constant 0 : i32
        %dma_start3A_27 = arith.constant 0 : i32
        %dma_start3A_28 = tpu.memref_slice %arg11[%dma_start3A_26, %dma_start3A_27] : memref<10240x128xf32, #tpu.memory_space<vmem_shared>> -> memref<10240x128xf32, #tpu.memory_space<vmem_shared>>
        tpu.enqueue_indirect_dma source(%arg10 : memref<80x128xf32, #tpu.memory_space<vmem>>) target(%dma_start3A_28 : memref<10240x128xf32, #tpu.memory_space<vmem_shared>>) offsets(%arg9 : memref<80xi32, #tpu.memory_space<vmem>>) semaphore(%run_scoped3A_25 : memref<!tpu.dma_semaphore, #tpu.memory_space<semaphore_mem>>) {add = true}
        %dma_wait3A_29 = arith.constant 0 : i32
        %dma_wait3A_30 = arith.constant 0 : i32
        %dma_wait3A_31 = tpu.memref_slice %arg11[%dma_wait3A_29, %dma_wait3A_30] : memref<10240x128xf32, #tpu.memory_space<vmem_shared>> -> memref<10240x128xf32, #tpu.memory_space<vmem_shared>>
        tpu.wait_indirect_dma semaphore(%run_scoped3A_25 : memref<!tpu.dma_semaphore, #tpu.memory_space<semaphore_mem>>) src(%arg10 : memref<80x128xf32, #tpu.memory_space<vmem>>) dst(%dma_wait3A_31 : memref<10240x128xf32, #tpu.memory_space<vmem_shared>>)
        tpu.yield
      }) : () -> ()
    }
    %scan3A_11 = arith.constant 125 : i32
    %barrier3A_12 = arith.constant 0 : index
    tpu.barrier barrier_id(%barrier3A_12)
    %mul3A_13 = arith.constant 640 : i32
    %mul3A_14 = arith.muli %arg1, %mul3A_13 : i32
    %mul3A_15 = arith.constant 640 : i32
    %mul3A_16 = arith.muli %arg1, %mul3A_15 : i32
    %run_scoped3A = arith.constant 0 : i32
    "tpu.region"() ({
      %run_scoped3A_17 = tpu.sem_alloc : memref<!tpu.dma_semaphore, #tpu.memory_space<semaphore_mem>>
      %dma_start3A = arith.constant 0 : i32
      %dma_start3A_18 = tpu.memref_slice %arg6[%arg0, %run_scoped3A, %mul3A_16, %dma_start3A] : memref<2x1x10240x128xf32, #tpu.memory_space<hbm>> -> memref<1x1x640x128xf32, #tpu.memory_space<hbm>>
      %dma_start3A_19 = tpu.memref_squeeze %dma_start3A_18 : memref<1x1x640x128xf32, #tpu.memory_space<hbm>> -> memref<640x128xf32, #tpu.memory_space<hbm>>
      %dma_start3A_20 = arith.constant 0 : i32
      %dma_start3A_21 = tpu.memref_slice %arg11[%mul3A_14, %dma_start3A_20] : memref<10240x128xf32, #tpu.memory_space<vmem_shared>> -> memref<640x128xf32, #tpu.memory_space<vmem_shared>>
      tpu.enqueue_dma source(%dma_start3A_21 : memref<640x128xf32, #tpu.memory_space<vmem_shared>>) target(%dma_start3A_19 : memref<640x128xf32, #tpu.memory_space<hbm>>) target_semaphore(%run_scoped3A_17 : memref<!tpu.dma_semaphore, #tpu.memory_space<semaphore_mem>>)
      %dma_wait3A = arith.constant 0 : i32
      %dma_wait3A_22 = tpu.memref_slice %arg6[%arg0, %run_scoped3A, %mul3A_16, %dma_wait3A] : memref<2x1x10240x128xf32, #tpu.memory_space<hbm>> -> memref<1x1x640x128xf32, #tpu.memory_space<hbm>>
      %dma_wait3A_23 = tpu.memref_squeeze %dma_wait3A_22 : memref<1x1x640x128xf32, #tpu.memory_space<hbm>> -> memref<640x128xf32, #tpu.memory_space<hbm>>
      %dma_wait3A_24 = arith.constant 0 : i32
      %dma_wait3A_25 = tpu.memref_slice %arg11[%mul3A_14, %dma_wait3A_24] : memref<10240x128xf32, #tpu.memory_space<vmem_shared>> -> memref<640x128xf32, #tpu.memory_space<vmem_shared>>
      tpu.wait_dma2 semaphore(%run_scoped3A_17 : memref<!tpu.dma_semaphore, #tpu.memory_space<semaphore_mem>>) src(%dma_wait3A_25 : memref<640x128xf32, #tpu.memory_space<vmem_shared>>) dst(%dma_wait3A_23 : memref<640x128xf32, #tpu.memory_space<hbm>>)
      tpu.yield
    }) : () -> ()
    return
  }
}

#map = affine_map<(d0, d1) -> (0)>
#map1 = affine_map<(d0, d1) -> (0, 0)>
#map2 = affine_map<(d0, d1) -> (0, 0, 0)>
module attributes {stable_mosaic.version = 14 : i64} {
  func.func @deg_k(%arg0: i32, %arg1: i32, %arg2: memref<320000xi32, #tpu.memory_space<hbm>>, %arg3: memref<10240x128xf32, #tpu.memory_space<hbm>>, %arg4: memref<80x128xf32, #tpu.memory_space<hbm>>, %arg5: memref<2x10240x128xf32, #tpu.memory_space<hbm>>, %arg6: memref<80xi32, #tpu.memory_space<vmem>>, %arg7: memref<80x128xf32, #tpu.memory_space<vmem>>, %arg8: memref<10240x128xf32, #tpu.memory_space<vmem_shared>>) attributes {dimension_semantics = [#tpu.dimension_semantics<core_parallel>, #tpu.dimension_semantics<subcore_parallel>], iteration_bounds = array<i64: 2, 16>, scalar_prefetch = 0 : i64, scratch_operands = 3 : i64, tpu.core_type = #tpu.core_type<sc_vector_subcore>, window_params = [{transform_indices = #map}, {transform_indices = #map1}, {transform_indices = #map1}, {transform_indices = #map2}]} {
    %mul3A = arith.constant 2 : i32
    %mul3A_0 = arith.muli %arg1, %mul3A : i32
    %add3A = arith.addi %mul3A_0, %arg0 : i32
    %mul3A_1 = arith.constant 640 : i32
    %mul3A_2 = arith.muli %arg1, %mul3A_1 : i32
    %mul3A_3 = arith.constant 640 : i32
    %mul3A_4 = arith.muli %arg1, %mul3A_3 : i32
    "tpu.region"() ({
      %run_scoped3A = tpu.sem_alloc : memref<!tpu.dma_semaphore, #tpu.memory_space<semaphore_mem>>
      %dma_start3A = arith.constant 0 : i32
      %dma_start3A_17 = tpu.memref_slice %arg8[%mul3A_4, %dma_start3A] : memref<10240x128xf32, #tpu.memory_space<vmem_shared>> -> memref<640x128xf32, #tpu.memory_space<vmem_shared>>
      %dma_start3A_18 = arith.constant 0 : i32
      %dma_start3A_19 = tpu.memref_slice %arg3[%mul3A_2, %dma_start3A_18] : memref<10240x128xf32, #tpu.memory_space<hbm>> -> memref<640x128xf32, #tpu.memory_space<hbm>>
      tpu.enqueue_dma source(%dma_start3A_19 : memref<640x128xf32, #tpu.memory_space<hbm>>) target(%dma_start3A_17 : memref<640x128xf32, #tpu.memory_space<vmem_shared>>) target_semaphore(%run_scoped3A : memref<!tpu.dma_semaphore, #tpu.memory_space<semaphore_mem>>)
      %dma_wait3A = arith.constant 0 : i32
      %dma_wait3A_20 = tpu.memref_slice %arg8[%mul3A_4, %dma_wait3A] : memref<10240x128xf32, #tpu.memory_space<vmem_shared>> -> memref<640x128xf32, #tpu.memory_space<vmem_shared>>
      %dma_wait3A_21 = arith.constant 0 : i32
      %dma_wait3A_22 = tpu.memref_slice %arg3[%mul3A_2, %dma_wait3A_21] : memref<10240x128xf32, #tpu.memory_space<hbm>> -> memref<640x128xf32, #tpu.memory_space<hbm>>
      tpu.wait_dma2 semaphore(%run_scoped3A : memref<!tpu.dma_semaphore, #tpu.memory_space<semaphore_mem>>) src(%dma_wait3A_22 : memref<640x128xf32, #tpu.memory_space<hbm>>) dst(%dma_wait3A_20 : memref<640x128xf32, #tpu.memory_space<vmem_shared>>)
      tpu.yield
    }) : () -> ()
    "tpu.region"() ({
      %run_scoped3A = tpu.sem_alloc : memref<!tpu.dma_semaphore, #tpu.memory_space<semaphore_mem>>
      tpu.enqueue_dma source(%arg4 : memref<80x128xf32, #tpu.memory_space<hbm>>) target(%arg7 : memref<80x128xf32, #tpu.memory_space<vmem>>) target_semaphore(%run_scoped3A : memref<!tpu.dma_semaphore, #tpu.memory_space<semaphore_mem>>)
      tpu.wait_dma2 semaphore(%run_scoped3A : memref<!tpu.dma_semaphore, #tpu.memory_space<semaphore_mem>>) src(%arg4 : memref<80x128xf32, #tpu.memory_space<hbm>>) dst(%arg7 : memref<80x128xf32, #tpu.memory_space<vmem>>)
      tpu.yield
    }) : () -> ()
    %barrier3A = arith.constant 0 : index
    tpu.barrier barrier_id(%barrier3A)
    %mul3A_5 = arith.constant 10000 : i32
    %mul3A_6 = arith.muli %add3A, %mul3A_5 : i32
    %scan3A = arith.constant 0 : i32
    %scan3A_7 = arith.constant 0 : i32
    %scan3A_8 = arith.constant 125 : i32
    %scan3A_9 = arith.addi %scan3A_7, %scan3A_8 : i32
    %scan3A_10 = arith.constant 1 : i32
    scf.for %scan3A_17 = %scan3A_7 to %scan3A_9 step %scan3A_10  : i32 {
      %mul3A_18 = arith.constant 80 : i32
      %mul3A_19 = arith.muli %scan3A_17, %mul3A_18 : i32
      %add3A_20 = arith.addi %mul3A_6, %mul3A_19 : i32
      "tpu.region"() ({
        %run_scoped3A = tpu.sem_alloc : memref<!tpu.dma_semaphore, #tpu.memory_space<semaphore_mem>>
        %dma_start3A = tpu.memref_slice %arg2[%add3A_20] : memref<320000xi32, #tpu.memory_space<hbm>> -> memref<80xi32, #tpu.memory_space<hbm>>
        %dma_start3A_21 = tpu.memref_slice %arg2[%add3A_20] : memref<320000xi32, #tpu.memory_space<hbm>> -> memref<80xi32, #tpu.memory_space<hbm>>
        tpu.enqueue_dma source(%dma_start3A_21 : memref<80xi32, #tpu.memory_space<hbm>>) target(%arg6 : memref<80xi32, #tpu.memory_space<vmem>>) target_semaphore(%run_scoped3A : memref<!tpu.dma_semaphore, #tpu.memory_space<semaphore_mem>>)
        %dma_wait3A = tpu.memref_slice %arg2[%add3A_20] : memref<320000xi32, #tpu.memory_space<hbm>> -> memref<80xi32, #tpu.memory_space<hbm>>
        %dma_wait3A_22 = tpu.memref_slice %arg2[%add3A_20] : memref<320000xi32, #tpu.memory_space<hbm>> -> memref<80xi32, #tpu.memory_space<hbm>>
        tpu.wait_dma2 semaphore(%run_scoped3A : memref<!tpu.dma_semaphore, #tpu.memory_space<semaphore_mem>>) src(%dma_wait3A_22 : memref<80xi32, #tpu.memory_space<hbm>>) dst(%arg6 : memref<80xi32, #tpu.memory_space<vmem>>)
        tpu.yield
      }) : () -> ()
      "tpu.region"() ({
        %run_scoped3A = tpu.sem_alloc : memref<!tpu.dma_semaphore, #tpu.memory_space<semaphore_mem>>
        %dma_start3A = arith.constant 0 : i32
        %dma_start3A_21 = arith.constant 0 : i32
        %dma_start3A_22 = tpu.memref_slice %arg8[%dma_start3A, %dma_start3A_21] : memref<10240x128xf32, #tpu.memory_space<vmem_shared>> -> memref<10240x128xf32, #tpu.memory_space<vmem_shared>>
        tpu.enqueue_indirect_dma source(%arg7 : memref<80x128xf32, #tpu.memory_space<vmem>>) target(%dma_start3A_22 : memref<10240x128xf32, #tpu.memory_space<vmem_shared>>) offsets(%arg6 : memref<80xi32, #tpu.memory_space<vmem>>) semaphore(%run_scoped3A : memref<!tpu.dma_semaphore, #tpu.memory_space<semaphore_mem>>) {add = true}
        %dma_wait3A = arith.constant 0 : i32
        %dma_wait3A_23 = arith.constant 0 : i32
        %dma_wait3A_24 = tpu.memref_slice %arg8[%dma_wait3A, %dma_wait3A_23] : memref<10240x128xf32, #tpu.memory_space<vmem_shared>> -> memref<10240x128xf32, #tpu.memory_space<vmem_shared>>
        tpu.wait_indirect_dma semaphore(%run_scoped3A : memref<!tpu.dma_semaphore, #tpu.memory_space<semaphore_mem>>) src(%arg7 : memref<80x128xf32, #tpu.memory_space<vmem>>) dst(%dma_wait3A_24 : memref<10240x128xf32, #tpu.memory_space<vmem_shared>>)
        tpu.yield
      }) : () -> ()
    }
    %scan3A_11 = arith.constant 125 : i32
    %barrier3A_12 = arith.constant 0 : index
    tpu.barrier barrier_id(%barrier3A_12)
    %mul3A_13 = arith.constant 640 : i32
    %mul3A_14 = arith.muli %arg1, %mul3A_13 : i32
    %mul3A_15 = arith.constant 640 : i32
    %mul3A_16 = arith.muli %arg1, %mul3A_15 : i32
    "tpu.region"() ({
      %run_scoped3A = tpu.sem_alloc : memref<!tpu.dma_semaphore, #tpu.memory_space<semaphore_mem>>
      %dma_start3A = arith.constant 0 : i32
      %dma_start3A_17 = tpu.memref_slice %arg5[%arg0, %mul3A_16, %dma_start3A] : memref<2x10240x128xf32, #tpu.memory_space<hbm>> -> memref<1x640x128xf32, #tpu.memory_space<hbm>>
      %dma_start3A_18 = tpu.memref_squeeze %dma_start3A_17 : memref<1x640x128xf32, #tpu.memory_space<hbm>> -> memref<640x128xf32, #tpu.memory_space<hbm>>
      %dma_start3A_19 = arith.constant 0 : i32
      %dma_start3A_20 = tpu.memref_slice %arg8[%mul3A_14, %dma_start3A_19] : memref<10240x128xf32, #tpu.memory_space<vmem_shared>> -> memref<640x128xf32, #tpu.memory_space<vmem_shared>>
      tpu.enqueue_dma source(%dma_start3A_20 : memref<640x128xf32, #tpu.memory_space<vmem_shared>>) target(%dma_start3A_18 : memref<640x128xf32, #tpu.memory_space<hbm>>) target_semaphore(%run_scoped3A : memref<!tpu.dma_semaphore, #tpu.memory_space<semaphore_mem>>)
      %dma_wait3A = arith.constant 0 : i32
      %dma_wait3A_21 = tpu.memref_slice %arg5[%arg0, %mul3A_16, %dma_wait3A] : memref<2x10240x128xf32, #tpu.memory_space<hbm>> -> memref<1x640x128xf32, #tpu.memory_space<hbm>>
      %dma_wait3A_22 = tpu.memref_squeeze %dma_wait3A_21 : memref<1x640x128xf32, #tpu.memory_space<hbm>> -> memref<640x128xf32, #tpu.memory_space<hbm>>
      %dma_wait3A_23 = arith.constant 0 : i32
      %dma_wait3A_24 = tpu.memref_slice %arg8[%mul3A_14, %dma_wait3A_23] : memref<10240x128xf32, #tpu.memory_space<vmem_shared>> -> memref<640x128xf32, #tpu.memory_space<vmem_shared>>
      tpu.wait_dma2 semaphore(%run_scoped3A : memref<!tpu.dma_semaphore, #tpu.memory_space<semaphore_mem>>) src(%dma_wait3A_24 : memref<640x128xf32, #tpu.memory_space<vmem_shared>>) dst(%dma_wait3A_22 : memref<640x128xf32, #tpu.memory_space<hbm>>)
      tpu.yield
    }) : () -> ()
    return
  }
}

#map = affine_map<(d0, d1) -> (0, 0)>
#map1 = affine_map<(d0, d1) -> (0)>
#map2 = affine_map<(d0, d1) -> (0, 0, 0, 0)>
module attributes {stable_mosaic.version = 14 : i64} {
  func.func @agg_k(%arg0: i32, %arg1: i32, %arg2: memref<20000x128xf32, #tpu.memory_space<hbm>>, %arg3: memref<320000xi32, #tpu.memory_space<hbm>>, %arg4: memref<320000xi32, #tpu.memory_space<hbm>>, %arg5: memref<10240x128xf32, #tpu.memory_space<hbm>>, %arg6: memref<2x2x10240x128xf32, #tpu.memory_space<hbm>>, %arg7: memref<80xi32, #tpu.memory_space<vmem>>, %arg8: memref<80xi32, #tpu.memory_space<vmem>>, %arg9: memref<80xi32, #tpu.memory_space<vmem>>, %arg10: memref<80x128xf32, #tpu.memory_space<vmem>>, %arg11: memref<10240x128xf32, #tpu.memory_space<vmem_shared>>, %arg12: memref<!tpu.dma_semaphore, #tpu.memory_space<semaphore_mem>>) attributes {dimension_semantics = [#tpu.dimension_semantics<core_parallel>, #tpu.dimension_semantics<subcore_parallel>], iteration_bounds = array<i64: 2, 16>, scalar_prefetch = 0 : i64, scratch_operands = 6 : i64, tpu.core_type = #tpu.core_type<sc_vector_subcore>, window_params = [{transform_indices = #map}, {transform_indices = #map1}, {transform_indices = #map1}, {transform_indices = #map}, {transform_indices = #map2}]} {
    %mul3A = arith.constant 2 : i32
    %mul3A_0 = arith.muli %arg1, %mul3A : i32
    %add3A = arith.addi %mul3A_0, %arg0 : i32
    %mul3A_1 = arith.constant 10000 : i32
    %mul3A_2 = arith.muli %add3A, %mul3A_1 : i32
    %mul3A_3 = arith.constant 640 : i32
    %mul3A_4 = arith.muli %arg1, %mul3A_3 : i32
    %mul3A_5 = arith.constant 640 : i32
    %mul3A_6 = arith.muli %arg1, %mul3A_5 : i32
    "tpu.region"() ({
      %run_scoped3A_34 = tpu.sem_alloc : memref<!tpu.dma_semaphore, #tpu.memory_space<semaphore_mem>>
      %dma_start3A = arith.constant 0 : i32
      %dma_start3A_35 = tpu.memref_slice %arg11[%mul3A_6, %dma_start3A] : memref<10240x128xf32, #tpu.memory_space<vmem_shared>> -> memref<640x128xf32, #tpu.memory_space<vmem_shared>>
      %dma_start3A_36 = arith.constant 0 : i32
      %dma_start3A_37 = tpu.memref_slice %arg5[%mul3A_4, %dma_start3A_36] : memref<10240x128xf32, #tpu.memory_space<hbm>> -> memref<640x128xf32, #tpu.memory_space<hbm>>
      tpu.enqueue_dma source(%dma_start3A_37 : memref<640x128xf32, #tpu.memory_space<hbm>>) target(%dma_start3A_35 : memref<640x128xf32, #tpu.memory_space<vmem_shared>>) target_semaphore(%run_scoped3A_34 : memref<!tpu.dma_semaphore, #tpu.memory_space<semaphore_mem>>)
      %dma_wait3A = arith.constant 0 : i32
      %dma_wait3A_38 = tpu.memref_slice %arg11[%mul3A_6, %dma_wait3A] : memref<10240x128xf32, #tpu.memory_space<vmem_shared>> -> memref<640x128xf32, #tpu.memory_space<vmem_shared>>
      %dma_wait3A_39 = arith.constant 0 : i32
      %dma_wait3A_40 = tpu.memref_slice %arg5[%mul3A_4, %dma_wait3A_39] : memref<10240x128xf32, #tpu.memory_space<hbm>> -> memref<640x128xf32, #tpu.memory_space<hbm>>
      tpu.wait_dma2 semaphore(%run_scoped3A_34 : memref<!tpu.dma_semaphore, #tpu.memory_space<semaphore_mem>>) src(%dma_wait3A_40 : memref<640x128xf32, #tpu.memory_space<hbm>>) dst(%dma_wait3A_38 : memref<640x128xf32, #tpu.memory_space<vmem_shared>>)
      tpu.yield
    }) : () -> ()
    %barrier3A = arith.constant 0 : index
    tpu.barrier barrier_id(%barrier3A)
    %scan3A = arith.constant 0 : i32
    %scan3A_7 = arith.constant 0 : i32
    %scan3A_8 = arith.constant 125 : i32
    %scan3A_9 = arith.addi %scan3A_7, %scan3A_8 : i32
    %scan3A_10 = arith.constant 1 : i32
    scf.for %scan3A_34 = %scan3A_7 to %scan3A_9 step %scan3A_10  : i32 {
      %mul3A_35 = arith.constant 80 : i32
      %mul3A_36 = arith.muli %scan3A_34, %mul3A_35 : i32
      %add3A_37 = arith.addi %mul3A_2, %mul3A_36 : i32
      "tpu.region"() ({
        %run_scoped3A_42 = tpu.sem_alloc : memref<!tpu.dma_semaphore, #tpu.memory_space<semaphore_mem>>
        %dma_start3A_43 = tpu.memref_slice %arg3[%add3A_37] : memref<320000xi32, #tpu.memory_space<hbm>> -> memref<80xi32, #tpu.memory_space<hbm>>
        %dma_start3A_44 = tpu.memref_slice %arg3[%add3A_37] : memref<320000xi32, #tpu.memory_space<hbm>> -> memref<80xi32, #tpu.memory_space<hbm>>
        tpu.enqueue_dma source(%dma_start3A_44 : memref<80xi32, #tpu.memory_space<hbm>>) target(%arg7 : memref<80xi32, #tpu.memory_space<vmem>>) target_semaphore(%run_scoped3A_42 : memref<!tpu.dma_semaphore, #tpu.memory_space<semaphore_mem>>)
        %dma_wait3A_45 = tpu.memref_slice %arg3[%add3A_37] : memref<320000xi32, #tpu.memory_space<hbm>> -> memref<80xi32, #tpu.memory_space<hbm>>
        %dma_wait3A_46 = tpu.memref_slice %arg3[%add3A_37] : memref<320000xi32, #tpu.memory_space<hbm>> -> memref<80xi32, #tpu.memory_space<hbm>>
        tpu.wait_dma2 semaphore(%run_scoped3A_42 : memref<!tpu.dma_semaphore, #tpu.memory_space<semaphore_mem>>) src(%dma_wait3A_46 : memref<80xi32, #tpu.memory_space<hbm>>) dst(%arg7 : memref<80xi32, #tpu.memory_space<vmem>>)
        tpu.yield
      }) : () -> ()
      "tpu.region"() ({
        %run_scoped3A_42 = tpu.sem_alloc : memref<!tpu.dma_semaphore, #tpu.memory_space<semaphore_mem>>
        %dma_start3A_43 = tpu.memref_slice %arg4[%add3A_37] : memref<320000xi32, #tpu.memory_space<hbm>> -> memref<80xi32, #tpu.memory_space<hbm>>
        %dma_start3A_44 = tpu.memref_slice %arg4[%add3A_37] : memref<320000xi32, #tpu.memory_space<hbm>> -> memref<80xi32, #tpu.memory_space<hbm>>
        tpu.enqueue_dma source(%dma_start3A_44 : memref<80xi32, #tpu.memory_space<hbm>>) target(%arg9 : memref<80xi32, #tpu.memory_space<vmem>>) target_semaphore(%run_scoped3A_42 : memref<!tpu.dma_semaphore, #tpu.memory_space<semaphore_mem>>)
        %dma_wait3A_45 = tpu.memref_slice %arg4[%add3A_37] : memref<320000xi32, #tpu.memory_space<hbm>> -> memref<80xi32, #tpu.memory_space<hbm>>
        %dma_wait3A_46 = tpu.memref_slice %arg4[%add3A_37] : memref<320000xi32, #tpu.memory_space<hbm>> -> memref<80xi32, #tpu.memory_space<hbm>>
        tpu.wait_dma2 semaphore(%run_scoped3A_42 : memref<!tpu.dma_semaphore, #tpu.memory_space<semaphore_mem>>) src(%dma_wait3A_46 : memref<80xi32, #tpu.memory_space<hbm>>) dst(%arg9 : memref<80xi32, #tpu.memory_space<vmem>>)
        tpu.yield
      }) : () -> ()
      %dma_start3A = arith.constant 0 : i32
      %dma_start3A_38 = arith.constant 0 : i32
      %dma_start3A_39 = tpu.memref_slice %arg2[%dma_start3A, %dma_start3A_38] : memref<20000x128xf32, #tpu.memory_space<hbm>> -> memref<20000x128xf32, #tpu.memory_space<hbm>>
      tpu.enqueue_indirect_dma source(%dma_start3A_39 : memref<20000x128xf32, #tpu.memory_space<hbm>>) target(%arg10 : memref<80x128xf32, #tpu.memory_space<vmem>>) offsets(%arg7 : memref<80xi32, #tpu.memory_space<vmem>>) semaphore(%arg12 : memref<!tpu.dma_semaphore, #tpu.memory_space<semaphore_mem>>)
      %dma_wait3A = arith.constant 0 : i32
      %dma_wait3A_40 = arith.constant 0 : i32
      %dma_wait3A_41 = tpu.memref_slice %arg2[%dma_wait3A, %dma_wait3A_40] : memref<20000x128xf32, #tpu.memory_space<hbm>> -> memref<20000x128xf32, #tpu.memory_space<hbm>>
      tpu.wait_indirect_dma semaphore(%arg12 : memref<!tpu.dma_semaphore, #tpu.memory_space<semaphore_mem>>) src(%dma_wait3A_41 : memref<20000x128xf32, #tpu.memory_space<hbm>>) dst(%arg10 : memref<80x128xf32, #tpu.memory_space<vmem>>)
      "tpu.region"() ({
        %run_scoped3A_42 = tpu.sem_alloc : memref<!tpu.dma_semaphore, #tpu.memory_space<semaphore_mem>>
        %dma_start3A_43 = arith.constant 0 : i32
        %dma_start3A_44 = arith.constant 0 : i32
        %dma_start3A_45 = tpu.memref_slice %arg11[%dma_start3A_43, %dma_start3A_44] : memref<10240x128xf32, #tpu.memory_space<vmem_shared>> -> memref<10240x128xf32, #tpu.memory_space<vmem_shared>>
        tpu.enqueue_indirect_dma source(%arg10 : memref<80x128xf32, #tpu.memory_space<vmem>>) target(%dma_start3A_45 : memref<10240x128xf32, #tpu.memory_space<vmem_shared>>) offsets(%arg9 : memref<80xi32, #tpu.memory_space<vmem>>) semaphore(%run_scoped3A_42 : memref<!tpu.dma_semaphore, #tpu.memory_space<semaphore_mem>>) {add = true}
        %dma_wait3A_46 = arith.constant 0 : i32
        %dma_wait3A_47 = arith.constant 0 : i32
        %dma_wait3A_48 = tpu.memref_slice %arg11[%dma_wait3A_46, %dma_wait3A_47] : memref<10240x128xf32, #tpu.memory_space<vmem_shared>> -> memref<10240x128xf32, #tpu.memory_space<vmem_shared>>
        tpu.wait_indirect_dma semaphore(%run_scoped3A_42 : memref<!tpu.dma_semaphore, #tpu.memory_space<semaphore_mem>>) src(%arg10 : memref<80x128xf32, #tpu.memory_space<vmem>>) dst(%dma_wait3A_48 : memref<10240x128xf32, #tpu.memory_space<vmem_shared>>)
        tpu.yield
      }) : () -> ()
    }
    %scan3A_11 = arith.constant 125 : i32
    %barrier3A_12 = arith.constant 0 : index
    tpu.barrier barrier_id(%barrier3A_12)
    %mul3A_13 = arith.constant 640 : i32
    %mul3A_14 = arith.muli %arg1, %mul3A_13 : i32
    %mul3A_15 = arith.constant 640 : i32
    %mul3A_16 = arith.muli %arg1, %mul3A_15 : i32
    %run_scoped3A = arith.constant 0 : i32
    "tpu.region"() ({
      %run_scoped3A_34 = tpu.sem_alloc : memref<!tpu.dma_semaphore, #tpu.memory_space<semaphore_mem>>
      %dma_start3A = arith.constant 0 : i32
      %dma_start3A_35 = tpu.memref_slice %arg6[%arg0, %run_scoped3A, %mul3A_16, %dma_start3A] : memref<2x2x10240x128xf32, #tpu.memory_space<hbm>> -> memref<1x1x640x128xf32, #tpu.memory_space<hbm>>
      %dma_start3A_36 = tpu.memref_squeeze %dma_start3A_35 : memref<1x1x640x128xf32, #tpu.memory_space<hbm>> -> memref<640x128xf32, #tpu.memory_space<hbm>>
      %dma_start3A_37 = arith.constant 0 : i32
      %dma_start3A_38 = tpu.memref_slice %arg11[%mul3A_14, %dma_start3A_37] : memref<10240x128xf32, #tpu.memory_space<vmem_shared>> -> memref<640x128xf32, #tpu.memory_space<vmem_shared>>
      tpu.enqueue_dma source(%dma_start3A_38 : memref<640x128xf32, #tpu.memory_space<vmem_shared>>) target(%dma_start3A_36 : memref<640x128xf32, #tpu.memory_space<hbm>>) target_semaphore(%run_scoped3A_34 : memref<!tpu.dma_semaphore, #tpu.memory_space<semaphore_mem>>)
      %dma_wait3A = arith.constant 0 : i32
      %dma_wait3A_39 = tpu.memref_slice %arg6[%arg0, %run_scoped3A, %mul3A_16, %dma_wait3A] : memref<2x2x10240x128xf32, #tpu.memory_space<hbm>> -> memref<1x1x640x128xf32, #tpu.memory_space<hbm>>
      %dma_wait3A_40 = tpu.memref_squeeze %dma_wait3A_39 : memref<1x1x640x128xf32, #tpu.memory_space<hbm>> -> memref<640x128xf32, #tpu.memory_space<hbm>>
      %dma_wait3A_41 = arith.constant 0 : i32
      %dma_wait3A_42 = tpu.memref_slice %arg11[%mul3A_14, %dma_wait3A_41] : memref<10240x128xf32, #tpu.memory_space<vmem_shared>> -> memref<640x128xf32, #tpu.memory_space<vmem_shared>>
      tpu.wait_dma2 semaphore(%run_scoped3A_34 : memref<!tpu.dma_semaphore, #tpu.memory_space<semaphore_mem>>) src(%dma_wait3A_42 : memref<640x128xf32, #tpu.memory_space<vmem_shared>>) dst(%dma_wait3A_40 : memref<640x128xf32, #tpu.memory_space<hbm>>)
      tpu.yield
    }) : () -> ()
    %mul3A_17 = arith.constant 640 : i32
    %mul3A_18 = arith.muli %arg1, %mul3A_17 : i32
    %mul3A_19 = arith.constant 640 : i32
    %mul3A_20 = arith.muli %arg1, %mul3A_19 : i32
    "tpu.region"() ({
      %run_scoped3A_34 = tpu.sem_alloc : memref<!tpu.dma_semaphore, #tpu.memory_space<semaphore_mem>>
      %dma_start3A = arith.constant 0 : i32
      %dma_start3A_35 = tpu.memref_slice %arg11[%mul3A_20, %dma_start3A] : memref<10240x128xf32, #tpu.memory_space<vmem_shared>> -> memref<640x128xf32, #tpu.memory_space<vmem_shared>>
      %dma_start3A_36 = arith.constant 0 : i32
      %dma_start3A_37 = tpu.memref_slice %arg5[%mul3A_18, %dma_start3A_36] : memref<10240x128xf32, #tpu.memory_space<hbm>> -> memref<640x128xf32, #tpu.memory_space<hbm>>
      tpu.enqueue_dma source(%dma_start3A_37 : memref<640x128xf32, #tpu.memory_space<hbm>>) target(%dma_start3A_35 : memref<640x128xf32, #tpu.memory_space<vmem_shared>>) target_semaphore(%run_scoped3A_34 : memref<!tpu.dma_semaphore, #tpu.memory_space<semaphore_mem>>)
      %dma_wait3A = arith.constant 0 : i32
      %dma_wait3A_38 = tpu.memref_slice %arg11[%mul3A_20, %dma_wait3A] : memref<10240x128xf32, #tpu.memory_space<vmem_shared>> -> memref<640x128xf32, #tpu.memory_space<vmem_shared>>
      %dma_wait3A_39 = arith.constant 0 : i32
      %dma_wait3A_40 = tpu.memref_slice %arg5[%mul3A_18, %dma_wait3A_39] : memref<10240x128xf32, #tpu.memory_space<hbm>> -> memref<640x128xf32, #tpu.memory_space<hbm>>
      tpu.wait_dma2 semaphore(%run_scoped3A_34 : memref<!tpu.dma_semaphore, #tpu.memory_space<semaphore_mem>>) src(%dma_wait3A_40 : memref<640x128xf32, #tpu.memory_space<hbm>>) dst(%dma_wait3A_38 : memref<640x128xf32, #tpu.memory_space<vmem_shared>>)
      tpu.yield
    }) : () -> ()
    %barrier3A_21 = arith.constant 0 : index
    tpu.barrier barrier_id(%barrier3A_21)
    %scan3A_22 = arith.constant 0 : i32
    %scan3A_23 = arith.constant 0 : i32
    %scan3A_24 = arith.constant 125 : i32
    %scan3A_25 = arith.addi %scan3A_23, %scan3A_24 : i32
    %scan3A_26 = arith.constant 1 : i32
    scf.for %scan3A_34 = %scan3A_23 to %scan3A_25 step %scan3A_26  : i32 {
      %mul3A_35 = arith.constant 80 : i32
      %mul3A_36 = arith.muli %scan3A_34, %mul3A_35 : i32
      %add3A_37 = arith.addi %mul3A_2, %mul3A_36 : i32
      "tpu.region"() ({
        %run_scoped3A_90 = tpu.sem_alloc : memref<!tpu.dma_semaphore, #tpu.memory_space<semaphore_mem>>
        %dma_start3A_91 = tpu.memref_slice %arg3[%add3A_37] : memref<320000xi32, #tpu.memory_space<hbm>> -> memref<80xi32, #tpu.memory_space<hbm>>
        %dma_start3A_92 = tpu.memref_slice %arg3[%add3A_37] : memref<320000xi32, #tpu.memory_space<hbm>> -> memref<80xi32, #tpu.memory_space<hbm>>
        tpu.enqueue_dma source(%dma_start3A_92 : memref<80xi32, #tpu.memory_space<hbm>>) target(%arg7 : memref<80xi32, #tpu.memory_space<vmem>>) target_semaphore(%run_scoped3A_90 : memref<!tpu.dma_semaphore, #tpu.memory_space<semaphore_mem>>)
        %dma_wait3A_93 = tpu.memref_slice %arg3[%add3A_37] : memref<320000xi32, #tpu.memory_space<hbm>> -> memref<80xi32, #tpu.memory_space<hbm>>
        %dma_wait3A_94 = tpu.memref_slice %arg3[%add3A_37] : memref<320000xi32, #tpu.memory_space<hbm>> -> memref<80xi32, #tpu.memory_space<hbm>>
        tpu.wait_dma2 semaphore(%run_scoped3A_90 : memref<!tpu.dma_semaphore, #tpu.memory_space<semaphore_mem>>) src(%dma_wait3A_94 : memref<80xi32, #tpu.memory_space<hbm>>) dst(%arg7 : memref<80xi32, #tpu.memory_space<vmem>>)
        tpu.yield
      }) : () -> ()
      "tpu.region"() ({
        %run_scoped3A_90 = tpu.sem_alloc : memref<!tpu.dma_semaphore, #tpu.memory_space<semaphore_mem>>
        %dma_start3A_91 = tpu.memref_slice %arg4[%add3A_37] : memref<320000xi32, #tpu.memory_space<hbm>> -> memref<80xi32, #tpu.memory_space<hbm>>
        %dma_start3A_92 = tpu.memref_slice %arg4[%add3A_37] : memref<320000xi32, #tpu.memory_space<hbm>> -> memref<80xi32, #tpu.memory_space<hbm>>
        tpu.enqueue_dma source(%dma_start3A_92 : memref<80xi32, #tpu.memory_space<hbm>>) target(%arg9 : memref<80xi32, #tpu.memory_space<vmem>>) target_semaphore(%run_scoped3A_90 : memref<!tpu.dma_semaphore, #tpu.memory_space<semaphore_mem>>)
        %dma_wait3A_93 = tpu.memref_slice %arg4[%add3A_37] : memref<320000xi32, #tpu.memory_space<hbm>> -> memref<80xi32, #tpu.memory_space<hbm>>
        %dma_wait3A_94 = tpu.memref_slice %arg4[%add3A_37] : memref<320000xi32, #tpu.memory_space<hbm>> -> memref<80xi32, #tpu.memory_space<hbm>>
        tpu.wait_dma2 semaphore(%run_scoped3A_90 : memref<!tpu.dma_semaphore, #tpu.memory_space<semaphore_mem>>) src(%dma_wait3A_94 : memref<80xi32, #tpu.memory_space<hbm>>) dst(%arg9 : memref<80xi32, #tpu.memory_space<vmem>>)
        tpu.yield
      }) : () -> ()
      %get3A = arith.constant 0 : index
      %get3A_38 = tpu.vector_load %arg7[%get3A] {strides = array<i32>} : memref<80xi32, #tpu.memory_space<vmem>>, vector<16xi32>,
      %get3A_39 = vector.shape_cast %get3A_38 : vector<16xi32> to vector<16xi32>
      %add3A_40 = arith.constant 10000 : i32
      %add3A_41 = vector.broadcast %add3A_40 : i32 to vector<16xi32>
      %add3A_42 = arith.addi %get3A_39, %add3A_41 : vector<16xi32>
      %swap3A = arith.constant 0 : index
      %swap3A_43 = tpu.vector_load %arg8[%swap3A] {strides = array<i32>} : memref<80xi32, #tpu.memory_space<vmem>>, vector<16xi32>,
      %swap3A_44 = vector.shape_cast %swap3A_43 : vector<16xi32> to vector<16xi32>
      %swap3A_45 = vector.shape_cast %add3A_42 : vector<16xi32> to vector<16xi32>
      tpu.vector_store %arg8[%swap3A], %swap3A_45 {strides = array<i32>} : memref<80xi32, #tpu.memory_space<vmem>>, vector<16xi32>,
      %get3A_46 = arith.constant 16 : index
      %get3A_47 = tpu.vector_load %arg7[%get3A_46] {strides = array<i32>} : memref<80xi32, #tpu.memory_space<vmem>>, vector<16xi32>,
      %get3A_48 = vector.shape_cast %get3A_47 : vector<16xi32> to vector<16xi32>
      %add3A_49 = arith.constant 10000 : i32
      %add3A_50 = vector.broadcast %add3A_49 : i32 to vector<16xi32>
      %add3A_51 = arith.addi %get3A_48, %add3A_50 : vector<16xi32>
      %swap3A_52 = arith.constant 16 : index
      %swap3A_53 = tpu.vector_load %arg8[%swap3A_52] {strides = array<i32>} : memref<80xi32, #tpu.memory_space<vmem>>, vector<16xi32>,
      %swap3A_54 = vector.shape_cast %swap3A_53 : vector<16xi32> to vector<16xi32>
      %swap3A_55 = vector.shape_cast %add3A_51 : vector<16xi32> to vector<16xi32>
      tpu.vector_store %arg8[%swap3A_52], %swap3A_55 {strides = array<i32>} : memref<80xi32, #tpu.memory_space<vmem>>, vector<16xi32>,
      %get3A_56 = arith.constant 32 : index
      %get3A_57 = tpu.vector_load %arg7[%get3A_56] {strides = array<i32>} : memref<80xi32, #tpu.memory_space<vmem>>, vector<16xi32>,
      %get3A_58 = vector.shape_cast %get3A_57 : vector<16xi32> to vector<16xi32>
      %add3A_59 = arith.constant 10000 : i32
      %add3A_60 = vector.broadcast %add3A_59 : i32 to vector<16xi32>
      %add3A_61 = arith.addi %get3A_58, %add3A_60 : vector<16xi32>
      %swap3A_62 = arith.constant 32 : index
      %swap3A_63 = tpu.vector_load %arg8[%swap3A_62] {strides = array<i32>} : memref<80xi32, #tpu.memory_space<vmem>>, vector<16xi32>,
      %swap3A_64 = vector.shape_cast %swap3A_63 : vector<16xi32> to vector<16xi32>
      %swap3A_65 = vector.shape_cast %add3A_61 : vector<16xi32> to vector<16xi32>
      tpu.vector_store %arg8[%swap3A_62], %swap3A_65 {strides = array<i32>} : memref<80xi32, #tpu.memory_space<vmem>>, vector<16xi32>,
      %get3A_66 = arith.constant 48 : index
      %get3A_67 = tpu.vector_load %arg7[%get3A_66] {strides = array<i32>} : memref<80xi32, #tpu.memory_space<vmem>>, vector<16xi32>,
      %get3A_68 = vector.shape_cast %get3A_67 : vector<16xi32> to vector<16xi32>
      %add3A_69 = arith.constant 10000 : i32
      %add3A_70 = vector.broadcast %add3A_69 : i32 to vector<16xi32>
      %add3A_71 = arith.addi %get3A_68, %add3A_70 : vector<16xi32>
      %swap3A_72 = arith.constant 48 : index
      %swap3A_73 = tpu.vector_load %arg8[%swap3A_72] {strides = array<i32>} : memref<80xi32, #tpu.memory_space<vmem>>, vector<16xi32>,
      %swap3A_74 = vector.shape_cast %swap3A_73 : vector<16xi32> to vector<16xi32>
      %swap3A_75 = vector.shape_cast %add3A_71 : vector<16xi32> to vector<16xi32>
      tpu.vector_store %arg8[%swap3A_72], %swap3A_75 {strides = array<i32>} : memref<80xi32, #tpu.memory_space<vmem>>, vector<16xi32>,
      %get3A_76 = arith.constant 64 : index
      %get3A_77 = tpu.vector_load %arg7[%get3A_76] {strides = array<i32>} : memref<80xi32, #tpu.memory_space<vmem>>, vector<16xi32>,
      %get3A_78 = vector.shape_cast %get3A_77 : vector<16xi32> to vector<16xi32>
      %add3A_79 = arith.constant 10000 : i32
      %add3A_80 = vector.broadcast %add3A_79 : i32 to vector<16xi32>
      %add3A_81 = arith.addi %get3A_78, %add3A_80 : vector<16xi32>
      %swap3A_82 = arith.constant 64 : index
      %swap3A_83 = tpu.vector_load %arg8[%swap3A_82] {strides = array<i32>} : memref<80xi32, #tpu.memory_space<vmem>>, vector<16xi32>,
      %swap3A_84 = vector.shape_cast %swap3A_83 : vector<16xi32> to vector<16xi32>
      %swap3A_85 = vector.shape_cast %add3A_81 : vector<16xi32> to vector<16xi32>
      tpu.vector_store %arg8[%swap3A_82], %swap3A_85 {strides = array<i32>} : memref<80xi32, #tpu.memory_space<vmem>>, vector<16xi32>,
      %dma_start3A = arith.constant 0 : i32
      %dma_start3A_86 = arith.constant 0 : i32
      %dma_start3A_87 = tpu.memref_slice %arg2[%dma_start3A, %dma_start3A_86] : memref<20000x128xf32, #tpu.memory_space<hbm>> -> memref<20000x128xf32, #tpu.memory_space<hbm>>
      tpu.enqueue_indirect_dma source(%dma_start3A_87 : memref<20000x128xf32, #tpu.memory_space<hbm>>) target(%arg10 : memref<80x128xf32, #tpu.memory_space<vmem>>) offsets(%arg8 : memref<80xi32, #tpu.memory_space<vmem>>) semaphore(%arg12 : memref<!tpu.dma_semaphore, #tpu.memory_space<semaphore_mem>>)
      %dma_wait3A = arith.constant 0 : i32
      %dma_wait3A_88 = arith.constant 0 : i32
      %dma_wait3A_89 = tpu.memref_slice %arg2[%dma_wait3A, %dma_wait3A_88] : memref<20000x128xf32, #tpu.memory_space<hbm>> -> memref<20000x128xf32, #tpu.memory_space<hbm>>
      tpu.wait_indirect_dma semaphore(%arg12 : memref<!tpu.dma_semaphore, #tpu.memory_space<semaphore_mem>>) src(%dma_wait3A_89 : memref<20000x128xf32, #tpu.memory_space<hbm>>) dst(%arg10 : memref<80x128xf32, #tpu.memory_space<vmem>>)
      "tpu.region"() ({
        %run_scoped3A_90 = tpu.sem_alloc : memref<!tpu.dma_semaphore, #tpu.memory_space<semaphore_mem>>
        %dma_start3A_91 = arith.constant 0 : i32
        %dma_start3A_92 = arith.constant 0 : i32
        %dma_start3A_93 = tpu.memref_slice %arg11[%dma_start3A_91, %dma_start3A_92] : memref<10240x128xf32, #tpu.memory_space<vmem_shared>> -> memref<10240x128xf32, #tpu.memory_space<vmem_shared>>
        tpu.enqueue_indirect_dma source(%arg10 : memref<80x128xf32, #tpu.memory_space<vmem>>) target(%dma_start3A_93 : memref<10240x128xf32, #tpu.memory_space<vmem_shared>>) offsets(%arg9 : memref<80xi32, #tpu.memory_space<vmem>>) semaphore(%run_scoped3A_90 : memref<!tpu.dma_semaphore, #tpu.memory_space<semaphore_mem>>) {add = true}
        %dma_wait3A_94 = arith.constant 0 : i32
        %dma_wait3A_95 = arith.constant 0 : i32
        %dma_wait3A_96 = tpu.memref_slice %arg11[%dma_wait3A_94, %dma_wait3A_95] : memref<10240x128xf32, #tpu.memory_space<vmem_shared>> -> memref<10240x128xf32, #tpu.memory_space<vmem_shared>>
        tpu.wait_indirect_dma semaphore(%run_scoped3A_90 : memref<!tpu.dma_semaphore, #tpu.memory_space<semaphore_mem>>) src(%arg10 : memref<80x128xf32, #tpu.memory_space<vmem>>) dst(%dma_wait3A_96 : memref<10240x128xf32, #tpu.memory_space<vmem_shared>>)
        tpu.yield
      }) : () -> ()
    }
    %scan3A_27 = arith.constant 125 : i32
    %barrier3A_28 = arith.constant 0 : index
    tpu.barrier barrier_id(%barrier3A_28)
    %mul3A_29 = arith.constant 640 : i32
    %mul3A_30 = arith.muli %arg1, %mul3A_29 : i32
    %mul3A_31 = arith.constant 640 : i32
    %mul3A_32 = arith.muli %arg1, %mul3A_31 : i32
    %run_scoped3A_33 = arith.constant 1 : i32
    "tpu.region"() ({
      %run_scoped3A_34 = tpu.sem_alloc : memref<!tpu.dma_semaphore, #tpu.memory_space<semaphore_mem>>
      %dma_start3A = arith.constant 0 : i32
      %dma_start3A_35 = tpu.memref_slice %arg6[%arg0, %run_scoped3A_33, %mul3A_32, %dma_start3A] : memref<2x2x10240x128xf32, #tpu.memory_space<hbm>> -> memref<1x1x640x128xf32, #tpu.memory_space<hbm>>
      %dma_start3A_36 = tpu.memref_squeeze %dma_start3A_35 : memref<1x1x640x128xf32, #tpu.memory_space<hbm>> -> memref<640x128xf32, #tpu.memory_space<hbm>>
      %dma_start3A_37 = arith.constant 0 : i32
      %dma_start3A_38 = tpu.memref_slice %arg11[%mul3A_30, %dma_start3A_37] : memref<10240x128xf32, #tpu.memory_space<vmem_shared>> -> memref<640x128xf32, #tpu.memory_space<vmem_shared>>
      tpu.enqueue_dma source(%dma_start3A_38 : memref<640x128xf32, #tpu.memory_space<vmem_shared>>) target(%dma_start3A_36 : memref<640x128xf32, #tpu.memory_space<hbm>>) target_semaphore(%run_scoped3A_34 : memref<!tpu.dma_semaphore, #tpu.memory_space<semaphore_mem>>)
      %dma_wait3A = arith.constant 0 : i32
      %dma_wait3A_39 = tpu.memref_slice %arg6[%arg0, %run_scoped3A_33, %mul3A_32, %dma_wait3A] : memref<2x2x10240x128xf32, #tpu.memory_space<hbm>> -> memref<1x1x640x128xf32, #tpu.memory_space<hbm>>
      %dma_wait3A_40 = tpu.memref_squeeze %dma_wait3A_39 : memref<1x1x640x128xf32, #tpu.memory_space<hbm>> -> memref<640x128xf32, #tpu.memory_space<hbm>>
      %dma_wait3A_41 = arith.constant 0 : i32
      %dma_wait3A_42 = tpu.memref_slice %arg11[%mul3A_30, %dma_wait3A_41] : memref<10240x128xf32, #tpu.memory_space<vmem_shared>> -> memref<640x128xf32, #tpu.memory_space<vmem_shared>>
      tpu.wait_dma2 semaphore(%run_scoped3A_34 : memref<!tpu.dma_semaphore, #tpu.memory_space<semaphore_mem>>) src(%dma_wait3A_42 : memref<640x128xf32, #tpu.memory_space<vmem_shared>>) dst(%dma_wait3A_40 : memref<640x128xf32, #tpu.memory_space<hbm>>)
      tpu.yield
    }) : () -> ()
    return
  }
}

module attributes {stable_mosaic.version = 14 : i64} {
  func.func @body(%arg0: i32, %arg1: memref<1000x128xf32, #tpu.memory_space<vmem>>, %arg2: memref<128x128xf32, #tpu.memory_space<vmem>>, %arg3: memref<2x1000x128xf32, #tpu.memory_space<vmem>>, %arg4: memref<1x1000x128xf32, #tpu.memory_space<vmem>>) attributes {dimension_semantics = [#tpu.dimension_semantics<arbitrary>], iteration_bounds = array<i64: 10>, scalar_prefetch = 0 : i64, scratch_operands = 0 : i64, tpu.core_type = #tpu.core_type<tc>, window_params = [{transform_indices = @transform_0, window_bounds = array<i64: 1000, 128>}, {pipeline_mode = #tpu.pipeline_mode<synchronous>, transform_indices = @transform_1, window_bounds = array<i64: 128, 128>}, {transform_indices = @transform_2, window_bounds = array<i64: 2, 1000, 128>}, {transform_indices = @transform_3, window_bounds = array<i64: 1, 1000, 128>}]} {
    %get3A = arith.constant 0 : index
    %get3A_0 = arith.constant 0 : index
    %get3A_1 = arith.constant 0 : index
    %get3A_2 = vector.load %arg3[%get3A, %get3A_0, %get3A_1] : memref<2x1000x128xf32, #tpu.memory_space<vmem>>, vector<2x1000x128xf32>
    %slice3A = vector.extract_strided_slice %get3A_2 {offsets = [0, 0, 0], sizes = [1, 1000, 1], strides = [1, 1, 1]} : vector<2x1000x128xf32> to vector<1x1000x1xf32>
    %squeeze3A = vector.shape_cast %slice3A : vector<1x1000x1xf32> to vector<1000xf32>
    %slice3A_3 = vector.extract_strided_slice %get3A_2 {offsets = [1, 0, 0], sizes = [1, 1000, 1], strides = [1, 1, 1]} : vector<2x1000x128xf32> to vector<1x1000x1xf32>
    %squeeze3A_4 = vector.shape_cast %slice3A_3 : vector<1x1000x1xf32> to vector<1000xf32>
    %add3A = arith.addf %squeeze3A, %squeeze3A_4 : vector<1000xf32>
    %add3A_5 = arith.constant 1.000000e+00 : f32
    %add3A_6 = vector.broadcast %add3A_5 : f32 to vector<1000xf32>
    %add3A_7 = arith.addf %add3A, %add3A_6 : vector<1000xf32>
    %rsqrt3A = math.rsqrt %add3A_7 : vector<1000xf32>
    %get3A_8 = arith.constant 0 : index
    %get3A_9 = arith.constant 0 : index
    %get3A_10 = vector.load %arg1[%get3A_8, %get3A_9] : memref<1000x128xf32, #tpu.memory_space<vmem>>, vector<1000x128xf32>
    %get3A_11 = arith.constant 0 : index
    %get3A_12 = arith.constant 0 : index
    %get3A_13 = vector.load %arg2[%get3A_11, %get3A_12] : memref<128x128xf32, #tpu.memory_space<vmem>>, vector<128x128xf32>
    %dot_general3A = arith.constant dense<0.000000e+00> : vector<1000x128xf32>
    %dot_general3A_14 = tpu.matmul %get3A_10, %get3A_13, %dot_general3A {dimension_numbers = #tpu.dot_dimension_numbers<[1], [0], [0], [1], [0, 0, 1, 1], [], []>, transpose_lhs_hint = false} : vector<1000x128xf32>, vector<128x128xf32>, vector<1000x128xf32> -> vector<1000x128xf32>
    %broadcast_in_dim3A = vector.shape_cast %rsqrt3A : vector<1000xf32> to vector<1000x1xf32>
    %mul3A = vector.broadcast %broadcast_in_dim3A : vector<1000x1xf32> to vector<1000x128xf32>
    %mul3A_15 = arith.mulf %dot_general3A_14, %mul3A : vector<1000x128xf32>
    %swap3A = arith.constant 0 : index
    %swap3A_16 = arith.constant 0 : index
    %swap3A_17 = arith.constant 0 : index
    %swap3A_18 = vector.load %arg4[%swap3A, %swap3A_16, %swap3A_17] : memref<1x1000x128xf32, #tpu.memory_space<vmem>>, vector<1x1000x128xf32>
    %swap3A_19 = vector.shape_cast %swap3A_18 : vector<1x1000x128xf32> to vector<1000x128xf32>
    %swap3A_20 = vector.shape_cast %mul3A_15 : vector<1000x128xf32> to vector<1x1000x128xf32>
    tpu.vector_store %arg4[%swap3A, %swap3A_16, %swap3A_17], %swap3A_20 {strides = array<i32>} : memref<1x1000x128xf32, #tpu.memory_space<vmem>>, vector<1x1000x128xf32>,
    return
  }
  func.func @transform_0(%arg0: i32) -> (i32, i32) {
    %c0_i32 = arith.constant 0 : i32
    %c0_i32_0 = arith.constant 0 : i32
    return %arg0, %c0_i32 : i32, i32
  }
  func.func @transform_1(%arg0: i32) -> (i32, i32) {
    %c0_i32 = arith.constant 0 : i32
    %c0_i32_0 = arith.constant 0 : i32
    %c0_i32_1 = arith.constant 0 : i32
    return %c0_i32, %c0_i32_0 : i32, i32
  }
  func.func @transform_2(%arg0: i32) -> (i32, i32, i32) {
    %c0_i32 = arith.constant 0 : i32
    %c0_i32_0 = arith.constant 0 : i32
    %c0_i32_1 = arith.constant 0 : i32
    return %c0_i32, %arg0, %c0_i32_0 : i32, i32, i32
  }
  func.func @transform_3(%arg0: i32) -> (i32, i32, i32) {
    %c0_i32 = arith.constant 0 : i32
    %c0_i32_0 = arith.constant 0 : i32
    %c0_i32_1 = arith.constant 0 : i32
    return %c0_i32, %arg0, %c0_i32_0 : i32, i32, i32
  }
}

module attributes {stable_mosaic.version = 14 : i64} {
  func.func @body(%arg0: i32, %arg1: memref<2x1x1000x128xf32, #tpu.memory_space<vmem>>, %arg2: memref<1x1000x128xf32, #tpu.memory_space<vmem>>, %arg3: memref<2x1000x128xf32, #tpu.memory_space<vmem>>, %arg4: memref<1x128xf32, #tpu.memory_space<vmem>>, %arg5: memref<128x256xf32, #tpu.memory_space<vmem>>, %arg6: memref<2x1000x128xf32, #tpu.memory_space<vmem>>) attributes {dimension_semantics = [#tpu.dimension_semantics<arbitrary>], iteration_bounds = array<i64: 10>, scalar_prefetch = 0 : i64, scratch_operands = 0 : i64, tpu.core_type = #tpu.core_type<tc>, window_params = [{transform_indices = @transform_0, window_bounds = array<i64: 2, 1, 1000, 128>}, {transform_indices = @transform_1, window_bounds = array<i64: 1, 1000, 128>}, {transform_indices = @transform_2, window_bounds = array<i64: 2, 1000, 128>}, {pipeline_mode = #tpu.pipeline_mode<synchronous>, transform_indices = @transform_3, window_bounds = array<i64: 1, 128>}, {pipeline_mode = #tpu.pipeline_mode<synchronous>, transform_indices = @transform_4, window_bounds = array<i64: 128, 256>}, {transform_indices = @transform_5, window_bounds = array<i64: 2, 1000, 128>}]} {
    %get3A = arith.constant 0 : index
    %get3A_0 = arith.constant 0 : index
    %get3A_1 = arith.constant 0 : index
    %get3A_2 = vector.load %arg3[%get3A, %get3A_0, %get3A_1] : memref<2x1000x128xf32, #tpu.memory_space<vmem>>, vector<2x1000x128xf32>
    %slice3A = vector.extract_strided_slice %get3A_2 {offsets = [0, 0, 0], sizes = [1, 1000, 1], strides = [1, 1, 1]} : vector<2x1000x128xf32> to vector<1x1000x1xf32>
    %squeeze3A = vector.shape_cast %slice3A : vector<1x1000x1xf32> to vector<1000xf32>
    %slice3A_3 = vector.extract_strided_slice %get3A_2 {offsets = [1, 0, 0], sizes = [1, 1000, 1], strides = [1, 1, 1]} : vector<2x1000x128xf32> to vector<1x1000x1xf32>
    %squeeze3A_4 = vector.shape_cast %slice3A_3 : vector<1x1000x1xf32> to vector<1000xf32>
    %add3A = arith.addf %squeeze3A, %squeeze3A_4 : vector<1000xf32>
    %add3A_5 = arith.constant 1.000000e+00 : f32
    %add3A_6 = vector.broadcast %add3A_5 : f32 to vector<1000xf32>
    %add3A_7 = arith.addf %add3A, %add3A_6 : vector<1000xf32>
    %rsqrt3A = math.rsqrt %add3A_7 : vector<1000xf32>
    %broadcast_in_dim3A = vector.shape_cast %rsqrt3A : vector<1000xf32> to vector<1000x1xf32>
    %get3A_8 = arith.constant 0 : index
    %get3A_9 = arith.constant 0 : index
    %get3A_10 = arith.constant 0 : index
    %get3A_11 = arith.constant 0 : index
    %get3A_12 = vector.load %arg1[%get3A_8, %get3A_9, %get3A_10, %get3A_11] : memref<2x1x1000x128xf32, #tpu.memory_space<vmem>>, vector<1x1x1000x128xf32>
    %get3A_13 = vector.shape_cast %get3A_12 : vector<1x1x1000x128xf32> to vector<1000x128xf32>
    %get3A_14 = arith.constant 1 : index
    %get3A_15 = arith.constant 0 : index
    %get3A_16 = arith.constant 0 : index
    %get3A_17 = arith.constant 0 : index
    %get3A_18 = vector.load %arg1[%get3A_14, %get3A_15, %get3A_16, %get3A_17] : memref<2x1x1000x128xf32, #tpu.memory_space<vmem>>, vector<1x1x1000x128xf32>
    %get3A_19 = vector.shape_cast %get3A_18 : vector<1x1x1000x128xf32> to vector<1000x128xf32>
    %add3A_20 = arith.addf %get3A_13, %get3A_19 : vector<1000x128xf32>
    %get3A_21 = arith.constant 0 : index
    %get3A_22 = arith.constant 0 : index
    %get3A_23 = arith.constant 0 : index
    %get3A_24 = vector.load %arg2[%get3A_21, %get3A_22, %get3A_23] : memref<1x1000x128xf32, #tpu.memory_space<vmem>>, vector<1x1000x128xf32>
    %get3A_25 = vector.shape_cast %get3A_24 : vector<1x1000x128xf32> to vector<1000x128xf32>
    %add3A_26 = arith.addf %add3A_20, %get3A_25 : vector<1000x128xf32>
    %mul3A = vector.broadcast %broadcast_in_dim3A : vector<1000x1xf32> to vector<1000x128xf32>
    %mul3A_27 = arith.mulf %mul3A, %add3A_26 : vector<1000x128xf32>
    %get3A_28 = arith.constant 0 : index
    %get3A_29 = arith.constant 0 : index
    %get3A_30 = vector.load %arg4[%get3A_28, %get3A_29] : memref<1x128xf32, #tpu.memory_space<vmem>>, vector<1x128xf32>
    %get3A_31 = vector.shape_cast %get3A_30 : vector<1x128xf32> to vector<128xf32>
    %broadcast_in_dim3A_32 = vector.shape_cast %get3A_31 : vector<128xf32> to vector<1x128xf32>
    %add3A_33 = vector.broadcast %broadcast_in_dim3A_32 : vector<1x128xf32> to vector<1000x128xf32>
    %add3A_34 = arith.addf %mul3A_27, %add3A_33 : vector<1000x128xf32>
    %max3A = arith.constant 0.000000e+00 : f32
    %max3A_35 = vector.broadcast %max3A : f32 to vector<1000x128xf32>
    %max3A_36 = arith.maximumf %add3A_34, %max3A_35 : vector<1000x128xf32>
    %get3A_37 = arith.constant 0 : index
    %get3A_38 = arith.constant 0 : index
    %get3A_39 = vector.load %arg5[%get3A_37, %get3A_38] : memref<128x256xf32, #tpu.memory_space<vmem>>, vector<128x256xf32>
    %dot_general3A = arith.constant dense<0.000000e+00> : vector<1000x256xf32>
    %dot_general3A_40 = tpu.matmul %max3A_36, %get3A_39, %dot_general3A {dimension_numbers = #tpu.dot_dimension_numbers<[1], [0], [0], [1], [0, 0, 1, 1], [], []>, transpose_lhs_hint = false} : vector<1000x128xf32>, vector<128x256xf32>, vector<1000x256xf32> -> vector<1000x256xf32>
    %mul3A_41 = vector.broadcast %broadcast_in_dim3A : vector<1000x1xf32> to vector<1000x256xf32>
    %mul3A_42 = arith.mulf %dot_general3A_40, %mul3A_41 : vector<1000x256xf32>
    %slice3A_43 = vector.extract_strided_slice %mul3A_42 {offsets = [0, 0], sizes = [1000, 128], strides = [1, 1]} : vector<1000x256xf32> to vector<1000x128xf32>
    %swap3A = arith.constant 0 : index
    %swap3A_44 = arith.constant 0 : index
    %swap3A_45 = arith.constant 0 : index
    %swap3A_46 = vector.load %arg6[%swap3A, %swap3A_44, %swap3A_45] : memref<2x1000x128xf32, #tpu.memory_space<vmem>>, vector<1x1000x128xf32>
    %swap3A_47 = vector.shape_cast %swap3A_46 : vector<1x1000x128xf32> to vector<1000x128xf32>
    %swap3A_48 = vector.shape_cast %slice3A_43 : vector<1000x128xf32> to vector<1x1000x128xf32>
    tpu.vector_store %arg6[%swap3A, %swap3A_44, %swap3A_45], %swap3A_48 {strides = array<i32>} : memref<2x1000x128xf32, #tpu.memory_space<vmem>>, vector<1x1000x128xf32>,
    %slice3A_49 = vector.extract_strided_slice %mul3A_42 {offsets = [0, 128], sizes = [1000, 128], strides = [1, 1]} : vector<1000x256xf32> to vector<1000x128xf32>
    %swap3A_50 = arith.constant 1 : index
    %swap3A_51 = arith.constant 0 : index
    %swap3A_52 = arith.constant 0 : index
    %swap3A_53 = vector.load %arg6[%swap3A_50, %swap3A_51, %swap3A_52] : memref<2x1000x128xf32, #tpu.memory_space<vmem>>, vector<1x1000x128xf32>
    %swap3A_54 = vector.shape_cast %swap3A_53 : vector<1x1000x128xf32> to vector<1000x128xf32>
    %swap3A_55 = vector.shape_cast %slice3A_49 : vector<1000x128xf32> to vector<1x1000x128xf32>
    tpu.vector_store %arg6[%swap3A_50, %swap3A_51, %swap3A_52], %swap3A_55 {strides = array<i32>} : memref<2x1000x128xf32, #tpu.memory_space<vmem>>, vector<1x1000x128xf32>,
    return
  }
  func.func @transform_0(%arg0: i32) -> (i32, i32, i32, i32) {
    %c0_i32 = arith.constant 0 : i32
    %c0_i32_0 = arith.constant 0 : i32
    %c0_i32_1 = arith.constant 0 : i32
    %c0_i32_2 = arith.constant 0 : i32
    return %c0_i32, %c0_i32_0, %arg0, %c0_i32_1 : i32, i32, i32, i32
  }
  func.func @transform_1(%arg0: i32) -> (i32, i32, i32) {
    %c0_i32 = arith.constant 0 : i32
    %c0_i32_0 = arith.constant 0 : i32
    %c0_i32_1 = arith.constant 0 : i32
    return %c0_i32, %arg0, %c0_i32_0 : i32, i32, i32
  }
  func.func @transform_2(%arg0: i32) -> (i32, i32, i32) {
    %c0_i32 = arith.constant 0 : i32
    %c0_i32_0 = arith.constant 0 : i32
    %c0_i32_1 = arith.constant 0 : i32
    return %c0_i32, %arg0, %c0_i32_0 : i32, i32, i32
  }
  func.func @transform_3(%arg0: i32) -> (i32, i32) {
    %c0_i32 = arith.constant 0 : i32
    %c0_i32_0 = arith.constant 0 : i32
    %c0_i32_1 = arith.constant 0 : i32
    return %c0_i32, %c0_i32_0 : i32, i32
  }
  func.func @transform_4(%arg0: i32) -> (i32, i32) {
    %c0_i32 = arith.constant 0 : i32
    %c0_i32_0 = arith.constant 0 : i32
    %c0_i32_1 = arith.constant 0 : i32
    return %c0_i32, %c0_i32_0 : i32, i32
  }
  func.func @transform_5(%arg0: i32) -> (i32, i32, i32) {
    %c0_i32 = arith.constant 0 : i32
    %c0_i32_0 = arith.constant 0 : i32
    %c0_i32_1 = arith.constant 0 : i32
    return %c0_i32, %arg0, %c0_i32_0 : i32, i32, i32
  }
}

module attributes {stable_mosaic.version = 14 : i64} {
  func.func @body(%arg0: i32, %arg1: memref<2x2x1000x128xf32, #tpu.memory_space<vmem>>, %arg2: memref<2x1000x128xf32, #tpu.memory_space<vmem>>, %arg3: memref<2x1000x128xf32, #tpu.memory_space<vmem>>, %arg4: memref<1x256xf32, #tpu.memory_space<vmem>>, %arg5: memref<256x512xf32, #tpu.memory_space<vmem>>, %arg6: memref<4x1000x128xf32, #tpu.memory_space<vmem>>) attributes {dimension_semantics = [#tpu.dimension_semantics<arbitrary>], iteration_bounds = array<i64: 10>, scalar_prefetch = 0 : i64, scratch_operands = 0 : i64, tpu.core_type = #tpu.core_type<tc>, window_params = [{transform_indices = @transform_0, window_bounds = array<i64: 2, 2, 1000, 128>}, {transform_indices = @transform_1, window_bounds = array<i64: 2, 1000, 128>}, {transform_indices = @transform_2, window_bounds = array<i64: 2, 1000, 128>}, {pipeline_mode = #tpu.pipeline_mode<synchronous>, transform_indices = @transform_3, window_bounds = array<i64: 1, 256>}, {pipeline_mode = #tpu.pipeline_mode<synchronous>, transform_indices = @transform_4, window_bounds = array<i64: 256, 512>}, {transform_indices = @transform_5, window_bounds = array<i64: 4, 1000, 128>}]} {
    %get3A = arith.constant 0 : index
    %get3A_0 = arith.constant 0 : index
    %get3A_1 = arith.constant 0 : index
    %get3A_2 = vector.load %arg3[%get3A, %get3A_0, %get3A_1] : memref<2x1000x128xf32, #tpu.memory_space<vmem>>, vector<2x1000x128xf32>
    %slice3A = vector.extract_strided_slice %get3A_2 {offsets = [0, 0, 0], sizes = [1, 1000, 1], strides = [1, 1, 1]} : vector<2x1000x128xf32> to vector<1x1000x1xf32>
    %squeeze3A = vector.shape_cast %slice3A : vector<1x1000x1xf32> to vector<1000xf32>
    %slice3A_3 = vector.extract_strided_slice %get3A_2 {offsets = [1, 0, 0], sizes = [1, 1000, 1], strides = [1, 1, 1]} : vector<2x1000x128xf32> to vector<1x1000x1xf32>
    %squeeze3A_4 = vector.shape_cast %slice3A_3 : vector<1x1000x1xf32> to vector<1000xf32>
    %add3A = arith.addf %squeeze3A, %squeeze3A_4 : vector<1000xf32>
    %add3A_5 = arith.constant 1.000000e+00 : f32
    %add3A_6 = vector.broadcast %add3A_5 : f32 to vector<1000xf32>
    %add3A_7 = arith.addf %add3A, %add3A_6 : vector<1000xf32>
    %rsqrt3A = math.rsqrt %add3A_7 : vector<1000xf32>
    %broadcast_in_dim3A = vector.shape_cast %rsqrt3A : vector<1000xf32> to vector<1000x1xf32>
    %get3A_8 = arith.constant 0 : index
    %get3A_9 = arith.constant 0 : index
    %get3A_10 = arith.constant 0 : index
    %get3A_11 = arith.constant 0 : index
    %get3A_12 = vector.load %arg1[%get3A_8, %get3A_9, %get3A_10, %get3A_11] : memref<2x2x1000x128xf32, #tpu.memory_space<vmem>>, vector<1x1x1000x128xf32>
    %get3A_13 = vector.shape_cast %get3A_12 : vector<1x1x1000x128xf32> to vector<1000x128xf32>
    %get3A_14 = arith.constant 1 : index
    %get3A_15 = arith.constant 0 : index
    %get3A_16 = arith.constant 0 : index
    %get3A_17 = arith.constant 0 : index
    %get3A_18 = vector.load %arg1[%get3A_14, %get3A_15, %get3A_16, %get3A_17] : memref<2x2x1000x128xf32, #tpu.memory_space<vmem>>, vector<1x1x1000x128xf32>
    %get3A_19 = vector.shape_cast %get3A_18 : vector<1x1x1000x128xf32> to vector<1000x128xf32>
    %add3A_20 = arith.addf %get3A_13, %get3A_19 : vector<1000x128xf32>
    %get3A_21 = arith.constant 0 : index
    %get3A_22 = arith.constant 0 : index
    %get3A_23 = arith.constant 0 : index
    %get3A_24 = vector.load %arg2[%get3A_21, %get3A_22, %get3A_23] : memref<2x1000x128xf32, #tpu.memory_space<vmem>>, vector<1x1000x128xf32>
    %get3A_25 = vector.shape_cast %get3A_24 : vector<1x1000x128xf32> to vector<1000x128xf32>
    %add3A_26 = arith.addf %add3A_20, %get3A_25 : vector<1000x128xf32>
    %mul3A = vector.broadcast %broadcast_in_dim3A : vector<1000x1xf32> to vector<1000x128xf32>
    %mul3A_27 = arith.mulf %mul3A, %add3A_26 : vector<1000x128xf32>
    %get3A_28 = arith.constant 0 : index
    %get3A_29 = arith.constant 0 : index
    %get3A_30 = vector.load %arg4[%get3A_28, %get3A_29] : memref<1x256xf32, #tpu.memory_space<vmem>>, vector<1x128xf32>
    %get3A_31 = vector.shape_cast %get3A_30 : vector<1x128xf32> to vector<128xf32>
    %broadcast_in_dim3A_32 = vector.shape_cast %get3A_31 : vector<128xf32> to vector<1x128xf32>
    %add3A_33 = vector.broadcast %broadcast_in_dim3A_32 : vector<1x128xf32> to vector<1000x128xf32>
    %add3A_34 = arith.addf %mul3A_27, %add3A_33 : vector<1000x128xf32>
    %max3A = arith.constant 0.000000e+00 : f32
    %max3A_35 = vector.broadcast %max3A : f32 to vector<1000x128xf32>
    %max3A_36 = arith.maximumf %add3A_34, %max3A_35 : vector<1000x128xf32>
    %get3A_37 = arith.constant 0 : index
    %get3A_38 = arith.constant 1 : index
    %get3A_39 = arith.constant 0 : index
    %get3A_40 = arith.constant 0 : index
    %get3A_41 = vector.load %arg1[%get3A_37, %get3A_38, %get3A_39, %get3A_40] : memref<2x2x1000x128xf32, #tpu.memory_space<vmem>>, vector<1x1x1000x128xf32>
    %get3A_42 = vector.shape_cast %get3A_41 : vector<1x1x1000x128xf32> to vector<1000x128xf32>
    %get3A_43 = arith.constant 1 : index
    %get3A_44 = arith.constant 1 : index
    %get3A_45 = arith.constant 0 : index
    %get3A_46 = arith.constant 0 : index
    %get3A_47 = vector.load %arg1[%get3A_43, %get3A_44, %get3A_45, %get3A_46] : memref<2x2x1000x128xf32, #tpu.memory_space<vmem>>, vector<1x1x1000x128xf32>
    %get3A_48 = vector.shape_cast %get3A_47 : vector<1x1x1000x128xf32> to vector<1000x128xf32>
    %add3A_49 = arith.addf %get3A_42, %get3A_48 : vector<1000x128xf32>
    %get3A_50 = arith.constant 1 : index
    %get3A_51 = arith.constant 0 : index
    %get3A_52 = arith.constant 0 : index
    %get3A_53 = vector.load %arg2[%get3A_50, %get3A_51, %get3A_52] : memref<2x1000x128xf32, #tpu.memory_space<vmem>>, vector<1x1000x128xf32>
    %get3A_54 = vector.shape_cast %get3A_53 : vector<1x1000x128xf32> to vector<1000x128xf32>
    %add3A_55 = arith.addf %add3A_49, %get3A_54 : vector<1000x128xf32>
    %mul3A_56 = vector.broadcast %broadcast_in_dim3A : vector<1000x1xf32> to vector<1000x128xf32>
    %mul3A_57 = arith.mulf %mul3A_56, %add3A_55 : vector<1000x128xf32>
    %get3A_58 = arith.constant 0 : index
    %get3A_59 = arith.constant 128 : index
    %get3A_60 = vector.load %arg4[%get3A_58, %get3A_59] : memref<1x256xf32, #tpu.memory_space<vmem>>, vector<1x128xf32>
    %get3A_61 = vector.shape_cast %get3A_60 : vector<1x128xf32> to vector<128xf32>
    %broadcast_in_dim3A_62 = vector.shape_cast %get3A_61 : vector<128xf32> to vector<1x128xf32>
    %add3A_63 = vector.broadcast %broadcast_in_dim3A_62 : vector<1x128xf32> to vector<1000x128xf32>
    %add3A_64 = arith.addf %mul3A_57, %add3A_63 : vector<1000x128xf32>
    %max3A_65 = arith.constant 0.000000e+00 : f32
    %max3A_66 = vector.broadcast %max3A_65 : f32 to vector<1000x128xf32>
    %max3A_67 = arith.maximumf %add3A_64, %max3A_66 : vector<1000x128xf32>
    %concatenate3A = tpu.concatenate %max3A_36, %max3A_67 in 1 : vector<1000x128xf32>, vector<1000x128xf32> -> vector<1000x256xf32>
    %get3A_68 = arith.constant 0 : index
    %get3A_69 = arith.constant 0 : index
    %get3A_70 = vector.load %arg5[%get3A_68, %get3A_69] : memref<256x512xf32, #tpu.memory_space<vmem>>, vector<256x512xf32>
    %dot_general3A = arith.constant dense<0.000000e+00> : vector<1000x512xf32>
    %dot_general3A_71 = tpu.matmul %concatenate3A, %get3A_70, %dot_general3A {dimension_numbers = #tpu.dot_dimension_numbers<[1], [0], [0], [1], [0, 0, 1, 1], [], []>, transpose_lhs_hint = false} : vector<1000x256xf32>, vector<256x512xf32>, vector<1000x512xf32> -> vector<1000x512xf32>
    %mul3A_72 = vector.broadcast %broadcast_in_dim3A : vector<1000x1xf32> to vector<1000x512xf32>
    %mul3A_73 = arith.mulf %dot_general3A_71, %mul3A_72 : vector<1000x512xf32>
    %slice3A_74 = vector.extract_strided_slice %mul3A_73 {offsets = [0, 0], sizes = [1000, 128], strides = [1, 1]} : vector<1000x512xf32> to vector<1000x128xf32>
    %swap3A = arith.constant 0 : index
    %swap3A_75 = arith.constant 0 : index
    %swap3A_76 = arith.constant 0 : index
    %swap3A_77 = vector.load %arg6[%swap3A, %swap3A_75, %swap3A_76] : memref<4x1000x128xf32, #tpu.memory_space<vmem>>, vector<1x1000x128xf32>
    %swap3A_78 = vector.shape_cast %swap3A_77 : vector<1x1000x128xf32> to vector<1000x128xf32>
    %swap3A_79 = vector.shape_cast %slice3A_74 : vector<1000x128xf32> to vector<1x1000x128xf32>
    tpu.vector_store %arg6[%swap3A, %swap3A_75, %swap3A_76], %swap3A_79 {strides = array<i32>} : memref<4x1000x128xf32, #tpu.memory_space<vmem>>, vector<1x1000x128xf32>,
    %slice3A_80 = vector.extract_strided_slice %mul3A_73 {offsets = [0, 128], sizes = [1000, 128], strides = [1, 1]} : vector<1000x512xf32> to vector<1000x128xf32>
    %swap3A_81 = arith.constant 1 : index
    %swap3A_82 = arith.constant 0 : index
    %swap3A_83 = arith.constant 0 : index
    %swap3A_84 = vector.load %arg6[%swap3A_81, %swap3A_82, %swap3A_83] : memref<4x1000x128xf32, #tpu.memory_space<vmem>>, vector<1x1000x128xf32>
    %swap3A_85 = vector.shape_cast %swap3A_84 : vector<1x1000x128xf32> to vector<1000x128xf32>
    %swap3A_86 = vector.shape_cast %slice3A_80 : vector<1000x128xf32> to vector<1x1000x128xf32>
    tpu.vector_store %arg6[%swap3A_81, %swap3A_82, %swap3A_83], %swap3A_86 {strides = array<i32>} : memref<4x1000x128xf32, #tpu.memory_space<vmem>>, vector<1x1000x128xf32>,
    %slice3A_87 = vector.extract_strided_slice %mul3A_73 {offsets = [0, 256], sizes = [1000, 128], strides = [1, 1]} : vector<1000x512xf32> to vector<1000x128xf32>
    %swap3A_88 = arith.constant 2 : index
    %swap3A_89 = arith.constant 0 : index
    %swap3A_90 = arith.constant 0 : index
    %swap3A_91 = vector.load %arg6[%swap3A_88, %swap3A_89, %swap3A_90] : memref<4x1000x128xf32, #tpu.memory_space<vmem>>, vector<1x1000x128xf32>
    %swap3A_92 = vector.shape_cast %swap3A_91 : vector<1x1000x128xf32> to vector<1000x128xf32>
    %swap3A_93 = vector.shape_cast %slice3A_87 : vector<1000x128xf32> to vector<1x1000x128xf32>
    tpu.vector_store %arg6[%swap3A_88, %swap3A_89, %swap3A_90], %swap3A_93 {strides = array<i32>} : memref<4x1000x128xf32, #tpu.memory_space<vmem>>, vector<1x1000x128xf32>,
    %slice3A_94 = vector.extract_strided_slice %mul3A_73 {offsets = [0, 384], sizes = [1000, 128], strides = [1, 1]} : vector<1000x512xf32> to vector<1000x128xf32>
    %swap3A_95 = arith.constant 3 : index
    %swap3A_96 = arith.constant 0 : index
    %swap3A_97 = arith.constant 0 : index
    %swap3A_98 = vector.load %arg6[%swap3A_95, %swap3A_96, %swap3A_97] : memref<4x1000x128xf32, #tpu.memory_space<vmem>>, vector<1x1000x128xf32>
    %swap3A_99 = vector.shape_cast %swap3A_98 : vector<1x1000x128xf32> to vector<1000x128xf32>
    %swap3A_100 = vector.shape_cast %slice3A_94 : vector<1000x128xf32> to vector<1x1000x128xf32>
    tpu.vector_store %arg6[%swap3A_95, %swap3A_96, %swap3A_97], %swap3A_100 {strides = array<i32>} : memref<4x1000x128xf32, #tpu.memory_space<vmem>>, vector<1x1000x128xf32>,
    return
  }
  func.func @transform_0(%arg0: i32) -> (i32, i32, i32, i32) {
    %c0_i32 = arith.constant 0 : i32
    %c0_i32_0 = arith.constant 0 : i32
    %c0_i32_1 = arith.constant 0 : i32
    %c0_i32_2 = arith.constant 0 : i32
    return %c0_i32, %c0_i32_0, %arg0, %c0_i32_1 : i32, i32, i32, i32
  }
  func.func @transform_1(%arg0: i32) -> (i32, i32, i32) {
    %c0_i32 = arith.constant 0 : i32
    %c0_i32_0 = arith.constant 0 : i32
    %c0_i32_1 = arith.constant 0 : i32
    return %c0_i32, %arg0, %c0_i32_0 : i32, i32, i32
  }
  func.func @transform_2(%arg0: i32) -> (i32, i32, i32) {
    %c0_i32 = arith.constant 0 : i32
    %c0_i32_0 = arith.constant 0 : i32
    %c0_i32_1 = arith.constant 0 : i32
    return %c0_i32, %arg0, %c0_i32_0 : i32, i32, i32
  }
  func.func @transform_3(%arg0: i32) -> (i32, i32) {
    %c0_i32 = arith.constant 0 : i32
    %c0_i32_0 = arith.constant 0 : i32
    %c0_i32_1 = arith.constant 0 : i32
    return %c0_i32, %c0_i32_0 : i32, i32
  }
  func.func @transform_4(%arg0: i32) -> (i32, i32) {
    %c0_i32 = arith.constant 0 : i32
    %c0_i32_0 = arith.constant 0 : i32
    %c0_i32_1 = arith.constant 0 : i32
    return %c0_i32, %c0_i32_0 : i32, i32
  }
  func.func @transform_5(%arg0: i32) -> (i32, i32, i32) {
    %c0_i32 = arith.constant 0 : i32
    %c0_i32_0 = arith.constant 0 : i32
    %c0_i32_1 = arith.constant 0 : i32
    return %c0_i32, %arg0, %c0_i32_0 : i32, i32, i32
  }
}

module attributes {stable_mosaic.version = 14 : i64} {
  func.func @body(%arg0: i32, %arg1: memref<2x4x1000x128xf32, #tpu.memory_space<vmem>>, %arg2: memref<4x1000x128xf32, #tpu.memory_space<vmem>>, %arg3: memref<2x1000x128xf32, #tpu.memory_space<vmem>>, %arg4: memref<1x512xf32, #tpu.memory_space<vmem>>, %arg5: memref<1x1x1000xi32, #tpu.memory_space<smem>>, %arg6: memref<512x1024xf32, #tpu.memory_space<vmem>>, %arg7: memref<1x1024xf32, #tpu.memory_space<vmem>>, %arg8: memref<1024x128xf32, #tpu.memory_space<vmem>>, %arg9: memref<1x128xf32, #tpu.memory_space<vmem>>, %arg10: memref<256x128xf32, #tpu.memory_space<vmem>>, %arg11: memref<256x512xf32, #tpu.memory_space<vmem>>, %arg12: memref<1000x512xf32, #tpu.memory_space<vmem>>) attributes {dimension_semantics = [#tpu.dimension_semantics<arbitrary>], iteration_bounds = array<i64: 10>, scalar_prefetch = 0 : i64, scratch_operands = 2 : i64, tpu.core_type = #tpu.core_type<tc>, window_params = [{transform_indices = @transform_0, window_bounds = array<i64: 2, 4, 1000, 128>}, {transform_indices = @transform_1, window_bounds = array<i64: 4, 1000, 128>}, {transform_indices = @transform_2, window_bounds = array<i64: 2, 1000, 128>}, {pipeline_mode = #tpu.pipeline_mode<synchronous>, transform_indices = @transform_3, window_bounds = array<i64: 1, 512>}, {transform_indices = @transform_4, window_bounds = array<i64: 1, 1, 1000>}, {pipeline_mode = #tpu.pipeline_mode<synchronous>, transform_indices = @transform_5, window_bounds = array<i64: 512, 1024>}, {pipeline_mode = #tpu.pipeline_mode<synchronous>, transform_indices = @transform_6, window_bounds = array<i64: 1, 1024>}, {pipeline_mode = #tpu.pipeline_mode<synchronous>, transform_indices = @transform_7, window_bounds = array<i64: 1024, 128>}, {pipeline_mode = #tpu.pipeline_mode<synchronous>, transform_indices = @transform_8, window_bounds = array<i64: 1, 128>}, {pipeline_mode = #tpu.pipeline_mode<synchronous>, transform_indices = @transform_9, window_bounds = array<i64: 256, 128>}]} {
    %eq3A = arith.constant 0 : i32
    %eq3A_0 = arith.cmpi eq, %arg0, %eq3A : i32
    %convert_element_type3A = arith.extui %eq3A_0 : i1 to i32
    %cond3A = arith.constant 0 : i32
    %cond3A_1 = arith.cmpi ne, %convert_element_type3A, %cond3A : i32
    scf.if %cond3A_1 {
      %broadcast_in_dim3A_143 = arith.constant 0xFF800000 : f32
      %broadcast_in_dim3A_144 = vector.broadcast %broadcast_in_dim3A_143 : f32 to vector<256x512xf32>
      %swap3A_145 = arith.constant 0 : index
      %swap3A_146 = arith.constant 0 : index
      %swap3A_147 = vector.load %arg11[%swap3A_145, %swap3A_146] : memref<256x512xf32, #tpu.memory_space<vmem>>, vector<256x512xf32>
      tpu.vector_store %arg11[%swap3A_145, %swap3A_146], %broadcast_in_dim3A_144 {strides = array<i32>} : memref<256x512xf32, #tpu.memory_space<vmem>>, vector<256x512xf32>,
    } else {
    }
    %get3A = arith.constant 0 : index
    %get3A_2 = arith.constant 0 : index
    %get3A_3 = arith.constant 0 : index
    %get3A_4 = vector.load %arg3[%get3A, %get3A_2, %get3A_3] : memref<2x1000x128xf32, #tpu.memory_space<vmem>>, vector<2x1000x128xf32>
    %slice3A = vector.extract_strided_slice %get3A_4 {offsets = [0, 0, 0], sizes = [1, 1000, 1], strides = [1, 1, 1]} : vector<2x1000x128xf32> to vector<1x1000x1xf32>
    %squeeze3A = vector.shape_cast %slice3A : vector<1x1000x1xf32> to vector<1000xf32>
    %slice3A_5 = vector.extract_strided_slice %get3A_4 {offsets = [1, 0, 0], sizes = [1, 1000, 1], strides = [1, 1, 1]} : vector<2x1000x128xf32> to vector<1x1000x1xf32>
    %squeeze3A_6 = vector.shape_cast %slice3A_5 : vector<1x1000x1xf32> to vector<1000xf32>
    %add3A = arith.addf %squeeze3A, %squeeze3A_6 : vector<1000xf32>
    %add3A_7 = arith.constant 1.000000e+00 : f32
    %add3A_8 = vector.broadcast %add3A_7 : f32 to vector<1000xf32>
    %add3A_9 = arith.addf %add3A, %add3A_8 : vector<1000xf32>
    %rsqrt3A = math.rsqrt %add3A_9 : vector<1000xf32>
    %broadcast_in_dim3A = vector.shape_cast %rsqrt3A : vector<1000xf32> to vector<1000x1xf32>
    %get3A_10 = arith.constant 0 : index
    %get3A_11 = arith.constant 0 : index
    %get3A_12 = arith.constant 0 : index
    %get3A_13 = arith.constant 0 : index
    %get3A_14 = vector.load %arg1[%get3A_10, %get3A_11, %get3A_12, %get3A_13] : memref<2x4x1000x128xf32, #tpu.memory_space<vmem>>, vector<1x1x1000x128xf32>
    %get3A_15 = vector.shape_cast %get3A_14 : vector<1x1x1000x128xf32> to vector<1000x128xf32>
    %get3A_16 = arith.constant 1 : index
    %get3A_17 = arith.constant 0 : index
    %get3A_18 = arith.constant 0 : index
    %get3A_19 = arith.constant 0 : index
    %get3A_20 = vector.load %arg1[%get3A_16, %get3A_17, %get3A_18, %get3A_19] : memref<2x4x1000x128xf32, #tpu.memory_space<vmem>>, vector<1x1x1000x128xf32>
    %get3A_21 = vector.shape_cast %get3A_20 : vector<1x1x1000x128xf32> to vector<1000x128xf32>
    %add3A_22 = arith.addf %get3A_15, %get3A_21 : vector<1000x128xf32>
    %get3A_23 = arith.constant 0 : index
    %get3A_24 = arith.constant 0 : index
    %get3A_25 = arith.constant 0 : index
    %get3A_26 = vector.load %arg2[%get3A_23, %get3A_24, %get3A_25] : memref<4x1000x128xf32, #tpu.memory_space<vmem>>, vector<1x1000x128xf32>
    %get3A_27 = vector.shape_cast %get3A_26 : vector<1x1000x128xf32> to vector<1000x128xf32>
    %add3A_28 = arith.addf %add3A_22, %get3A_27 : vector<1000x128xf32>
    %mul3A = vector.broadcast %broadcast_in_dim3A : vector<1000x1xf32> to vector<1000x128xf32>
    %mul3A_29 = arith.mulf %mul3A, %add3A_28 : vector<1000x128xf32>
    %get3A_30 = arith.constant 0 : index
    %get3A_31 = arith.constant 0 : index
    %get3A_32 = vector.load %arg4[%get3A_30, %get3A_31] : memref<1x512xf32, #tpu.memory_space<vmem>>, vector<1x128xf32>
    %get3A_33 = vector.shape_cast %get3A_32 : vector<1x128xf32> to vector<128xf32>
    %broadcast_in_dim3A_34 = vector.shape_cast %get3A_33 : vector<128xf32> to vector<1x128xf32>
    %add3A_35 = vector.broadcast %broadcast_in_dim3A_34 : vector<1x128xf32> to vector<1000x128xf32>
    %add3A_36 = arith.addf %mul3A_29, %add3A_35 : vector<1000x128xf32>
    %max3A = arith.constant 0.000000e+00 : f32
    %max3A_37 = vector.broadcast %max3A : f32 to vector<1000x128xf32>
    %max3A_38 = arith.maximumf %add3A_36, %max3A_37 : vector<1000x128xf32>
    %get3A_39 = arith.constant 0 : index
    %get3A_40 = arith.constant 1 : index
    %get3A_41 = arith.constant 0 : index
    %get3A_42 = arith.constant 0 : index
    %get3A_43 = vector.load %arg1[%get3A_39, %get3A_40, %get3A_41, %get3A_42] : memref<2x4x1000x128xf32, #tpu.memory_space<vmem>>, vector<1x1x1000x128xf32>
    %get3A_44 = vector.shape_cast %get3A_43 : vector<1x1x1000x128xf32> to vector<1000x128xf32>
    %get3A_45 = arith.constant 1 : index
    %get3A_46 = arith.constant 1 : index
    %get3A_47 = arith.constant 0 : index
    %get3A_48 = arith.constant 0 : index
    %get3A_49 = vector.load %arg1[%get3A_45, %get3A_46, %get3A_47, %get3A_48] : memref<2x4x1000x128xf32, #tpu.memory_space<vmem>>, vector<1x1x1000x128xf32>
    %get3A_50 = vector.shape_cast %get3A_49 : vector<1x1x1000x128xf32> to vector<1000x128xf32>
    %add3A_51 = arith.addf %get3A_44, %get3A_50 : vector<1000x128xf32>
    %get3A_52 = arith.constant 1 : index
    %get3A_53 = arith.constant 0 : index
    %get3A_54 = arith.constant 0 : index
    %get3A_55 = vector.load %arg2[%get3A_52, %get3A_53, %get3A_54] : memref<4x1000x128xf32, #tpu.memory_space<vmem>>, vector<1x1000x128xf32>
    %get3A_56 = vector.shape_cast %get3A_55 : vector<1x1000x128xf32> to vector<1000x128xf32>
    %add3A_57 = arith.addf %add3A_51, %get3A_56 : vector<1000x128xf32>
    %mul3A_58 = vector.broadcast %broadcast_in_dim3A : vector<1000x1xf32> to vector<1000x128xf32>
    %mul3A_59 = arith.mulf %mul3A_58, %add3A_57 : vector<1000x128xf32>
    %get3A_60 = arith.constant 0 : index
    %get3A_61 = arith.constant 128 : index
    %get3A_62 = vector.load %arg4[%get3A_60, %get3A_61] : memref<1x512xf32, #tpu.memory_space<vmem>>, vector<1x128xf32>
    %get3A_63 = vector.shape_cast %get3A_62 : vector<1x128xf32> to vector<128xf32>
    %broadcast_in_dim3A_64 = vector.shape_cast %get3A_63 : vector<128xf32> to vector<1x128xf32>
    %add3A_65 = vector.broadcast %broadcast_in_dim3A_64 : vector<1x128xf32> to vector<1000x128xf32>
    %add3A_66 = arith.addf %mul3A_59, %add3A_65 : vector<1000x128xf32>
    %max3A_67 = arith.constant 0.000000e+00 : f32
    %max3A_68 = vector.broadcast %max3A_67 : f32 to vector<1000x128xf32>
    %max3A_69 = arith.maximumf %add3A_66, %max3A_68 : vector<1000x128xf32>
    %get3A_70 = arith.constant 0 : index
    %get3A_71 = arith.constant 2 : index
    %get3A_72 = arith.constant 0 : index
    %get3A_73 = arith.constant 0 : index
    %get3A_74 = vector.load %arg1[%get3A_70, %get3A_71, %get3A_72, %get3A_73] : memref<2x4x1000x128xf32, #tpu.memory_space<vmem>>, vector<1x1x1000x128xf32>
    %get3A_75 = vector.shape_cast %get3A_74 : vector<1x1x1000x128xf32> to vector<1000x128xf32>
    %get3A_76 = arith.constant 1 : index
    %get3A_77 = arith.constant 2 : index
    %get3A_78 = arith.constant 0 : index
    %get3A_79 = arith.constant 0 : index
    %get3A_80 = vector.load %arg1[%get3A_76, %get3A_77, %get3A_78, %get3A_79] : memref<2x4x1000x128xf32, #tpu.memory_space<vmem>>, vector<1x1x1000x128xf32>
    %get3A_81 = vector.shape_cast %get3A_80 : vector<1x1x1000x128xf32> to vector<1000x128xf32>
    %add3A_82 = arith.addf %get3A_75, %get3A_81 : vector<1000x128xf32>
    %get3A_83 = arith.constant 2 : index
    %get3A_84 = arith.constant 0 : index
    %get3A_85 = arith.constant 0 : index
    %get3A_86 = vector.load %arg2[%get3A_83, %get3A_84, %get3A_85] : memref<4x1000x128xf32, #tpu.memory_space<vmem>>, vector<1x1000x128xf32>
    %get3A_87 = vector.shape_cast %get3A_86 : vector<1x1000x128xf32> to vector<1000x128xf32>
    %add3A_88 = arith.addf %add3A_82, %get3A_87 : vector<1000x128xf32>
    %mul3A_89 = vector.broadcast %broadcast_in_dim3A : vector<1000x1xf32> to vector<1000x128xf32>
    %mul3A_90 = arith.mulf %mul3A_89, %add3A_88 : vector<1000x128xf32>
    %get3A_91 = arith.constant 0 : index
    %get3A_92 = arith.constant 256 : index
    %get3A_93 = vector.load %arg4[%get3A_91, %get3A_92] : memref<1x512xf32, #tpu.memory_space<vmem>>, vector<1x128xf32>
    %get3A_94 = vector.shape_cast %get3A_93 : vector<1x128xf32> to vector<128xf32>
    %broadcast_in_dim3A_95 = vector.shape_cast %get3A_94 : vector<128xf32> to vector<1x128xf32>
    %add3A_96 = vector.broadcast %broadcast_in_dim3A_95 : vector<1x128xf32> to vector<1000x128xf32>
    %add3A_97 = arith.addf %mul3A_90, %add3A_96 : vector<1000x128xf32>
    %max3A_98 = arith.constant 0.000000e+00 : f32
    %max3A_99 = vector.broadcast %max3A_98 : f32 to vector<1000x128xf32>
    %max3A_100 = arith.maximumf %add3A_97, %max3A_99 : vector<1000x128xf32>
    %get3A_101 = arith.constant 0 : index
    %get3A_102 = arith.constant 3 : index
    %get3A_103 = arith.constant 0 : index
    %get3A_104 = arith.constant 0 : index
    %get3A_105 = vector.load %arg1[%get3A_101, %get3A_102, %get3A_103, %get3A_104] : memref<2x4x1000x128xf32, #tpu.memory_space<vmem>>, vector<1x1x1000x128xf32>
    %get3A_106 = vector.shape_cast %get3A_105 : vector<1x1x1000x128xf32> to vector<1000x128xf32>
    %get3A_107 = arith.constant 1 : index
    %get3A_108 = arith.constant 3 : index
    %get3A_109 = arith.constant 0 : index
    %get3A_110 = arith.constant 0 : index
    %get3A_111 = vector.load %arg1[%get3A_107, %get3A_108, %get3A_109, %get3A_110] : memref<2x4x1000x128xf32, #tpu.memory_space<vmem>>, vector<1x1x1000x128xf32>
    %get3A_112 = vector.shape_cast %get3A_111 : vector<1x1x1000x128xf32> to vector<1000x128xf32>
    %add3A_113 = arith.addf %get3A_106, %get3A_112 : vector<1000x128xf32>
    %get3A_114 = arith.constant 3 : index
    %get3A_115 = arith.constant 0 : index
    %get3A_116 = arith.constant 0 : index
    %get3A_117 = vector.load %arg2[%get3A_114, %get3A_115, %get3A_116] : memref<4x1000x128xf32, #tpu.memory_space<vmem>>, vector<1x1000x128xf32>
    %get3A_118 = vector.shape_cast %get3A_117 : vector<1x1000x128xf32> to vector<1000x128xf32>
    %add3A_119 = arith.addf %add3A_113, %get3A_118 : vector<1000x128xf32>
    %mul3A_120 = vector.broadcast %broadcast_in_dim3A : vector<1000x1xf32> to vector<1000x128xf32>
    %mul3A_121 = arith.mulf %mul3A_120, %add3A_119 : vector<1000x128xf32>
    %get3A_122 = arith.constant 0 : index
    %get3A_123 = arith.constant 384 : index
    %get3A_124 = vector.load %arg4[%get3A_122, %get3A_123] : memref<1x512xf32, #tpu.memory_space<vmem>>, vector<1x128xf32>
    %get3A_125 = vector.shape_cast %get3A_124 : vector<1x128xf32> to vector<128xf32>
    %broadcast_in_dim3A_126 = vector.shape_cast %get3A_125 : vector<128xf32> to vector<1x128xf32>
    %add3A_127 = vector.broadcast %broadcast_in_dim3A_126 : vector<1x128xf32> to vector<1000x128xf32>
    %add3A_128 = arith.addf %mul3A_121, %add3A_127 : vector<1000x128xf32>
    %max3A_129 = arith.constant 0.000000e+00 : f32
    %max3A_130 = vector.broadcast %max3A_129 : f32 to vector<1000x128xf32>
    %max3A_131 = arith.maximumf %add3A_128, %max3A_130 : vector<1000x128xf32>
    %concatenate3A = tpu.concatenate %max3A_38, %max3A_69, %max3A_100, %max3A_131 in 1 : vector<1000x128xf32>, vector<1000x128xf32>, vector<1000x128xf32>, vector<1000x128xf32> -> vector<1000x512xf32>
    %swap3A = arith.constant 0 : index
    %swap3A_132 = arith.constant 0 : index
    %swap3A_133 = vector.load %arg12[%swap3A, %swap3A_132] : memref<1000x512xf32, #tpu.memory_space<vmem>>, vector<1000x512xf32>
    tpu.vector_store %arg12[%swap3A, %swap3A_132], %concatenate3A {strides = array<i32>} : memref<1000x512xf32, #tpu.memory_space<vmem>>, vector<1000x512xf32>,
    %scan3A = arith.constant 0 : i32
    %scan3A_134 = arith.constant 1000 : i32
    %scan3A_135 = arith.addi %scan3A, %scan3A_134 : i32
    %scan3A_136 = arith.constant 1 : i32
    scf.for %scan3A_143 = %scan3A to %scan3A_135 step %scan3A_136  : i32 {
      %get3A_144 = arith.constant 0 : index
      %get3A_145 = arith.constant 0 : index
      %get3A_146 = arith.index_cast %scan3A_143 : i32 to index
      %get3A_147 = memref.load %arg5[%get3A_144, %get3A_145, %get3A_146] : memref<1x1x1000xi32, #tpu.memory_space<smem>>
      %get3A_148 = arith.index_cast %scan3A_143 : i32 to index
      %get3A_149 = arith.constant 0 : index
      %get3A_150 = vector.load %arg12[%get3A_148, %get3A_149] : memref<1000x512xf32, #tpu.memory_space<vmem>>, vector<1x512xf32>
      %get3A_151 = arith.index_cast %get3A_147 : i32 to index
      %get3A_152 = arith.constant 0 : index
      %get3A_153 = vector.load %arg11[%get3A_151, %get3A_152] : memref<256x512xf32, #tpu.memory_space<vmem>>, vector<1x512xf32>
      %max3A_154 = arith.maximumf %get3A_153, %get3A_150 : vector<1x512xf32>
      %swap3A_155 = arith.index_cast %get3A_147 : i32 to index
      %swap3A_156 = arith.constant 0 : index
      %swap3A_157 = vector.load %arg11[%swap3A_155, %swap3A_156] : memref<256x512xf32, #tpu.memory_space<vmem>>, vector<1x512xf32>
      tpu.vector_store %arg11[%swap3A_155, %swap3A_156], %max3A_154 {strides = array<i32>} : memref<256x512xf32, #tpu.memory_space<vmem>>, vector<1x512xf32>,
    }
    %scan3A_137 = arith.constant 1000 : i32
    %eq3A_138 = arith.constant 9 : i32
    %eq3A_139 = arith.cmpi eq, %arg0, %eq3A_138 : i32
    %convert_element_type3A_140 = arith.extui %eq3A_139 : i1 to i32
    %cond3A_141 = arith.constant 0 : i32
    %cond3A_142 = arith.cmpi ne, %convert_element_type3A_140, %cond3A_141 : i32
    scf.if %cond3A_142 {
      %get3A_143 = arith.constant 0 : index
      %get3A_144 = arith.constant 0 : index
      %get3A_145 = vector.load %arg11[%get3A_143, %get3A_144] : memref<256x512xf32, #tpu.memory_space<vmem>>, vector<256x512xf32>
      %gt3A = arith.constant 0xFF800000 : f32
      %gt3A_146 = vector.broadcast %gt3A : f32 to vector<256x512xf32>
      %gt3A_147 = arith.cmpf ogt, %get3A_145, %gt3A_146 : vector<256x512xf32>
      %jit3A = arith.constant 0.000000e+00 : f32
      %broadcast_in_dim3A_148 = vector.broadcast %jit3A : f32 to vector<256x512xf32>
      %select_n3A = arith.select %gt3A_147, %get3A_145, %broadcast_in_dim3A_148 : vector<256x512xi1>, vector<256x512xf32>
      %get3A_149 = arith.constant 0 : index
      %get3A_150 = arith.constant 0 : index
      %get3A_151 = vector.load %arg6[%get3A_149, %get3A_150] : memref<512x1024xf32, #tpu.memory_space<vmem>>, vector<512x1024xf32>
      %dot_general3A = arith.constant dense<0.000000e+00> : vector<256x1024xf32>
      %dot_general3A_152 = tpu.matmul %select_n3A, %get3A_151, %dot_general3A {dimension_numbers = #tpu.dot_dimension_numbers<[1], [0], [0], [1], [0, 0, 1, 1], [], []>, transpose_lhs_hint = false} : vector<256x512xf32>, vector<512x1024xf32>, vector<256x1024xf32> -> vector<256x1024xf32>
      %get3A_153 = arith.constant 0 : index
      %get3A_154 = arith.constant 0 : index
      %get3A_155 = vector.load %arg7[%get3A_153, %get3A_154] : memref<1x1024xf32, #tpu.memory_space<vmem>>, vector<1x1024xf32>
      %get3A_156 = vector.shape_cast %get3A_155 : vector<1x1024xf32> to vector<1024xf32>
      %broadcast_in_dim3A_157 = vector.shape_cast %get3A_156 : vector<1024xf32> to vector<1x1024xf32>
      %add3A_158 = vector.broadcast %broadcast_in_dim3A_157 : vector<1x1024xf32> to vector<256x1024xf32>
      %add3A_159 = arith.addf %dot_general3A_152, %add3A_158 : vector<256x1024xf32>
      %max3A_160 = arith.constant 0.000000e+00 : f32
      %max3A_161 = vector.broadcast %max3A_160 : f32 to vector<256x1024xf32>
      %max3A_162 = arith.maximumf %add3A_159, %max3A_161 : vector<256x1024xf32>
      %get3A_163 = arith.constant 0 : index
      %get3A_164 = arith.constant 0 : index
      %get3A_165 = vector.load %arg8[%get3A_163, %get3A_164] : memref<1024x128xf32, #tpu.memory_space<vmem>>, vector<1024x128xf32>
      %dot_general3A_166 = arith.constant dense<0.000000e+00> : vector<256x128xf32>
      %dot_general3A_167 = tpu.matmul %max3A_162, %get3A_165, %dot_general3A_166 {dimension_numbers = #tpu.dot_dimension_numbers<[1], [0], [0], [1], [0, 0, 1, 1], [], []>, transpose_lhs_hint = false} : vector<256x1024xf32>, vector<1024x128xf32>, vector<256x128xf32> -> vector<256x128xf32>
      %get3A_168 = arith.constant 0 : index
      %get3A_169 = arith.constant 0 : index
      %get3A_170 = vector.load %arg9[%get3A_168, %get3A_169] : memref<1x128xf32, #tpu.memory_space<vmem>>, vector<1x128xf32>
      %get3A_171 = vector.shape_cast %get3A_170 : vector<1x128xf32> to vector<128xf32>
      %broadcast_in_dim3A_172 = vector.shape_cast %get3A_171 : vector<128xf32> to vector<1x128xf32>
      %add3A_173 = vector.broadcast %broadcast_in_dim3A_172 : vector<1x128xf32> to vector<256x128xf32>
      %add3A_174 = arith.addf %dot_general3A_167, %add3A_173 : vector<256x128xf32>
      %max3A_175 = arith.constant 0.000000e+00 : f32
      %max3A_176 = vector.broadcast %max3A_175 : f32 to vector<256x128xf32>
      %max3A_177 = arith.maximumf %add3A_174, %max3A_176 : vector<256x128xf32>
      %swap3A_178 = arith.constant 0 : index
      %swap3A_179 = arith.constant 0 : index
      %swap3A_180 = vector.load %arg10[%swap3A_178, %swap3A_179] : memref<256x128xf32, #tpu.memory_space<vmem>>, vector<256x128xf32>
      tpu.vector_store %arg10[%swap3A_178, %swap3A_179], %max3A_177 {strides = array<i32>} : memref<256x128xf32, #tpu.memory_space<vmem>>, vector<256x128xf32>,
    } else {
    }
    return
  }
  func.func @transform_0(%arg0: i32) -> (i32, i32, i32, i32) {
    %c0_i32 = arith.constant 0 : i32
    %c0_i32_0 = arith.constant 0 : i32
    %c0_i32_1 = arith.constant 0 : i32
    %c0_i32_2 = arith.constant 0 : i32
    return %c0_i32, %c0_i32_0, %arg0, %c0_i32_1 : i32, i32, i32, i32
  }
  func.func @transform_1(%arg0: i32) -> (i32, i32, i32) {
    %c0_i32 = arith.constant 0 : i32
    %c0_i32_0 = arith.constant 0 : i32
    %c0_i32_1 = arith.constant 0 : i32
    return %c0_i32, %arg0, %c0_i32_0 : i32, i32, i32
  }
  func.func @transform_2(%arg0: i32) -> (i32, i32, i32) {
    %c0_i32 = arith.constant 0 : i32
    %c0_i32_0 = arith.constant 0 : i32
    %c0_i32_1 = arith.constant 0 : i32
    return %c0_i32, %arg0, %c0_i32_0 : i32, i32, i32
  }
  func.func @transform_3(%arg0: i32) -> (i32, i32) {
    %c0_i32 = arith.constant 0 : i32
    %c0_i32_0 = arith.constant 0 : i32
    %c0_i32_1 = arith.constant 0 : i32
    return %c0_i32, %c0_i32_0 : i32, i32
  }
  func.func @transform_4(%arg0: i32) -> (i32, i32, i32) {
    %c0_i32 = arith.constant 0 : i32
    %c0_i32_0 = arith.constant 0 : i32
    %c0_i32_1 = arith.constant 0 : i32
    return %arg0, %c0_i32, %c0_i32_0 : i32, i32, i32
  }
  func.func @transform_5(%arg0: i32) -> (i32, i32) {
    %c0_i32 = arith.constant 0 : i32
    %c0_i32_0 = arith.constant 0 : i32
    %c0_i32_1 = arith.constant 0 : i32
    return %c0_i32, %c0_i32_0 : i32, i32
  }
  func.func @transform_6(%arg0: i32) -> (i32, i32) {
    %c0_i32 = arith.constant 0 : i32
    %c0_i32_0 = arith.constant 0 : i32
    %c0_i32_1 = arith.constant 0 : i32
    return %c0_i32, %c0_i32_0 : i32, i32
  }
  func.func @transform_7(%arg0: i32) -> (i32, i32) {
    %c0_i32 = arith.constant 0 : i32
    %c0_i32_0 = arith.constant 0 : i32
    %c0_i32_1 = arith.constant 0 : i32
    return %c0_i32, %c0_i32_0 : i32, i32
  }
  func.func @transform_8(%arg0: i32) -> (i32, i32) {
    %c0_i32 = arith.constant 0 : i32
    %c0_i32_0 = arith.constant 0 : i32
    %c0_i32_1 = arith.constant 0 : i32
    return %c0_i32, %c0_i32_0 : i32, i32
  }
  func.func @transform_9(%arg0: i32) -> (i32, i32) {
    %c0_i32 = arith.constant 0 : i32
    %c0_i32_0 = arith.constant 0 : i32
    %c0_i32_1 = arith.constant 0 : i32
    return %c0_i32, %c0_i32_0 : i32, i32
  }
}

</mosaic_0001>

<sc_bundles>
// kernel: kernel.10.cloned.1.call-start
scs
__scs_entry_jumppad:
0x0: {  	(pc) =	sbr.rel $0x88, $3  }
0x1: {  	(tag) =	ssettag $0x0;
	lr =	simm.s32 $0x1  }
0x2: {  	[smem:$0x3F94] =	sst lr;
	_ =	strace $0xD0000000  }
0x3: {  	_ = 	snop  }
0x4: {  	_ = 	snop  }
0x5: {  	_ = 	snop  }
0x6: {  	_ = 	snop  }
0x7: {  	_ = 	snop  }
__scs_overlays_trampoline_lowered:
0x8: {  	[smem:$0x3FA3] =	sst s0  }
0x9: {  	[smem:$0x3FA4] =	sst s1  }
0xa: {  	[smem:$0x3FA5] =	sst s2  }
0xb: {  	[smem:$0x3FA6] =	sst s3  }
0xc: {  	[smem:$0x3FA7] =	sst s4  }
0xd: {  	[smem:$0x3FA8] =	sst s5  }
0xe: {  	[smem:$0x3FA9] =	sst s6  }
0xf: {  	[smem:$0x3FAA] =	sst s7  }
0x10: {  	[smem:$0x3FAB] =	sst s8  }
0x11: {  	[smem:$0x3FAC] =	sst s9;
	s0 =	simm.s32 @!p0 $0x0  }
0x12: {  	s1 =	sld [smem:$0x3F92];
	s0 =	simm.s32 @p0 $0x1  }
0x13: {  	[smem:$0x3FAD] =	sst s0;
	s0 =	simm.s32 @!p1 $0x0  }
0x14: {  	s2 =	sld [smem:$0x3F91];
	s0 =	simm.s32 @p1 $0x1  }
0x15: {  	[smem:$0x3FAE] =	sst s0;
	s0 =	simm.s32 @!p2 $0x0  }
0x16: {  	s3 =	sld [smem:$0x3FDB];
	s0 =	simm.s32 @p2 $0x1  }
0x17: {  	s4 =	simm.s32 $0x1BF5;
	[smem:$0x3FB0] =	sst s0  }
0x18: {  	s0 =	sld [smem:$0x3F93];
	_ =	swait.ge [sflag:s4], $0x0  }
0x19: {  	s7 =	sld [smem:$0x3F94]  }
0x1a: {  	s8 =	sadd.s32 $0xFFFFE003, lr  }
0x1b: {  	s9 =	sadd.s32 $0xFFFFFEF7, lr;
	s5 =	simm.s32 $0xFFFFFFFF;
	p2 =	slt.u32 s8, $0xFFFFF086  }
0x1c: {  	p1 =	slt.u32 s9, $0xF7A;
	s5 =	simm.s32 @!p2 $0x0  }
0x1d: {  	s5 =	simm.s32 @p1 $0x1;
	p0 =	seq.s32 s7, s2  }
0x1e: {  	s7 =	smul.u32 @!p0 $0xF7A, s2;
	p2 =	seq.s32 @!p0 s5, $0x0  }
0x1f: {  	s9 =	smul.u32 $0xF7A, s1;
	s8 =	simm.s32 @!p0 $0x1BF5;
	p2 =	por !p2, p0  }
0x20: {  	[sflag:s8] =	ssyncset.s32 @!p0 $0xFFFFF086;
	s6 =	sadd.s32 @!p0 s3, s7;
	s7 =	simm.s32 @!p0 $0x108  }
0x21: {  	s3 =	sadd.s32 s3, s9;
	s6 =	sadd.s32 @!p0 $0x88, s6;
	s7 =	simm.s32 @p2 $0x1082  }
0x22: {  	[simem:s7], [sflag:s8] =	dma.local @!p0 [hbm:s6], $0xF7A  }
0x23: {  	s9 =	sor.u32 $0xD0000000, s2;
	s6 =	simm.s32 $0x108;
	_ =	swait.ge @!p0 [sflag:s8], $0x0  }
0x24: {  	s3 =	sadd.s32 $0x88, s3;
	s6 =	simm.s32 @!p1 $0x1082;
	[sflag:s4] =	ssyncset.s32 $0xFFFFF086  }
0x25: {  	[simem:s6], [sflag:s4] =	dma.local [hbm:s3], $0xF7A  }
0x26: {  	[smem:$0x3F94] =	sst s1;
	(tag) =	ssettag s2;
	_ =	strace s9  }
0x27: {  	s1 =	sld [smem:$0x3FA4]  }
0x28: {  	s2 =	sld [smem:$0x3FA5]  }
0x29: {  	s4 =	sld [smem:$0x3FA7]  }
0x2a: {  	p0 =	seq.s32 s5, $0x0;
	s5 =	sld [smem:$0x3FA8]  }
0x2b: {  	s6 =	sld [smem:$0x3FA9]  }
0x2c: {  	s7 =	sld [smem:$0x3FAA]  }
0x2d: {  	s3 =	simm.s32 $0x108;
	s8 =	sld [smem:$0x3FAB]  }
0x2e: {  	s3 =	simm.s32 @!p0 $0x1082;
	s9 =	sld [smem:$0x3FAC]  }
0x2f: {  	lr =	sadd.s32 s0, s3;
	s0 =	sld [smem:$0x3FA3]  }
0x30: {  	s3 =	sld [smem:$0x3FA6]  }
0x31: {  	[smem:$0x3FAF] =	sst s10  }
0x32: {  	s10 =	sld [smem:$0x3FAD];
	_ =	sdelay $0x3  }
0x33: {  	p0 =	seq.s32 s10, $0x1;
	s10 =	sld [smem:$0x3FAF];
	_ =	sdelay $0x3  }
0x34: {  	[smem:$0x3FAF] =	sst s10  }
0x35: {  	s10 =	sld [smem:$0x3FAE];
	_ =	sdelay $0x3  }
0x36: {  	p1 =	seq.s32 s10, $0x1;
	s10 =	sld [smem:$0x3FAF];
	_ =	sdelay $0x3  }
0x37: {  	[smem:$0x3FAF] =	sst s10  }
0x38: {  	s10 =	sld [smem:$0x3FB0]  }
0x39: {  	_ = 	snop;
	(pc) =	sbr.ind lr, $3  }
0x3a: {  	_ = 	snop  }
0x3b: {  	_ = 	snop  }
0x3c: {  	p2 =	seq.s32 s10, $0x1;
	s10 =	sld [smem:$0x3FAF]  }
0x3d: {  	_ =	shalt  }
0x3e: {  	_ =	shalt  }
0x3f: {  	_ =	shalt  }
0x40: {  	_ =	shalt  }
0x41: {  	_ =	shalt  }
0x42: {  	_ =	shalt  }
0x43: {  	_ =	shalt  }
0x44: {  	_ =	shalt  }
0x45: {  	_ =	shalt  }
0x46: {  	_ =	shalt  }
0x47: {  	_ =	shalt  }
0x48: {  	_ =	shalt  }
0x49: {  	_ =	shalt  }
0x4a: {  	_ =	shalt  }
0x4b: {  	_ =	shalt  }
0x4c: {  	_ =	shalt  }
0x4d: {  	_ =	shalt  }
0x4e: {  	_ =	shalt  }
0x4f: {  	_ =	shalt  }
0x50: {  	_ =	shalt  }
0x51: {  	_ =	shalt  }
0x52: {  	_ =	shalt  }
0x53: {  	_ =	shalt  }
0x54: {  	_ =	shalt  }
0x55: {  	_ =	shalt  }
0x56: {  	_ =	shalt  }
0x57: {  	_ =	shalt  }
0x58: {  	_ =	shalt  }
0x59: {  	_ =	shalt  }
0x5a: {  	_ =	shalt  }
0x5b: {  	_ =	shalt  }
0x5c: {  	_ =	shalt  }
0x5d: {  	_ =	shalt  }
0x5e: {  	_ =	shalt  }
0x5f: {  	_ =	shalt  }
0x60: {  	_ =	shalt  }
0x61: {  	_ =	shalt  }
0x62: {  	_ =	shalt  }
0x63: {  	_ =	shalt  }
0x64: {  	_ =	shalt  }
0x65: {  	_ =	shalt  }
0x66: {  	_ =	shalt  }
0x67: {  	_ =	shalt  }
0x68: {  	_ =	shalt  }
0x69: {  	_ =	shalt  }
0x6a: {  	_ =	shalt  }
0x6b: {  	_ =	shalt  }
0x6c: {  	_ =	shalt  }
0x6d: {  	_ =	shalt  }
0x6e: {  	_ =	shalt  }
0x6f: {  	_ =	shalt  }
0x70: {  	_ =	shalt  }
0x71: {  	_ =	shalt  }
0x72: {  	_ =	shalt  }
0x73: {  	_ =	shalt  }
0x74: {  	_ =	shalt  }
0x75: {  	_ =	shalt  }
0x76: {  	_ =	shalt  }
0x77: {  	_ =	shalt  }
0x78: {  	_ =	shalt  }
0x79: {  	_ =	shalt  }
0x7a: {  	_ =	shalt  }
0x7b: {  	_ =	shalt  }
0x7c: {  	_ =	shalt  }
0x7d: {  	_ =	shalt  }
0x7e: {  	_ =	shalt  }
0x7f: {  	_ =	shalt  }
0x80: {  	_ =	shalt  }
0x81: {  	_ =	shalt  }
0x82: {  	_ =	shalt  }
0x83: {  	_ =	shalt  }
0x84: {  	_ =	shalt  }
0x85: {  	_ =	shalt  }
0x86: {  	_ =	shalt  }
0x87: {  	_ =	shalt  }
.Lfunc_end0:
.L_simem_size_0:
called_computation_lowered:
.L_overlay_start_0:
0x88: {  	s2 =	sld [smem:$0x3FD9]  }
0x89: {  	s3 =	sld [smem:$0x3FFE];
	_ =	sdelay $0x1  }
0x8a: {  	s1 =	srdreg.scid  }
0x8b: {  	s0 =	sand.u32 $0x1, s1  }
0x8c: {  	s17 =	sshll.u32 s0, $0xA;
	s2 =	sadd.s32 s3, s2  }
0x8d: {  	s2 =	sadd.s32 s2, s17  }
0x8e: {  	[smem:$0x3FBB] =	sst s2  }
0x8f: {  	_ = 	snop  }
0x90: {  	s2 =	sld [smem:$0x3FD0];
	(tm) =	ssettm $0x1  }
0x91: {  	s18 =	sld [smem:$0x3FFB];
	_ =	sdelay $0x3  }
0x92: {  	_ =	strace s18  }
0x93: {  	s3 =	sld [smem:$0x3FFC];
	_ =	sdelay $0x3  }
0x94: {  	_ =	strace s3  }
0x95: {  	s3 =	sld [smem:$0x3FFD];
	_ =	sdelay $0x3  }
0x96: {  	_ =	strace s3  }
0x97: {  	_ =	strace $0x8FFFFFFF  }
0x98: {  	s19 =	sld [smem:$0x3FDB];
	_ =	sdelay $0x1  }
0x99: {  	s4 =	simm.s32 $_scs_section_size  }
0x9a: {  	s5 =	simm.s32 $_size__tile_overlayer_lowered;
	s6 =	simm.s32 $_tile_overlayer_lowered  }
0x9b: {  	s22 =	simm.s32 $0x1BFF;
	s21 =	sshll.u32 s6, $0x1;
	s3 =	sadd.s32 s4, s19  }
0x9c: {  	s7 =	simm.s32 $0x0;
	s20 =	sshll.u32 s5, $0x1;
	s5 =	sadd.s32 s21, s3  }
0x9d: {  	[timem:s7], [sflag:s22] =	dma.local [hbm:s5], s20  }
0x9e: {  	_ =	swait.ge [sflag:s22], s20  }
0x9f: {  	s4 =	ssub.s32 $0x0, s20;
	[sflag:s22] =	ssyncset.done $0x0  }
0xa0: {  	[sflag:s22] =	ssyncadd.s32 s4;
	_ =	sdelay $0x1  }
0xa1: {  	s23 =	simm.s32 $0x1B8B  }
0xa2: {  	_ =	swait.ge [sflag:s23], $0x1  }
0xa3: {  	[sflag:s23] =	ssyncset.done $0x0  }
0xa4: {  	s25 =	simm.s32 $0x1B8E;
	s24 =	sld [smem:$0x3FFE];
	[sflag:s23] =	ssyncadd.s32 $0xFFFFFFFF  }
0xa5: {  	s26 =	simm.s32 $execute0_lowered;
	[smem:$0x3FD2] =	sst s25  }
0xa6: {  	s5 =	sshll.u32 s26, $0x1;
	_ =	strace $0x80000046;
	[dreg:$0x1] =	wrdreg $0xFFFFFFFF  }
0xa7: {  	s28 =	simm.s32 $_size_execute0_lowered;
	s3 =	sadd.s32 s3, s5;
	[dreg:$0x0] =	wrdreg $0x0  }
0xa8: {  	s5 =	sshll.u32 s28, $0x1;
	[dreg:$0x2] =	wrdreg s3  }
0xa9: {  	[dreg:$0x3] =	wrdreg s5  }
0xaa: {  	[dreg:$0x4] =	wrdreg $0xC0  }
0xab: {  	_ =	task [dreg:s7], $0x5FFFF  }
0xac: {  	[dreg:$0x1] =	wrdreg $0xFFFFFFFF  }
0xad: {  	[dreg:$0x0] =	wrdreg $0x60  }
0xae: {  	[dreg:$0x2] =	wrdreg s24  }
0xaf: {  	[dreg:$0x3] =	wrdreg s2  }
0xb0: {  	[dreg:$0x4] =	wrdreg $0x28800  }
0xb1: {  	[dreg:$0x5] =	wrdreg $0x9  }
0xb2: {  	_ =	task.clear_ibuf [dreg:s7], $0x6FFFF;
	_ =	strace $0x90000046  }
0xb3: {  	s29 =	simm.s32 $0x9;
	_ =	strace $0x80000048  }
0xb4: {  	_ =	swait.ge [sflag:s29], $0x1  }
0xb5: {  	[sflag:s29] =	ssyncadd.s32 $0xFFFFFFFF  }
0xb6: {  	_ =	strace $0x90000048  }
0xb7: {  	_ =	sfence  }
0xb8: {  	s30 =	sld [smem:$0x0];
	_ =	sdelay $0x2  }
0xb9: {  	s31 =	sshll.u32 s1, $0xD;
	s1 =	sshrl.u32 s1, $0x2  }
0xba: {  	s3 =	sand.u32 $0x4000, s31;
	s1 =	sadd.s32 s1, s30  }
0xbb: {  	s0 =	sor.u32 s3, s0;
	s1 =	sshll.u32 s1, $0x11  }
0xbc: {  	s0 =	sor.u32 s1, s0  }
0xbd: {  	s0 =	sadd.s32 $0x8F2B, s0  }
0xbe: {  	[sflag:s0] =	ssyncadd.remote.s32 $0x1  }
0xbf: {  	_ =	sfence.sel $0xFFFF  }
0xc0: {  	[dreg:$0x0] =	wrdreg $0xFFFFFFFF;
	(pc) =	sbr.abs _section_cstart, $3  }
0xc1: {  	[dreg:$0x1] =	wrdreg $0xFFFFFFFF  }
0xc2: {  	_ =	task.clear_ibuf [dreg:s7], $0x2FFFF;
	_ =	strace $0x9FFFFFFF  }
0xc3: {  	(tm) =	ssettm $0x7FFFFFFF  }
tec
execute0_lowered:
.L_overlay_start_1:
0x0: {  	(tag) =	ssettag $0x1  }
0x1: {  	s5 =	rddreg [dreg:$0x0];
	s1 =	srdreg.scid  }
0x2: {  	s0 =	stileid.u32;
	s2 =	rddreg [dreg:$0x1]  }
0x3: {  	s3 =	rddreg [dreg:$0x2];
	s7 =	smul.u32 $0x4E20, s0  }
0x4: {  	s4 =	simm.s32 $0x0;
	s13 =	simm.s32 $0x50;
	s26 =	smul.u32 $0x14000, s0  }
0x5: {  	s6 =	sand.u32 $0x1, s1;
	s1 =	rddreg [dreg:$0x3];
	s29 =	smul.u32 $0x50000, s0  }
0x6: {  	s14 =	simm.s32 $0x0;
	[smem:$0x7FF] =	sst s4;
	s8 =	smul.u32 $0x2710, s6  }
0x7: {  	s31 =	sshll.u32 s0, $0x6;
	s9 =	smul.u32 $0x140000, s6;
	s6 =	ssub.s32 $0x2, s6  }
0x8: {  	_ =	strace $0x80000047;
	s28 =	sshrl.u32 s26, $0x3;
	s11 =	sshrl.u32 s6, $0x1  }
0x9: {  	s30 =	sshrl.u32 s29, $0x2;
	s7 =	sadd.s32 s8, s7;
	s8 =	sadd.s32 s26, s9  }
0xa: {  	s11 =	ssub.s32 s6, s11;
	s12 =	sadd.s32 s30, s3;
	s7 =	sshrl.u32 s7, $0x3  }
0xb: {  	s8 =	sshrl.u32 s8, $0x3;
	s10 =	sadd.s32 s7, s5;
	s7 =	sadd.s32 s28, s5  }
0xc: {  	s6 =	sor.u32 $0x1C01, s31;
	s8 =	sadd.s32 s8, s5;
	s5 =	sadd.s32 $0x18200, s7  }
0xd: {  	s7 =	sadd.s32 $0x40200, s8;
	s8 =	smax.u32 s11, $0x1;
	s9 =	sadd.s32 $0xE400, s10  }
0xe: {  	s10 =	sshrl.u32 s12, $0x3;
	s11 =	simm.s32 $0x1;
	s12 =	simm.s32 $0x80  }
.LBB2_1:
0xf: {  	[spmem:s10], [sflag:s6] =	dma.local [hbm:s5], $0x2800  }
0x10: {  	_ =	swait.ge [sflag:s11], $0x2800  }
0x11: {  	[sflag:s11] =	ssyncset.done $0x0  }
0x12: {  	[sflag:s11] =	ssyncadd.s32 $0xFFFFD800  }
0x13: {  	[tilespmem:s12], [sflag:$0x1] =	stream.linear.gather [hbm4b:s2+s4], $0x2800, $0x38;
	[tilespmem:$0x16880] =	vst v63  }
0x14: {  	_ =	swait.ge [sflag:s11], $0x2800  }
0x15: {  	[sflag:s11] =	ssyncset.done $0x0  }
0x16: {  	[sflag:s11] =	ssyncadd.s32 $0xFFFFD800  }
0x17: {  	s15 =	sadd.s32 $0x0, s9;
	[bflag:$0x0] =	sbarrier.arrive $0xFFFF  }
0x18: {  	[tilespmem:s4], [sflag:$0x1] =	stream.linear.gather [hbm4b:s15+s4], $0x50, $0x38;
	[tilespmem:$0x16880] =	vst v63  }
0x19: {  	_ =	swait.ge [sflag:s11], $0x50  }
0x1a: {  	[sflag:s11] =	ssyncset.done $0x0  }
0x1b: {  	[sflag:s11] =	ssyncadd.s32 $0xFFFFFFB0  }
0x1c: {  	[spmem:s3] =	stream.indirect.scatter.add.f32 [tilespmem:s12], [sflag:$0x1], $0x80, s4, s13, $0xb8;
	[tilespmem:$0x16880] =	vst v63  }
0x1d: {  	_ =	swait.ge [sflag:s11], $0x2800  }
0x1e: {  	s16 =	simm.s32 $0x14;
	s15 =	simm.s32 $0xA;
	[sflag:s11] =	ssyncset.done $0x0  }
.LBB2_2:
0x1f: {  	s17 =	sadd.s32 s15, s9  }
0x20: {  	[sflag:s11] =	ssyncadd.s32 $0xFFFFD800;
	s15 =	smov.u32 s16;
	s18 =	sadd.s32 $0xA, s16  }
0x21: {  	[tilespmem:s4], [sflag:$0x1] =	stream.linear.gather [hbm4b:s17+s4], $0x50, $0x38;
	[tilespmem:$0x16880] =	vst v63  }
0x22: {  	p0 =	sne.s32 s16, $0x4D8;
	_ =	swait.ge [sflag:s11], $0x50  }
.Ltmp0:
0x23: {  	[sflag:s11] =	ssyncset.done $0x0;
	(pc) =	sbr.rel @p0 .LBB2_2-.Ltmp0, $4  }
0x24: {  	[sflag:s11] =	ssyncadd.s32 $0xFFFFFFB0  }
0x25: {  	[spmem:s3] =	stream.indirect.scatter.add.f32 [tilespmem:s12], [sflag:$0x1], $0x80, s4, s13, $0xb8;
	[tilespmem:$0x16880] =	vst v63  }
0x26: {  	_ =	swait.ge [sflag:s11], $0x2800  }
0x27: {  	s16 =	smov.u32 s18;
	[sflag:s11] =	ssyncset.done $0x0  }
0x28: {  	s15 =	sadd.s32 s15, s9;
	[sflag:s11] =	ssyncadd.s32 $0xFFFFD800  }
0x29: {  	[tilespmem:s4], [sflag:$0x1] =	stream.linear.gather [hbm4b:s15+s4], $0x50, $0x38;
	[tilespmem:$0x16880] =	vst v63  }
0x2a: {  	_ =	swait.ge [sflag:s11], $0x50  }
0x2b: {  	[sflag:s11] =	ssyncset.done $0x0  }
0x2c: {  	[sflag:s11] =	ssyncadd.s32 $0xFFFFFFB0  }
0x2d: {  	[spmem:s3] =	stream.indirect.scatter.add.f32 [tilespmem:s12], [sflag:$0x1], $0x80, s4, s13, $0xb8;
	[tilespmem:$0x16880] =	vst v63  }
0x2e: {  	_ =	swait.ge [sflag:s11], $0x2800  }
0x2f: {  	s14 =	sadd.s32 $0x1, s14;
	[sflag:s11] =	ssyncset.done $0x0  }
0x30: {  	p0 =	sne.s32 s14, s8;
	[sflag:s11] =	ssyncadd.s32 $0xFFFFD800  }
.Ltmp1:
0x31: {  	[bflag:$0x0] =	sbarrier.arrive $0xFFFF;
	(pc) =	sbr.rel @p0 .LBB2_1-.Ltmp1, $4  }
0x32: {  	[hbm:s7], [sflag:s6] =	dma.local [spmem:s10], $0x2800  }
0x33: {  	_ =	swait.ge [sflag:s11], $0x2800  }
0x34: {  	[sflag:s11] =	ssyncset.done $0x0  }
0x35: {  	[sflag:s11] =	ssyncadd.s32 $0xFFFFD800  }
0x36: {  	_ =	sfence.sel $0x180000  }
0x37: {  	[bflag:$0x0] =	sbarrier.arrive $0xFFFF  }
0x38: {  	p0 =	sne.s32 s0, $0x0;
	_ =	strace $0x90000047  }
0x39: {  	s0 =	sadd.s32 @!p0 $0x100000, s1;
	[bflag:$0x2] =	sbarrier.arrive $0xFFFF  }
0x3a: {  	[sflag:s0] =	ssyncadd.tile.s32 @!p0 $0x1;
	_ =	shalt  }
.Lfunc_end2:
_tile_overlayer_lowered:
.L_overlay_start_2:
0x3b: {  	(tag) =	ssettag $0x2  }
0x3c: {  	s0 =	rddreg [dreg:$0x0];
	s2 =	stileid.u32  }
0x3d: {  	s1 =	rddreg [dreg:$0x1];
	p0 =	sne.s32 s2, $0x0  }
0x3e: {  	s3 =	rddreg [dreg:$0x2];
	[bflag:$0x3] =	sbarrier.arrive $0xFFFF;
	s2 =	simm.s32 @!p0 $0x1C01  }
0x3f: {  	[timem:s3], [sflag:s2] =	dma.local @!p0 [hbm:s0], s1  }
0x40: {  	s0 =	simm.s32 @!p0 $0x1  }
0x41: {  	_ =	swait.ge @!p0 [sflag:s0], s1  }
0x42: {  	s1 =	ssub.s32 @!p0 $0x0, s1;
	[sflag:s0] =	ssyncset.done @!p0 $0x0  }
0x43: {  	[sflag:s0] =	ssyncadd.s32 @!p0 s1  }
0x44: {  	[bflag:$0x3] =	sbarrier.arrive $0xFFFF  }
0x45: {  	_ =	shalt  }

// kernel: kernel.13.cloned.1.call-start
scs
__scs_entry_jumppad:
0x0: {  	(pc) =	sbr.rel $0x88, $3  }
0x1: {  	(tag) =	ssettag $0x0;
	lr =	simm.s32 $0x1  }
0x2: {  	[smem:$0x3F94] =	sst lr;
	_ =	strace $0xD0000000  }
0x3: {  	_ = 	snop  }
0x4: {  	_ = 	snop  }
0x5: {  	_ = 	snop  }
0x6: {  	_ = 	snop  }
0x7: {  	_ = 	snop  }
__scs_overlays_trampoline_lowered:
0x8: {  	[smem:$0x3FA3] =	sst s0  }
0x9: {  	[smem:$0x3FA4] =	sst s1  }
0xa: {  	[smem:$0x3FA5] =	sst s2  }
0xb: {  	[smem:$0x3FA6] =	sst s3  }
0xc: {  	[smem:$0x3FA7] =	sst s4  }
0xd: {  	[smem:$0x3FA8] =	sst s5  }
0xe: {  	[smem:$0x3FA9] =	sst s6  }
0xf: {  	[smem:$0x3FAA] =	sst s7  }
0x10: {  	[smem:$0x3FAB] =	sst s8  }
0x11: {  	[smem:$0x3FAC] =	sst s9;
	s0 =	simm.s32 @!p0 $0x0  }
0x12: {  	s1 =	sld [smem:$0x3F92];
	s0 =	simm.s32 @p0 $0x1  }
0x13: {  	[smem:$0x3FAD] =	sst s0;
	s0 =	simm.s32 @!p1 $0x0  }
0x14: {  	s2 =	sld [smem:$0x3F91];
	s0 =	simm.s32 @p1 $0x1  }
0x15: {  	[smem:$0x3FAE] =	sst s0;
	s0 =	simm.s32 @!p2 $0x0  }
0x16: {  	s3 =	sld [smem:$0x3FDB];
	s0 =	simm.s32 @p2 $0x1  }
0x17: {  	s4 =	simm.s32 $0x1BF5;
	[smem:$0x3FB0] =	sst s0  }
0x18: {  	s0 =	sld [smem:$0x3F93];
	_ =	swait.ge [sflag:s4], $0x0  }
0x19: {  	s7 =	sld [smem:$0x3F94]  }
0x1a: {  	s8 =	sadd.s32 $0xFFFFE003, lr  }
0x1b: {  	s9 =	sadd.s32 $0xFFFFFEF7, lr;
	s5 =	simm.s32 $0xFFFFFFFF;
	p2 =	slt.u32 s8, $0xFFFFF086  }
0x1c: {  	p1 =	slt.u32 s9, $0xF7A;
	s5 =	simm.s32 @!p2 $0x0  }
0x1d: {  	s5 =	simm.s32 @p1 $0x1;
	p0 =	seq.s32 s7, s2  }
0x1e: {  	s7 =	smul.u32 @!p0 $0xF7A, s2;
	p2 =	seq.s32 @!p0 s5, $0x0  }
0x1f: {  	s9 =	smul.u32 $0xF7A, s1;
	s8 =	simm.s32 @!p0 $0x1BF5;
	p2 =	por !p2, p0  }
0x20: {  	[sflag:s8] =	ssyncset.s32 @!p0 $0xFFFFF086;
	s6 =	sadd.s32 @!p0 s3, s7;
	s7 =	simm.s32 @!p0 $0x108  }
0x21: {  	s3 =	sadd.s32 s3, s9;
	s6 =	sadd.s32 @!p0 $0x88, s6;
	s7 =	simm.s32 @p2 $0x1082  }
0x22: {  	[simem:s7], [sflag:s8] =	dma.local @!p0 [hbm:s6], $0xF7A  }
0x23: {  	s9 =	sor.u32 $0xD0000000, s2;
	s6 =	simm.s32 $0x108;
	_ =	swait.ge @!p0 [sflag:s8], $0x0  }
0x24: {  	s3 =	sadd.s32 $0x88, s3;
	s6 =	simm.s32 @!p1 $0x1082;
	[sflag:s4] =	ssyncset.s32 $0xFFFFF086  }
0x25: {  	[simem:s6], [sflag:s4] =	dma.local [hbm:s3], $0xF7A  }
0x26: {  	[smem:$0x3F94] =	sst s1;
	(tag) =	ssettag s2;
	_ =	strace s9  }
0x27: {  	s1 =	sld [smem:$0x3FA4]  }
0x28: {  	s2 =	sld [smem:$0x3FA5]  }
0x29: {  	s4 =	sld [smem:$0x3FA7]  }
0x2a: {  	p0 =	seq.s32 s5, $0x0;
	s5 =	sld [smem:$0x3FA8]  }
0x2b: {  	s6 =	sld [smem:$0x3FA9]  }
0x2c: {  	s7 =	sld [smem:$0x3FAA]  }
0x2d: {  	s3 =	simm.s32 $0x108;
	s8 =	sld [smem:$0x3FAB]  }
0x2e: {  	s3 =	simm.s32 @!p0 $0x1082;
	s9 =	sld [smem:$0x3FAC]  }
0x2f: {  	lr =	sadd.s32 s0, s3;
	s0 =	sld [smem:$0x3FA3]  }
0x30: {  	s3 =	sld [smem:$0x3FA6]  }
0x31: {  	[smem:$0x3FAF] =	sst s10  }
0x32: {  	s10 =	sld [smem:$0x3FAD];
	_ =	sdelay $0x3  }
0x33: {  	p0 =	seq.s32 s10, $0x1;
	s10 =	sld [smem:$0x3FAF];
	_ =	sdelay $0x3  }
0x34: {  	[smem:$0x3FAF] =	sst s10  }
0x35: {  	s10 =	sld [smem:$0x3FAE];
	_ =	sdelay $0x3  }
0x36: {  	p1 =	seq.s32 s10, $0x1;
	s10 =	sld [smem:$0x3FAF];
	_ =	sdelay $0x3  }
0x37: {  	[smem:$0x3FAF] =	sst s10  }
0x38: {  	s10 =	sld [smem:$0x3FB0]  }
0x39: {  	_ = 	snop;
	(pc) =	sbr.ind lr, $3  }
0x3a: {  	_ = 	snop  }
0x3b: {  	_ = 	snop  }
0x3c: {  	p2 =	seq.s32 s10, $0x1;
	s10 =	sld [smem:$0x3FAF]  }
0x3d: {  	_ =	shalt  }
0x3e: {  	_ =	shalt  }
0x3f: {  	_ =	shalt  }
0x40: {  	_ =	shalt  }
0x41: {  	_ =	shalt  }
0x42: {  	_ =	shalt  }
0x43: {  	_ =	shalt  }
0x44: {  	_ =	shalt  }
0x45: {  	_ =	shalt  }
0x46: {  	_ =	shalt  }
0x47: {  	_ =	shalt  }
0x48: {  	_ =	shalt  }
0x49: {  	_ =	shalt  }
0x4a: {  	_ =	shalt  }
0x4b: {  	_ =	shalt  }
0x4c: {  	_ =	shalt  }
0x4d: {  	_ =	shalt  }
0x4e: {  	_ =	shalt  }
0x4f: {  	_ =	shalt  }
0x50: {  	_ =	shalt  }
0x51: {  	_ =	shalt  }
0x52: {  	_ =	shalt  }
0x53: {  	_ =	shalt  }
0x54: {  	_ =	shalt  }
0x55: {  	_ =	shalt  }
0x56: {  	_ =	shalt  }
0x57: {  	_ =	shalt  }
0x58: {  	_ =	shalt  }
0x59: {  	_ =	shalt  }
0x5a: {  	_ =	shalt  }
0x5b: {  	_ =	shalt  }
0x5c: {  	_ =	shalt  }
0x5d: {  	_ =	shalt  }
0x5e: {  	_ =	shalt  }
0x5f: {  	_ =	shalt  }
0x60: {  	_ =	shalt  }
0x61: {  	_ =	shalt  }
0x62: {  	_ =	shalt  }
0x63: {  	_ =	shalt  }
0x64: {  	_ =	shalt  }
0x65: {  	_ =	shalt  }
0x66: {  	_ =	shalt  }
0x67: {  	_ =	shalt  }
0x68: {  	_ =	shalt  }
0x69: {  	_ =	shalt  }
0x6a: {  	_ =	shalt  }
0x6b: {  	_ =	shalt  }
0x6c: {  	_ =	shalt  }
0x6d: {  	_ =	shalt  }
0x6e: {  	_ =	shalt  }
0x6f: {  	_ =	shalt  }
0x70: {  	_ =	shalt  }
0x71: {  	_ =	shalt  }
0x72: {  	_ =	shalt  }
0x73: {  	_ =	shalt  }
0x74: {  	_ =	shalt  }
0x75: {  	_ =	shalt  }
0x76: {  	_ =	shalt  }
0x77: {  	_ =	shalt  }
0x78: {  	_ =	shalt  }
0x79: {  	_ =	shalt  }
0x7a: {  	_ =	shalt  }
0x7b: {  	_ =	shalt  }
0x7c: {  	_ =	shalt  }
0x7d: {  	_ =	shalt  }
0x7e: {  	_ =	shalt  }
0x7f: {  	_ =	shalt  }
0x80: {  	_ =	shalt  }
0x81: {  	_ =	shalt  }
0x82: {  	_ =	shalt  }
0x83: {  	_ =	shalt  }
0x84: {  	_ =	shalt  }
0x85: {  	_ =	shalt  }
0x86: {  	_ =	shalt  }
0x87: {  	_ =	shalt  }
.Lfunc_end0:
.L_simem_size_0:
called_computation.1_lowered:
.L_overlay_start_0:
0x88: {  	s2 =	sld [smem:$0x3FD9]  }
0x89: {  	s3 =	sld [smem:$0x3FFE];
	_ =	sdelay $0x1  }
0x8a: {  	s1 =	srdreg.scid  }
0x8b: {  	s0 =	sand.u32 $0x1, s1  }
0x8c: {  	s16 =	sshll.u32 s0, $0xA;
	s2 =	sadd.s32 s3, s2  }
0x8d: {  	s2 =	sadd.s32 s2, s16  }
0x8e: {  	[smem:$0x3FBB] =	sst s2  }
0x8f: {  	_ = 	snop  }
0x90: {  	(tm) =	ssettm $0x1  }
0x91: {  	s17 =	sld [smem:$0x3FFB];
	_ =	sdelay $0x3  }
0x92: {  	_ =	strace s17  }
0x93: {  	s2 =	sld [smem:$0x3FFC];
	_ =	sdelay $0x3  }
0x94: {  	_ =	strace s2  }
0x95: {  	s2 =	sld [smem:$0x3FFD];
	_ =	sdelay $0x3  }
0x96: {  	_ =	strace s2  }
0x97: {  	_ =	strace $0x8FFFFFFF  }
0x98: {  	s18 =	sld [smem:$0x3FDB];
	_ =	sdelay $0x1  }
0x99: {  	s19 =	simm.s32 $_scs_section_size  }
0x9a: {  	s4 =	simm.s32 $_size__tile_overlayer_lowered;
	s5 =	simm.s32 $_tile_overlayer_lowered  }
0x9b: {  	s22 =	simm.s32 $0x1BFF;
	s21 =	sshll.u32 s5, $0x1;
	s2 =	sadd.s32 s19, s18  }
0x9c: {  	s6 =	simm.s32 $0x0;
	s20 =	sshll.u32 s4, $0x1;
	s4 =	sadd.s32 s21, s2  }
0x9d: {  	[timem:s6], [sflag:s22] =	dma.local [hbm:s4], s20  }
0x9e: {  	_ =	swait.ge [sflag:s22], s20  }
0x9f: {  	s3 =	ssub.s32 $0x0, s20;
	[sflag:s22] =	ssyncset.done $0x0  }
0xa0: {  	[sflag:s22] =	ssyncadd.s32 s3;
	_ =	sdelay $0x1  }
0xa1: {  	s23 =	simm.s32 $0x1B8B  }
0xa2: {  	_ =	swait.ge [sflag:s23], $0x1  }
0xa3: {  	[sflag:s23] =	ssyncset.done $0x0  }
0xa4: {  	s25 =	simm.s32 $0x1B8E;
	s24 =	sld [smem:$0x3FFE];
	[sflag:s23] =	ssyncadd.s32 $0xFFFFFFFF  }
0xa5: {  	s26 =	simm.s32 $execute0_lowered;
	[smem:$0x3FD2] =	sst s25  }
0xa6: {  	s4 =	sshll.u32 s26, $0x1;
	_ =	strace $0x80000049;
	[dreg:$0x1] =	wrdreg $0xFFFFFFFF  }
0xa7: {  	s28 =	simm.s32 $_size_execute0_lowered;
	s2 =	sadd.s32 s2, s4;
	[dreg:$0x0] =	wrdreg $0x0  }
0xa8: {  	s4 =	sshll.u32 s28, $0x1;
	[dreg:$0x2] =	wrdreg s2  }
0xa9: {  	[dreg:$0x3] =	wrdreg s4  }
0xaa: {  	[dreg:$0x4] =	wrdreg $0xC0  }
0xab: {  	_ =	task [dreg:s6], $0x5FFFF  }
0xac: {  	[dreg:$0x1] =	wrdreg $0xFFFFFFFF  }
0xad: {  	[dreg:$0x0] =	wrdreg $0x60  }
0xae: {  	[dreg:$0x2] =	wrdreg s24  }
0xaf: {  	[dreg:$0x3] =	wrdreg $0x29000  }
0xb0: {  	[dreg:$0x4] =	wrdreg $0x9  }
0xb1: {  	_ =	task.clear_ibuf [dreg:s6], $0x5FFFF;
	_ =	strace $0x90000049  }
0xb2: {  	s29 =	simm.s32 $0x9;
	_ =	strace $0x8000004B  }
0xb3: {  	_ =	swait.ge [sflag:s29], $0x1  }
0xb4: {  	[sflag:s29] =	ssyncadd.s32 $0xFFFFFFFF  }
0xb5: {  	_ =	strace $0x9000004B  }
0xb6: {  	_ =	sfence  }
0xb7: {  	s30 =	sld [smem:$0x0];
	_ =	sdelay $0x2  }
0xb8: {  	s31 =	sshll.u32 s1, $0xD;
	s1 =	sshrl.u32 s1, $0x2  }
0xb9: {  	s3 =	sand.u32 $0x4000, s31;
	s1 =	sadd.s32 s1, s30  }
0xba: {  	s0 =	sor.u32 s3, s0;
	s1 =	sshll.u32 s1, $0x11  }
0xbb: {  	s0 =	sor.u32 s1, s0  }
0xbc: {  	s0 =	sadd.s32 $0x8F2B, s0  }
0xbd: {  	[sflag:s0] =	ssyncadd.remote.s32 $0x1  }
0xbe: {  	_ =	sfence.sel $0xFFFF  }
0xbf: {  	[dreg:$0x0] =	wrdreg $0xFFFFFFFF;
	(pc) =	sbr.abs _section_cstart, $3  }
0xc0: {  	[dreg:$0x1] =	wrdreg $0xFFFFFFFF  }
0xc1: {  	_ =	task.clear_ibuf [dreg:s6], $0x2FFFF;
	_ =	strace $0x9FFFFFFF  }
0xc2: {  	(tm) =	ssettm $0x7FFFFFFF  }
0xc3: {  	_ =	shalt  }
tec
execute0_lowered:
.L_overlay_start_1:
0x0: {  	(tag) =	ssettag $0x1  }
0x1: {  	s1 =	srdreg.scid  }
0x2: {  	s0 =	stileid.u32;
	s5 =	rddreg [dreg:$0x0]  }
0x3: {  	s2 =	rddreg [dreg:$0x1];
	s3 =	simm.s32 $0x0;
	s13 =	simm.s32 $0x80  }
0x4: {  	s14 =	simm.s32 $0x50;
	s15 =	simm.s32 $0x100;
	s4 =	smul.u32 $0x4E20, s0  }
0x5: {  	s16 =	simm.s32 $0x1;
	s17 =	simm.s32 $0x0;
	s26 =	smul.u32 $0x14000, s0  }
0x6: {  	s6 =	sand.u32 $0x1, s1;
	s1 =	rddreg [dreg:$0x2];
	s29 =	smul.u32 $0x50000, s0  }
0x7: {  	[smem:$0x7FF] =	sst s3;
	s31 =	sshll.u32 s0, $0x6;
	s7 =	smul.u32 $0x2710, s6  }
0x8: {  	_ =	strace $0x8000004A;
	s9 =	smul.u32 $0x140000, s6;
	s6 =	ssub.s32 $0x2, s6  }
0x9: {  	s28 =	sshrl.u32 s26, $0x3;
	s11 =	sshrl.u32 s6, $0x1;
	s30 =	sshrl.u32 s29, $0x2  }
0xa: {  	s4 =	sadd.s32 s7, s4;
	s7 =	sadd.s32 s26, s9;
	s11 =	ssub.s32 s6, s11  }
0xb: {  	s12 =	sadd.s32 s30, s2;
	s6 =	sor.u32 $0x1C02, s31;
	s8 =	sshrl.u32 s4, $0x3  }
0xc: {  	s7 =	sshrl.u32 s7, $0x3;
	s10 =	sadd.s32 s8, s5;
	s8 =	sadd.s32 s28, s5  }
0xd: {  	s4 =	sadd.s32 $0x90200, s5;
	s7 =	sadd.s32 s7, s5;
	s5 =	sadd.s32 $0x18200, s8  }
0xe: {  	s7 =	sadd.s32 $0xB7400, s7;
	s8 =	smax.u32 s11, $0x1;
	s9 =	sadd.s32 $0xE400, s10  }
0xf: {  	s10 =	sadd.s32 $0x4600, s10;
	s11 =	sshrl.u32 s12, $0x3;
	s12 =	simm.s32 $0x2  }
.LBB2_1:
0x10: {  	[spmem:s11], [sflag:s6] =	dma.local [hbm:s5], $0x2800  }
0x11: {  	_ =	swait.ge [sflag:s12], $0x2800  }
0x12: {  	[sflag:s12] =	ssyncset.done $0x0  }
0x13: {  	[sflag:s12] =	ssyncadd.s32 $0xFFFFD800  }
0x14: {  	s18 =	sadd.s32 $0x0, s10;
	[bflag:$0x0] =	sbarrier.arrive $0xFFFF  }
0x15: {  	[tilespmem:s3], [sflag:$0x2] =	stream.linear.gather [hbm4b:s18+s3], $0x50, $0x38;
	[tilespmem:$0x16900] =	vst v63  }
0x16: {  	_ =	swait.ge [sflag:s12], $0x50  }
0x17: {  	[sflag:s12] =	ssyncset.done $0x0  }
0x18: {  	s31 =	sadd.s32 $0x0, s9;
	[sflag:s12] =	ssyncadd.s32 $0xFFFFFFB0  }
0x19: {  	[tilespmem:s13], [sflag:$0x2] =	stream.linear.gather [hbm4b:s31+s3], $0x50, $0x38;
	[tilespmem:$0x16900] =	vst v63  }
0x1a: {  	_ =	swait.ge [sflag:s12], $0x50  }
0x1b: {  	[sflag:s12] =	ssyncset.done $0x0  }
0x1c: {  	[sflag:s12] =	ssyncadd.s32 $0xFFFFFFB0  }
0x1d: {  	[tilespmem:s15], [sflag:$0x1] =	stream.indirect.gather [hbm4b:s4+s14], $0x80, s3, s14, $0xb8;
	[tilespmem:$0x16900] =	vst v63  }
0x1e: {  	_ =	swait.ge [sflag:s16], $0x2800  }
0x1f: {  	[sflag:s16] =	ssyncset.done $0x0  }
0x20: {  	[sflag:s16] =	ssyncadd.s32 $0xFFFFD800  }
0x21: {  	[spmem:s2] =	stream.indirect.scatter.add.f32 [tilespmem:s15], [sflag:$0x2], $0x80, s13, s14, $0xb8;
	[tilespmem:$0x16900] =	vst v63  }
0x22: {  	_ =	swait.ge [sflag:s12], $0x2800  }
0x23: {  	s19 =	simm.s32 $0x14;
	s18 =	simm.s32 $0xA;
	[sflag:s12] =	ssyncset.done $0x0  }
.LBB2_2:
0x24: {  	s20 =	sadd.s32 s18, s10  }
0x25: {  	[sflag:s12] =	ssyncadd.s32 $0xFFFFD800;
	s21 =	smov.u32 s19;
	s22 =	sadd.s32 $0xA, s19  }
0x26: {  	[tilespmem:s3], [sflag:$0x2] =	stream.linear.gather [hbm4b:s20+s3], $0x50, $0x38;
	[tilespmem:$0x16900] =	vst v63  }
0x27: {  	p0 =	sne.s32 s19, $0x4D8;
	_ =	swait.ge [sflag:s12], $0x50  }
0x28: {  	[sflag:s12] =	ssyncset.done $0x0  }
0x29: {  	s19 =	sadd.s32 s18, s9;
	s18 =	smov.u32 s21;
	[sflag:s12] =	ssyncadd.s32 $0xFFFFFFB0  }
0x2a: {  	[tilespmem:s13], [sflag:$0x2] =	stream.linear.gather [hbm4b:s19+s3], $0x50, $0x38;
	[tilespmem:$0x16900] =	vst v63  }
0x2b: {  	_ =	swait.ge [sflag:s12], $0x50  }
0x2c: {  	[sflag:s12] =	ssyncset.done $0x0  }
0x2d: {  	[sflag:s12] =	ssyncadd.s32 $0xFFFFFFB0  }
0x2e: {  	[tilespmem:s15], [sflag:$0x1] =	stream.indirect.gather [hbm4b:s4+s14], $0x80, s3, s14, $0xb8;
	[tilespmem:$0x16900] =	vst v63  }
0x2f: {  	_ =	swait.ge [sflag:s16], $0x2800  }
.Ltmp0:
0x30: {  	[sflag:s16] =	ssyncset.done $0x0;
	(pc) =	sbr.rel @p0 .LBB2_2-.Ltmp0, $4  }
0x31: {  	[sflag:s16] =	ssyncadd.s32 $0xFFFFD800  }
0x32: {  	[spmem:s2] =	stream.indirect.scatter.add.f32 [tilespmem:s15], [sflag:$0x2], $0x80, s13, s14, $0xb8;
	[tilespmem:$0x16900] =	vst v63  }
0x33: {  	_ =	swait.ge [sflag:s12], $0x2800  }
0x34: {  	s19 =	smov.u32 s22;
	[sflag:s12] =	ssyncset.done $0x0  }
0x35: {  	s19 =	sadd.s32 s18, s10;
	[sflag:s12] =	ssyncadd.s32 $0xFFFFD800  }
0x36: {  	[tilespmem:s3], [sflag:$0x2] =	stream.linear.gather [hbm4b:s19+s3], $0x50, $0x38;
	[tilespmem:$0x16900] =	vst v63  }
0x37: {  	_ =	swait.ge [sflag:s12], $0x50  }
0x38: {  	[sflag:s12] =	ssyncset.done $0x0  }
0x39: {  	s31 =	sadd.s32 s18, s9;
	[sflag:s12] =	ssyncadd.s32 $0xFFFFFFB0  }
0x3a: {  	[tilespmem:s13], [sflag:$0x2] =	stream.linear.gather [hbm4b:s31+s3], $0x50, $0x38;
	[tilespmem:$0x16900] =	vst v63  }
0x3b: {  	_ =	swait.ge [sflag:s12], $0x50  }
0x3c: {  	[sflag:s12] =	ssyncset.done $0x0  }
0x3d: {  	[sflag:s12] =	ssyncadd.s32 $0xFFFFFFB0  }
0x3e: {  	[tilespmem:s15], [sflag:$0x1] =	stream.indirect.gather [hbm4b:s4+s14], $0x80, s3, s14, $0xb8;
	[tilespmem:$0x16900] =	vst v63  }
0x3f: {  	_ =	swait.ge [sflag:s16], $0x2800  }
0x40: {  	[sflag:s16] =	ssyncset.done $0x0  }
0x41: {  	[sflag:s16] =	ssyncadd.s32 $0xFFFFD800  }
0x42: {  	[spmem:s2] =	stream.indirect.scatter.add.f32 [tilespmem:s15], [sflag:$0x2], $0x80, s13, s14, $0xb8;
	[tilespmem:$0x16900] =	vst v63  }
0x43: {  	_ =	swait.ge [sflag:s12], $0x2800  }
0x44: {  	s17 =	sadd.s32 $0x1, s17;
	[sflag:s12] =	ssyncset.done $0x0  }
0x45: {  	p0 =	sne.s32 s17, s8;
	[sflag:s12] =	ssyncadd.s32 $0xFFFFD800  }
.Ltmp1:
0x46: {  	[bflag:$0x0] =	sbarrier.arrive $0xFFFF;
	(pc) =	sbr.rel @p0 .LBB2_1-.Ltmp1, $4  }
0x47: {  	[hbm:s7], [sflag:s6] =	dma.local [spmem:s11], $0x2800  }
0x48: {  	_ =	swait.ge [sflag:s12], $0x2800  }
0x49: {  	[sflag:s12] =	ssyncset.done $0x0  }
0x4a: {  	[sflag:s12] =	ssyncadd.s32 $0xFFFFD800  }
0x4b: {  	_ =	sfence.sel $0x180000  }
0x4c: {  	[bflag:$0x0] =	sbarrier.arrive $0xFFFF  }
0x4d: {  	p0 =	sne.s32 s0, $0x0;
	_ =	strace $0x9000004A  }
0x4e: {  	s0 =	sadd.s32 @!p0 $0x100000, s1;
	[bflag:$0x2] =	sbarrier.arrive $0xFFFF  }
0x4f: {  	[sflag:s0] =	ssyncadd.tile.s32 @!p0 $0x1;
	_ =	shalt  }
.Lfunc_end2:
_tile_overlayer_lowered:
.L_overlay_start_2:
0x50: {  	(tag) =	ssettag $0x2  }
0x51: {  	s0 =	rddreg [dreg:$0x0];
	s2 =	stileid.u32  }
0x52: {  	s1 =	rddreg [dreg:$0x1];
	p0 =	sne.s32 s2, $0x0  }
0x53: {  	s3 =	rddreg [dreg:$0x2];
	[bflag:$0x3] =	sbarrier.arrive $0xFFFF;
	s2 =	simm.s32 @!p0 $0x1C02  }
0x54: {  	[timem:s3], [sflag:s2] =	dma.local @!p0 [hbm:s0], s1  }
0x55: {  	s0 =	simm.s32 @!p0 $0x2  }
0x56: {  	_ =	swait.ge @!p0 [sflag:s0], s1  }
0x57: {  	s1 =	ssub.s32 @!p0 $0x0, s1;
	[sflag:s0] =	ssyncset.done @!p0 $0x0  }
0x58: {  	[sflag:s0] =	ssyncadd.s32 @!p0 s1  }
0x59: {  	[bflag:$0x3] =	sbarrier.arrive $0xFFFF  }
0x5a: {  	_ =	shalt  }

// kernel: kernel.16.cloned.1.call-start
scs
__scs_entry_jumppad:
0x0: {  	(pc) =	sbr.rel $0x88, $3  }
0x1: {  	(tag) =	ssettag $0x0;
	lr =	simm.s32 $0x1  }
0x2: {  	[smem:$0x3F94] =	sst lr;
	_ =	strace $0xD0000000  }
0x3: {  	_ = 	snop  }
0x4: {  	_ = 	snop  }
0x5: {  	_ = 	snop  }
0x6: {  	_ = 	snop  }
0x7: {  	_ = 	snop  }
__scs_overlays_trampoline_lowered:
0x8: {  	[smem:$0x3FA3] =	sst s0  }
0x9: {  	[smem:$0x3FA4] =	sst s1  }
0xa: {  	[smem:$0x3FA5] =	sst s2  }
0xb: {  	[smem:$0x3FA6] =	sst s3  }
0xc: {  	[smem:$0x3FA7] =	sst s4  }
0xd: {  	[smem:$0x3FA8] =	sst s5  }
0xe: {  	[smem:$0x3FA9] =	sst s6  }
0xf: {  	[smem:$0x3FAA] =	sst s7  }
0x10: {  	[smem:$0x3FAB] =	sst s8  }
0x11: {  	[smem:$0x3FAC] =	sst s9;
	s0 =	simm.s32 @!p0 $0x0  }
0x12: {  	s1 =	sld [smem:$0x3F92];
	s0 =	simm.s32 @p0 $0x1  }
0x13: {  	[smem:$0x3FAD] =	sst s0;
	s0 =	simm.s32 @!p1 $0x0  }
0x14: {  	s2 =	sld [smem:$0x3F91];
	s0 =	simm.s32 @p1 $0x1  }
0x15: {  	[smem:$0x3FAE] =	sst s0;
	s0 =	simm.s32 @!p2 $0x0  }
0x16: {  	s3 =	sld [smem:$0x3FDB];
	s0 =	simm.s32 @p2 $0x1  }
0x17: {  	s4 =	simm.s32 $0x1BF5;
	[smem:$0x3FB0] =	sst s0  }
0x18: {  	s0 =	sld [smem:$0x3F93];
	_ =	swait.ge [sflag:s4], $0x0  }
0x19: {  	s7 =	sld [smem:$0x3F94]  }
0x1a: {  	s8 =	sadd.s32 $0xFFFFE003, lr  }
0x1b: {  	s9 =	sadd.s32 $0xFFFFFEF7, lr;
	s5 =	simm.s32 $0xFFFFFFFF;
	p2 =	slt.u32 s8, $0xFFFFF086  }
0x1c: {  	p1 =	slt.u32 s9, $0xF7A;
	s5 =	simm.s32 @!p2 $0x0  }
0x1d: {  	s5 =	simm.s32 @p1 $0x1;
	p0 =	seq.s32 s7, s2  }
0x1e: {  	s7 =	smul.u32 @!p0 $0xF7A, s2;
	p2 =	seq.s32 @!p0 s5, $0x0  }
0x1f: {  	s9 =	smul.u32 $0xF7A, s1;
	s8 =	simm.s32 @!p0 $0x1BF5;
	p2 =	por !p2, p0  }
0x20: {  	[sflag:s8] =	ssyncset.s32 @!p0 $0xFFFFF086;
	s6 =	sadd.s32 @!p0 s3, s7;
	s7 =	simm.s32 @!p0 $0x108  }
0x21: {  	s3 =	sadd.s32 s3, s9;
	s6 =	sadd.s32 @!p0 $0x88, s6;
	s7 =	simm.s32 @p2 $0x1082  }
0x22: {  	[simem:s7], [sflag:s8] =	dma.local @!p0 [hbm:s6], $0xF7A  }
0x23: {  	s9 =	sor.u32 $0xD0000000, s2;
	s6 =	simm.s32 $0x108;
	_ =	swait.ge @!p0 [sflag:s8], $0x0  }
0x24: {  	s3 =	sadd.s32 $0x88, s3;
	s6 =	simm.s32 @!p1 $0x1082;
	[sflag:s4] =	ssyncset.s32 $0xFFFFF086  }
0x25: {  	[simem:s6], [sflag:s4] =	dma.local [hbm:s3], $0xF7A  }
0x26: {  	[smem:$0x3F94] =	sst s1;
	(tag) =	ssettag s2;
	_ =	strace s9  }
0x27: {  	s1 =	sld [smem:$0x3FA4]  }
0x28: {  	s2 =	sld [smem:$0x3FA5]  }
0x29: {  	s4 =	sld [smem:$0x3FA7]  }
0x2a: {  	p0 =	seq.s32 s5, $0x0;
	s5 =	sld [smem:$0x3FA8]  }
0x2b: {  	s6 =	sld [smem:$0x3FA9]  }
0x2c: {  	s7 =	sld [smem:$0x3FAA]  }
0x2d: {  	s3 =	simm.s32 $0x108;
	s8 =	sld [smem:$0x3FAB]  }
0x2e: {  	s3 =	simm.s32 @!p0 $0x1082;
	s9 =	sld [smem:$0x3FAC]  }
0x2f: {  	lr =	sadd.s32 s0, s3;
	s0 =	sld [smem:$0x3FA3]  }
0x30: {  	s3 =	sld [smem:$0x3FA6]  }
0x31: {  	[smem:$0x3FAF] =	sst s10  }
0x32: {  	s10 =	sld [smem:$0x3FAD];
	_ =	sdelay $0x3  }
0x33: {  	p0 =	seq.s32 s10, $0x1;
	s10 =	sld [smem:$0x3FAF];
	_ =	sdelay $0x3  }
0x34: {  	[smem:$0x3FAF] =	sst s10  }
0x35: {  	s10 =	sld [smem:$0x3FAE];
	_ =	sdelay $0x3  }
0x36: {  	p1 =	seq.s32 s10, $0x1;
	s10 =	sld [smem:$0x3FAF];
	_ =	sdelay $0x3  }
0x37: {  	[smem:$0x3FAF] =	sst s10  }
0x38: {  	s10 =	sld [smem:$0x3FB0]  }
0x39: {  	_ = 	snop;
	(pc) =	sbr.ind lr, $3  }
0x3a: {  	_ = 	snop  }
0x3b: {  	_ = 	snop  }
0x3c: {  	p2 =	seq.s32 s10, $0x1;
	s10 =	sld [smem:$0x3FAF]  }
0x3d: {  	_ =	shalt  }
0x3e: {  	_ =	shalt  }
0x3f: {  	_ =	shalt  }
0x40: {  	_ =	shalt  }
0x41: {  	_ =	shalt  }
0x42: {  	_ =	shalt  }
0x43: {  	_ =	shalt  }
0x44: {  	_ =	shalt  }
0x45: {  	_ =	shalt  }
0x46: {  	_ =	shalt  }
0x47: {  	_ =	shalt  }
0x48: {  	_ =	shalt  }
0x49: {  	_ =	shalt  }
0x4a: {  	_ =	shalt  }
0x4b: {  	_ =	shalt  }
0x4c: {  	_ =	shalt  }
0x4d: {  	_ =	shalt  }
0x4e: {  	_ =	shalt  }
0x4f: {  	_ =	shalt  }
0x50: {  	_ =	shalt  }
0x51: {  	_ =	shalt  }
0x52: {  	_ =	shalt  }
0x53: {  	_ =	shalt  }
0x54: {  	_ =	shalt  }
0x55: {  	_ =	shalt  }
0x56: {  	_ =	shalt  }
0x57: {  	_ =	shalt  }
0x58: {  	_ =	shalt  }
0x59: {  	_ =	shalt  }
0x5a: {  	_ =	shalt  }
0x5b: {  	_ =	shalt  }
0x5c: {  	_ =	shalt  }
0x5d: {  	_ =	shalt  }
0x5e: {  	_ =	shalt  }
0x5f: {  	_ =	shalt  }
0x60: {  	_ =	shalt  }
0x61: {  	_ =	shalt  }
0x62: {  	_ =	shalt  }
0x63: {  	_ =	shalt  }
0x64: {  	_ =	shalt  }
0x65: {  	_ =	shalt  }
0x66: {  	_ =	shalt  }
0x67: {  	_ =	shalt  }
0x68: {  	_ =	shalt  }
0x69: {  	_ =	shalt  }
0x6a: {  	_ =	shalt  }
0x6b: {  	_ =	shalt  }
0x6c: {  	_ =	shalt  }
0x6d: {  	_ =	shalt  }
0x6e: {  	_ =	shalt  }
0x6f: {  	_ =	shalt  }
0x70: {  	_ =	shalt  }
0x71: {  	_ =	shalt  }
0x72: {  	_ =	shalt  }
0x73: {  	_ =	shalt  }
0x74: {  	_ =	shalt  }
0x75: {  	_ =	shalt  }
0x76: {  	_ =	shalt  }
0x77: {  	_ =	shalt  }
0x78: {  	_ =	shalt  }
0x79: {  	_ =	shalt  }
0x7a: {  	_ =	shalt  }
0x7b: {  	_ =	shalt  }
0x7c: {  	_ =	shalt  }
0x7d: {  	_ =	shalt  }
0x7e: {  	_ =	shalt  }
0x7f: {  	_ =	shalt  }
0x80: {  	_ =	shalt  }
0x81: {  	_ =	shalt  }
0x82: {  	_ =	shalt  }
0x83: {  	_ =	shalt  }
0x84: {  	_ =	shalt  }
0x85: {  	_ =	shalt  }
0x86: {  	_ =	shalt  }
0x87: {  	_ =	shalt  }
.Lfunc_end0:
.L_simem_size_0:
called_computation.2_lowered:
.L_overlay_start_0:
0x88: {  	s2 =	sld [smem:$0x3FD9]  }
0x89: {  	s3 =	sld [smem:$0x3FFE];
	_ =	sdelay $0x1  }
0x8a: {  	s1 =	srdreg.scid  }
0x8b: {  	s0 =	sand.u32 $0x1, s1  }
0x8c: {  	s16 =	sshll.u32 s0, $0xA;
	s2 =	sadd.s32 s3, s2  }
0x8d: {  	s2 =	sadd.s32 s2, s16  }
0x8e: {  	[smem:$0x3FBB] =	sst s2  }
0x8f: {  	_ = 	snop  }
0x90: {  	(tm) =	ssettm $0x1  }
0x91: {  	s17 =	sld [smem:$0x3FFB];
	_ =	sdelay $0x3  }
0x92: {  	_ =	strace s17  }
0x93: {  	s2 =	sld [smem:$0x3FFC];
	_ =	sdelay $0x3  }
0x94: {  	_ =	strace s2  }
0x95: {  	s2 =	sld [smem:$0x3FFD];
	_ =	sdelay $0x3  }
0x96: {  	_ =	strace s2  }
0x97: {  	_ =	strace $0x8FFFFFFF  }
0x98: {  	s18 =	sld [smem:$0x3FDB];
	_ =	sdelay $0x1  }
0x99: {  	s19 =	simm.s32 $_scs_section_size  }
0x9a: {  	s4 =	simm.s32 $_size__tile_overlayer_lowered;
	s5 =	simm.s32 $_tile_overlayer_lowered  }
0x9b: {  	s22 =	simm.s32 $0x1BFF;
	s21 =	sshll.u32 s5, $0x1;
	s2 =	sadd.s32 s19, s18  }
0x9c: {  	s6 =	simm.s32 $0x0;
	s20 =	sshll.u32 s4, $0x1;
	s4 =	sadd.s32 s21, s2  }
0x9d: {  	[timem:s6], [sflag:s22] =	dma.local [hbm:s4], s20  }
0x9e: {  	_ =	swait.ge [sflag:s22], s20  }
0x9f: {  	s3 =	ssub.s32 $0x0, s20;
	[sflag:s22] =	ssyncset.done $0x0  }
0xa0: {  	[sflag:s22] =	ssyncadd.s32 s3;
	_ =	sdelay $0x1  }
0xa1: {  	s23 =	simm.s32 $0x1B8B  }
0xa2: {  	_ =	swait.ge [sflag:s23], $0x1  }
0xa3: {  	[sflag:s23] =	ssyncset.done $0x0  }
0xa4: {  	s25 =	simm.s32 $0x1B8E;
	s24 =	sld [smem:$0x3FFE];
	[sflag:s23] =	ssyncadd.s32 $0xFFFFFFFF  }
0xa5: {  	s26 =	simm.s32 $execute0_lowered;
	[smem:$0x3FD2] =	sst s25  }
0xa6: {  	s4 =	sshll.u32 s26, $0x1;
	_ =	strace $0x8000004C;
	[dreg:$0x1] =	wrdreg $0xFFFFFFFF  }
0xa7: {  	s28 =	simm.s32 $_size_execute0_lowered;
	s2 =	sadd.s32 s2, s4;
	[dreg:$0x0] =	wrdreg $0x0  }
0xa8: {  	s4 =	sshll.u32 s28, $0x1;
	[dreg:$0x2] =	wrdreg s2  }
0xa9: {  	[dreg:$0x3] =	wrdreg s4  }
0xaa: {  	[dreg:$0x4] =	wrdreg $0xC0  }
0xab: {  	_ =	task [dreg:s6], $0x5FFFF  }
0xac: {  	[dreg:$0x1] =	wrdreg $0xFFFFFFFF  }
0xad: {  	[dreg:$0x0] =	wrdreg $0x60  }
0xae: {  	[dreg:$0x2] =	wrdreg s24  }
0xaf: {  	[dreg:$0x3] =	wrdreg $0x29800  }
0xb0: {  	[dreg:$0x4] =	wrdreg $0x9  }
0xb1: {  	_ =	task.clear_ibuf [dreg:s6], $0x5FFFF;
	_ =	strace $0x9000004C  }
0xb2: {  	s29 =	simm.s32 $0x9;
	_ =	strace $0x8000004E  }
0xb3: {  	_ =	swait.ge [sflag:s29], $0x1  }
0xb4: {  	[sflag:s29] =	ssyncadd.s32 $0xFFFFFFFF  }
0xb5: {  	_ =	strace $0x9000004E  }
0xb6: {  	_ =	sfence  }
0xb7: {  	s30 =	sld [smem:$0x0];
	_ =	sdelay $0x2  }
0xb8: {  	s31 =	sshll.u32 s1, $0xD;
	s1 =	sshrl.u32 s1, $0x2  }
0xb9: {  	s3 =	sand.u32 $0x4000, s31;
	s1 =	sadd.s32 s1, s30  }
0xba: {  	s0 =	sor.u32 s3, s0;
	s1 =	sshll.u32 s1, $0x11  }
0xbb: {  	s0 =	sor.u32 s1, s0  }
0xbc: {  	s0 =	sadd.s32 $0x8F2B, s0  }
0xbd: {  	[sflag:s0] =	ssyncadd.remote.s32 $0x1  }
0xbe: {  	_ =	sfence.sel $0xFFFF  }
0xbf: {  	[dreg:$0x0] =	wrdreg $0xFFFFFFFF;
	(pc) =	sbr.abs _section_cstart, $3  }
0xc0: {  	[dreg:$0x1] =	wrdreg $0xFFFFFFFF  }
0xc1: {  	_ =	task.clear_ibuf [dreg:s6], $0x2FFFF;
	_ =	strace $0x9FFFFFFF  }
0xc2: {  	(tm) =	ssettm $0x7FFFFFFF  }
0xc3: {  	_ =	shalt  }
tec
execute0_lowered:
.L_overlay_start_1:
0x0: {  	(tag) =	ssettag $0x1  }
0x1: {  	s1 =	srdreg.scid;
	s5 =	rddreg [dreg:$0x0]  }
0x2: {  	s0 =	stileid.u32;
	s2 =	rddreg [dreg:$0x1];
	s3 =	simm.s32 $0x0  }
0x3: {  	s13 =	simm.s32 $0x2;
	s14 =	simm.s32 $0x100;
	s15 =	simm.s32 $0x50  }
0x4: {  	s16 =	simm.s32 $0x180;
	s17 =	simm.s32 $0x1;
	s4 =	smul.u32 $0x4E20, s0  }
0x5: {  	s18 =	simm.s32 $0x80;
	s19 =	simm.s32 $0x0;
	s24 =	smul.u32 $0x14000, s0  }
0x6: {  	s6 =	sand.u32 $0x1, s1;
	s1 =	rddreg [dreg:$0x2];
	s26 =	smul.u32 $0x50000, s0  }
0x7: {  	[smem:$0x7FF] =	sst s3;
	s31 =	sshll.u32 s0, $0x6;
	s7 =	smul.u32 $0x2710, s6  }
0x8: {  	s9 =	smul.u32 $0x280000, s6;
	_ =	strace $0x8000004D;
	s6 =	ssub.s32 $0x2, s6  }
0x9: {  	s25 =	sshrl.u32 s24, $0x3;
	s28 =	sshrl.u32 s6, $0x1;
	s29 =	sshrl.u32 s26, $0x2  }
0xa: {  	s4 =	sadd.s32 s7, s4;
	s7 =	sadd.s32 s24, s9;
	s30 =	ssub.s32 s6, s28  }
0xb: {  	s12 =	sadd.s32 s29, s2;
	s6 =	sor.u32 $0x1C02, s31;
	s8 =	sshrl.u32 s4, $0x3  }
0xc: {  	s4 =	sadd.s32 $0x90200, s5;
	s7 =	sshrl.u32 s7, $0x3;
	s9 =	smax.u32 s30, $0x1  }
0xd: {  	s11 =	sadd.s32 s8, s5;
	s8 =	sadd.s32 s25, s5;
	s10 =	sadd.s32 s7, s5  }
0xe: {  	s12 =	sshrl.u32 s12, $0x3;
	s5 =	sadd.s32 $0x18200, s8;
	s7 =	sadd.s32 $0xDE400, s10  }
0xf: {  	s8 =	sadd.s32 $0x106400, s10;
	s10 =	sadd.s32 $0xE400, s11;
	s11 =	sadd.s32 $0x4600, s11  }
.LBB2_1:
0x10: {  	[spmem:s12], [sflag:s6] =	dma.local [hbm:s5], $0x2800  }
0x11: {  	_ =	swait.ge [sflag:s13], $0x2800  }
0x12: {  	[sflag:s13] =	ssyncset.done $0x0  }
0x13: {  	[sflag:s13] =	ssyncadd.s32 $0xFFFFD800  }
0x14: {  	s20 =	sadd.s32 $0x0, s11;
	[bflag:$0x0] =	sbarrier.arrive $0xFFFF  }
0x15: {  	[tilespmem:s3], [sflag:$0x2] =	stream.linear.gather [hbm4b:s20+s3], $0x50, $0x38;
	[tilespmem:$0x16980] =	vst v63  }
0x16: {  	_ =	swait.ge [sflag:s13], $0x50  }
0x17: {  	[sflag:s13] =	ssyncset.done $0x0  }
0x18: {  	s31 =	sadd.s32 $0x0, s10;
	[sflag:s13] =	ssyncadd.s32 $0xFFFFFFB0  }
0x19: {  	[tilespmem:s14], [sflag:$0x2] =	stream.linear.gather [hbm4b:s31+s3], $0x50, $0x38;
	[tilespmem:$0x16980] =	vst v63  }
0x1a: {  	_ =	swait.ge [sflag:s13], $0x50  }
0x1b: {  	[sflag:s13] =	ssyncset.done $0x0  }
0x1c: {  	[sflag:s13] =	ssyncadd.s32 $0xFFFFFFB0  }
0x1d: {  	[tilespmem:s16], [sflag:$0x1] =	stream.indirect.gather [hbm4b:s4+s15], $0x80, s3, s15, $0xb8;
	[tilespmem:$0x16980] =	vst v63  }
0x1e: {  	_ =	swait.ge [sflag:s17], $0x2800  }
0x1f: {  	[sflag:s17] =	ssyncset.done $0x0  }
0x20: {  	[sflag:s17] =	ssyncadd.s32 $0xFFFFD800  }
0x21: {  	[spmem:s2] =	stream.indirect.scatter.add.f32 [tilespmem:s16], [sflag:$0x2], $0x80, s14, s15, $0xb8;
	[tilespmem:$0x16980] =	vst v63  }
0x22: {  	_ =	swait.ge [sflag:s13], $0x2800  }
0x23: {  	s21 =	simm.s32 $0x14;
	s20 =	simm.s32 $0xA;
	[sflag:s13] =	ssyncset.done $0x0  }
.LBB2_2:
0x24: {  	s22 =	sadd.s32 s20, s11  }
0x25: {  	[sflag:s13] =	ssyncadd.s32 $0xFFFFD800;
	s23 =	smov.u32 s21;
	s24 =	sadd.s32 $0xA, s21  }
0x26: {  	[tilespmem:s3], [sflag:$0x2] =	stream.linear.gather [hbm4b:s22+s3], $0x50, $0x38;
	[tilespmem:$0x16980] =	vst v63  }
0x27: {  	p0 =	sne.s32 s21, $0x4D8;
	_ =	swait.ge [sflag:s13], $0x50  }
0x28: {  	[sflag:s13] =	ssyncset.done $0x0  }
0x29: {  	s21 =	sadd.s32 s20, s10;
	s20 =	smov.u32 s23;
	[sflag:s13] =	ssyncadd.s32 $0xFFFFFFB0  }
0x2a: {  	[tilespmem:s14], [sflag:$0x2] =	stream.linear.gather [hbm4b:s21+s3], $0x50, $0x38;
	[tilespmem:$0x16980] =	vst v63  }
0x2b: {  	_ =	swait.ge [sflag:s13], $0x50  }
0x2c: {  	[sflag:s13] =	ssyncset.done $0x0  }
0x2d: {  	[sflag:s13] =	ssyncadd.s32 $0xFFFFFFB0  }
0x2e: {  	[tilespmem:s16], [sflag:$0x1] =	stream.indirect.gather [hbm4b:s4+s15], $0x80, s3, s15, $0xb8;
	[tilespmem:$0x16980] =	vst v63  }
0x2f: {  	_ =	swait.ge [sflag:s17], $0x2800  }
.Ltmp0:
0x30: {  	[sflag:s17] =	ssyncset.done $0x0;
	(pc) =	sbr.rel @p0 .LBB2_2-.Ltmp0, $4  }
0x31: {  	[sflag:s17] =	ssyncadd.s32 $0xFFFFD800  }
0x32: {  	[spmem:s2] =	stream.indirect.scatter.add.f32 [tilespmem:s16], [sflag:$0x2], $0x80, s14, s15, $0xb8;
	[tilespmem:$0x16980] =	vst v63  }
0x33: {  	_ =	swait.ge [sflag:s13], $0x2800  }
0x34: {  	s21 =	smov.u32 s24;
	[sflag:s13] =	ssyncset.done $0x0  }
0x35: {  	s21 =	sadd.s32 s20, s11;
	[sflag:s13] =	ssyncadd.s32 $0xFFFFD800  }
0x36: {  	[tilespmem:s3], [sflag:$0x2] =	stream.linear.gather [hbm4b:s21+s3], $0x50, $0x38;
	[tilespmem:$0x16980] =	vst v63  }
0x37: {  	_ =	swait.ge [sflag:s13], $0x50  }
0x38: {  	[sflag:s13] =	ssyncset.done $0x0  }
0x39: {  	s29 =	sadd.s32 s20, s10;
	[sflag:s13] =	ssyncadd.s32 $0xFFFFFFB0  }
0x3a: {  	[tilespmem:s14], [sflag:$0x2] =	stream.linear.gather [hbm4b:s29+s3], $0x50, $0x38;
	[tilespmem:$0x16980] =	vst v63  }
0x3b: {  	_ =	swait.ge [sflag:s13], $0x50  }
0x3c: {  	[sflag:s13] =	ssyncset.done $0x0  }
0x3d: {  	[sflag:s13] =	ssyncadd.s32 $0xFFFFFFB0  }
0x3e: {  	[tilespmem:s16], [sflag:$0x1] =	stream.indirect.gather [hbm4b:s4+s15], $0x80, s3, s15, $0xb8;
	[tilespmem:$0x16980] =	vst v63  }
0x3f: {  	_ =	swait.ge [sflag:s17], $0x2800  }
0x40: {  	[sflag:s17] =	ssyncset.done $0x0  }
0x41: {  	[sflag:s17] =	ssyncadd.s32 $0xFFFFD800  }
0x42: {  	[spmem:s2] =	stream.indirect.scatter.add.f32 [tilespmem:s16], [sflag:$0x2], $0x80, s14, s15, $0xb8;
	[tilespmem:$0x16980] =	vst v63  }
0x43: {  	_ =	swait.ge [sflag:s13], $0x2800  }
0x44: {  	[sflag:s13] =	ssyncset.done $0x0  }
0x45: {  	[sflag:s13] =	ssyncadd.s32 $0xFFFFD800  }
0x46: {  	[bflag:$0x0] =	sbarrier.arrive $0xFFFF  }
0x47: {  	[hbm:s7], [sflag:s6] =	dma.local [spmem:s12], $0x2800  }
0x48: {  	_ =	swait.ge [sflag:s13], $0x2800  }
0x49: {  	[sflag:s13] =	ssyncset.done $0x0  }
0x4a: {  	[sflag:s13] =	ssyncadd.s32 $0xFFFFD800  }
0x4b: {  	[spmem:s12], [sflag:s6] =	dma.local [hbm:s5], $0x2800  }
0x4c: {  	_ =	swait.ge [sflag:s13], $0x2800  }
0x4d: {  	[sflag:s13] =	ssyncset.done $0x0  }
0x4e: {  	[sflag:s13] =	ssyncadd.s32 $0xFFFFD800  }
0x4f: {  	s30 =	sadd.s32 $0x0, s11;
	[bflag:$0x0] =	sbarrier.arrive $0xFFFF  }
0x50: {  	[tilespmem:s3], [sflag:$0x2] =	stream.linear.gather [hbm4b:s30+s3], $0x50, $0x38;
	[tilespmem:$0x16980] =	vst v63  }
0x51: {  	_ =	swait.ge [sflag:s13], $0x50  }
0x52: {  	[sflag:s13] =	ssyncset.done $0x0  }
0x53: {  	s31 =	sadd.s32 $0x0, s10;
	[sflag:s13] =	ssyncadd.s32 $0xFFFFFFB0  }
0x54: {  	[tilespmem:s14], [sflag:$0x2] =	stream.linear.gather [hbm4b:s31+s3], $0x50, $0x38;
	[tilespmem:$0x16980] =	vst v63  }
0x55: {  	_ =	swait.ge [sflag:s13], $0x50  }
0x56: {  	[sflag:s13] =	ssyncset.done $0x0  }
0x57: {  	[sflag:s13] =	ssyncadd.s32 $0xFFFFFFB0  }
0x58: {  	v0 =	vld [tilespmem:$0x40]  }
0x59: {  	v1 =	vld [tilespmem:$0x20]  }
0x5a: {  	v2 =	vld [tilespmem:$0x30]  }
0x5b: {  	v3 =	vld [tilespmem:$0x10]  }
0x5c: {  	v4 =	vld [tilespmem:$0x0]  }
0x5d: {  	v0 =	vadd.s32 $0x2710, v0  }
0x5e: {  	v1 =	vadd.s32 $0x2710, v1;
	[tilespmem:$0xC0] =	vst v0  }
0x5f: {  	v61 =	vadd.s32 $0x2710, v2;
	[tilespmem:$0xA0] =	vst v1  }
0x60: {  	v62 =	vadd.s32 $0x2710, v3;
	[tilespmem:$0xB0] =	vst v61  }
0x61: {  	v63 =	vadd.s32 $0x2710, v4;
	[tilespmem:$0x90] =	vst v62  }
0x62: {  	[tilespmem:$0x80] =	vst v63  }
0x63: {  	[tilespmem:s16], [sflag:$0x1] =	stream.indirect.gather [hbm4b:s4+s15], $0x80, s18, s15, $0xb8;
	[tilespmem:$0x16980] =	vst v63  }
0x64: {  	_ =	swait.ge [sflag:s17], $0x2800  }
0x65: {  	s20 =	simm.s32 $0xA;
	[sflag:s17] =	ssyncset.done $0x0  }
.LBB2_4:
0x66: {  	p0 =	sne.s32 s20, $0x4D8  }
0x67: {  	[sflag:s17] =	ssyncadd.s32 $0xFFFFD800;
	s21 =	smov.u32 s20;
	s20 =	sadd.s32 $0xA, s20  }
0x68: {  	[spmem:s2] =	stream.indirect.scatter.add.f32 [tilespmem:s16], [sflag:$0x2], $0x80, s14, s15, $0xb8;
	[tilespmem:$0x16980] =	vst v63  }
0x69: {  	_ =	swait.ge [sflag:s13], $0x2800  }
0x6a: {  	[sflag:s13] =	ssyncset.done $0x0  }
0x6b: {  	s22 =	sadd.s32 s21, s11;
	[sflag:s13] =	ssyncadd.s32 $0xFFFFD800  }
0x6c: {  	[tilespmem:s3], [sflag:$0x2] =	stream.linear.gather [hbm4b:s22+s3], $0x50, $0x38;
	[tilespmem:$0x16980] =	vst v63  }
0x6d: {  	_ =	swait.ge [sflag:s13], $0x50  }
0x6e: {  	[sflag:s13] =	ssyncset.done $0x0  }
0x6f: {  	s21 =	sadd.s32 s21, s10;
	[sflag:s13] =	ssyncadd.s32 $0xFFFFFFB0  }
0x70: {  	[tilespmem:s14], [sflag:$0x2] =	stream.linear.gather [hbm4b:s21+s3], $0x50, $0x38;
	[tilespmem:$0x16980] =	vst v63  }
0x71: {  	_ =	swait.ge [sflag:s13], $0x50  }
0x72: {  	[sflag:s13] =	ssyncset.done $0x0  }
0x73: {  	[sflag:s13] =	ssyncadd.s32 $0xFFFFFFB0  }
0x74: {  	v0 =	vld [tilespmem:$0x40]  }
0x75: {  	v1 =	vld [tilespmem:$0x20]  }
0x76: {  	v2 =	vld [tilespmem:$0x30]  }
0x77: {  	v3 =	vld [tilespmem:$0x10]  }
0x78: {  	v4 =	vld [tilespmem:$0x0]  }
0x79: {  	v0 =	vadd.s32 $0x2710, v0  }
0x7a: {  	v1 =	vadd.s32 $0x2710, v1;
	[tilespmem:$0xC0] =	vst v0  }
0x7b: {  	[tilespmem:$0xA0] =	vst v1;
	v0 =	vadd.s32 $0x2710, v2  }
0x7c: {  	v1 =	vadd.s32 $0x2710, v3;
	[tilespmem:$0xB0] =	vst v0  }
.Ltmp1:
0x7d: {  	v0 =	vadd.s32 $0x2710, v4;
	[tilespmem:$0x90] =	vst v1;
	(pc) =	sbr.rel @p0 .LBB2_4-.Ltmp1, $4  }
0x7e: {  	[tilespmem:$0x80] =	vst v0  }
0x7f: {  	[tilespmem:s16], [sflag:$0x1] =	stream.indirect.gather [hbm4b:s4+s15], $0x80, s18, s15, $0xb8;
	[tilespmem:$0x16980] =	vst v63  }
0x80: {  	_ =	swait.ge [sflag:s17], $0x2800  }
0x81: {  	[sflag:s17] =	ssyncset.done $0x0  }
0x82: {  	[sflag:s17] =	ssyncadd.s32 $0xFFFFD800  }
0x83: {  	[spmem:s2] =	stream.indirect.scatter.add.f32 [tilespmem:s16], [sflag:$0x2], $0x80, s14, s15, $0xb8;
	[tilespmem:$0x16980] =	vst v63  }
0x84: {  	_ =	swait.ge [sflag:s13], $0x2800  }
0x85: {  	s19 =	sadd.s32 $0x1, s19;
	[sflag:s13] =	ssyncset.done $0x0  }
0x86: {  	p0 =	sne.s32 s19, s9;
	[sflag:s13] =	ssyncadd.s32 $0xFFFFD800  }
.Ltmp2:
0x87: {  	[bflag:$0x0] =	sbarrier.arrive $0xFFFF;
	(pc) =	sbr.rel @p0 .LBB2_1-.Ltmp2, $4  }
0x88: {  	[hbm:s8], [sflag:s6] =	dma.local [spmem:s12], $0x2800  }
0x89: {  	_ =	swait.ge [sflag:s13], $0x2800  }
0x8a: {  	[sflag:s13] =	ssyncset.done $0x0  }
0x8b: {  	[sflag:s13] =	ssyncadd.s32 $0xFFFFD800  }
0x8c: {  	_ =	sfence.sel $0x180000  }
0x8d: {  	[bflag:$0x0] =	sbarrier.arrive $0xFFFF  }
0x8e: {  	p0 =	sne.s32 s0, $0x0;
	_ =	strace $0x9000004D  }
0x8f: {  	s0 =	sadd.s32 @!p0 $0x100000, s1;
	[bflag:$0x2] =	sbarrier.arrive $0xFFFF  }
0x90: {  	[sflag:s0] =	ssyncadd.tile.s32 @!p0 $0x1;
	_ =	shalt  }
.Lfunc_end2:
_tile_overlayer_lowered:
.L_overlay_start_2:
0x91: {  	(tag) =	ssettag $0x2  }
0x92: {  	s0 =	rddreg [dreg:$0x0];
	s2 =	stileid.u32  }
0x93: {  	s1 =	rddreg [dreg:$0x1];
	p0 =	sne.s32 s2, $0x0  }
0x94: {  	s3 =	rddreg [dreg:$0x2];
	[bflag:$0x3] =	sbarrier.arrive $0xFFFF;
	s2 =	simm.s32 @!p0 $0x1C02  }
0x95: {  	[timem:s3], [sflag:s2] =	dma.local @!p0 [hbm:s0], s1  }
0x96: {  	s0 =	simm.s32 @!p0 $0x2  }
0x97: {  	_ =	swait.ge @!p0 [sflag:s0], s1  }
0x98: {  	s1 =	ssub.s32 @!p0 $0x0, s1;
	[sflag:s0] =	ssyncset.done @!p0 $0x0  }
0x99: {  	[sflag:s0] =	ssyncadd.s32 @!p0 s1  }
0x9a: {  	[bflag:$0x3] =	sbarrier.arrive $0xFFFF  }
0x9b: {  	_ =	shalt  }

// kernel: kernel.19.cloned.1.call-start
scs
__scs_entry_jumppad:
0x0: {  	(pc) =	sbr.rel $0x88, $3  }
0x1: {  	(tag) =	ssettag $0x0;
	lr =	simm.s32 $0x1  }
0x2: {  	[smem:$0x3F94] =	sst lr;
	_ =	strace $0xD0000000  }
0x3: {  	_ = 	snop  }
0x4: {  	_ = 	snop  }
0x5: {  	_ = 	snop  }
0x6: {  	_ = 	snop  }
0x7: {  	_ = 	snop  }
__scs_overlays_trampoline_lowered:
0x8: {  	[smem:$0x3FA3] =	sst s0  }
0x9: {  	[smem:$0x3FA4] =	sst s1  }
0xa: {  	[smem:$0x3FA5] =	sst s2  }
0xb: {  	[smem:$0x3FA6] =	sst s3  }
0xc: {  	[smem:$0x3FA7] =	sst s4  }
0xd: {  	[smem:$0x3FA8] =	sst s5  }
0xe: {  	[smem:$0x3FA9] =	sst s6  }
0xf: {  	[smem:$0x3FAA] =	sst s7  }
0x10: {  	[smem:$0x3FAB] =	sst s8  }
0x11: {  	[smem:$0x3FAC] =	sst s9;
	s0 =	simm.s32 @!p0 $0x0  }
0x12: {  	s1 =	sld [smem:$0x3F92];
	s0 =	simm.s32 @p0 $0x1  }
0x13: {  	[smem:$0x3FAD] =	sst s0;
	s0 =	simm.s32 @!p1 $0x0  }
0x14: {  	s2 =	sld [smem:$0x3F91];
	s0 =	simm.s32 @p1 $0x1  }
0x15: {  	[smem:$0x3FAE] =	sst s0;
	s0 =	simm.s32 @!p2 $0x0  }
0x16: {  	s3 =	sld [smem:$0x3FDB];
	s0 =	simm.s32 @p2 $0x1  }
0x17: {  	s4 =	simm.s32 $0x1BF5;
	[smem:$0x3FB0] =	sst s0  }
0x18: {  	s0 =	sld [smem:$0x3F93];
	_ =	swait.ge [sflag:s4], $0x0  }
0x19: {  	s7 =	sld [smem:$0x3F94]  }
0x1a: {  	s8 =	sadd.s32 $0xFFFFE003, lr  }
0x1b: {  	s9 =	sadd.s32 $0xFFFFFEF7, lr;
	s5 =	simm.s32 $0xFFFFFFFF;
	p2 =	slt.u32 s8, $0xFFFFF086  }
0x1c: {  	p1 =	slt.u32 s9, $0xF7A;
	s5 =	simm.s32 @!p2 $0x0  }
0x1d: {  	s5 =	simm.s32 @p1 $0x1;
	p0 =	seq.s32 s7, s2  }
0x1e: {  	s7 =	smul.u32 @!p0 $0xF7A, s2;
	p2 =	seq.s32 @!p0 s5, $0x0  }
0x1f: {  	s9 =	smul.u32 $0xF7A, s1;
	s8 =	simm.s32 @!p0 $0x1BF5;
	p2 =	por !p2, p0  }
0x20: {  	[sflag:s8] =	ssyncset.s32 @!p0 $0xFFFFF086;
	s6 =	sadd.s32 @!p0 s3, s7;
	s7 =	simm.s32 @!p0 $0x108  }
0x21: {  	s3 =	sadd.s32 s3, s9;
	s6 =	sadd.s32 @!p0 $0x88, s6;
	s7 =	simm.s32 @p2 $0x1082  }
0x22: {  	[simem:s7], [sflag:s8] =	dma.local @!p0 [hbm:s6], $0xF7A  }
0x23: {  	s9 =	sor.u32 $0xD0000000, s2;
	s6 =	simm.s32 $0x108;
	_ =	swait.ge @!p0 [sflag:s8], $0x0  }
0x24: {  	s3 =	sadd.s32 $0x88, s3;
	s6 =	simm.s32 @!p1 $0x1082;
	[sflag:s4] =	ssyncset.s32 $0xFFFFF086  }
0x25: {  	[simem:s6], [sflag:s4] =	dma.local [hbm:s3], $0xF7A  }
0x26: {  	[smem:$0x3F94] =	sst s1;
	(tag) =	ssettag s2;
	_ =	strace s9  }
0x27: {  	s1 =	sld [smem:$0x3FA4]  }
0x28: {  	s2 =	sld [smem:$0x3FA5]  }
0x29: {  	s4 =	sld [smem:$0x3FA7]  }
0x2a: {  	p0 =	seq.s32 s5, $0x0;
	s5 =	sld [smem:$0x3FA8]  }
0x2b: {  	s6 =	sld [smem:$0x3FA9]  }
0x2c: {  	s7 =	sld [smem:$0x3FAA]  }
0x2d: {  	s3 =	simm.s32 $0x108;
	s8 =	sld [smem:$0x3FAB]  }
0x2e: {  	s3 =	simm.s32 @!p0 $0x1082;
	s9 =	sld [smem:$0x3FAC]  }
0x2f: {  	lr =	sadd.s32 s0, s3;
	s0 =	sld [smem:$0x3FA3]  }
0x30: {  	s3 =	sld [smem:$0x3FA6]  }
0x31: {  	[smem:$0x3FAF] =	sst s10  }
0x32: {  	s10 =	sld [smem:$0x3FAD];
	_ =	sdelay $0x3  }
0x33: {  	p0 =	seq.s32 s10, $0x1;
	s10 =	sld [smem:$0x3FAF];
	_ =	sdelay $0x3  }
0x34: {  	[smem:$0x3FAF] =	sst s10  }
0x35: {  	s10 =	sld [smem:$0x3FAE];
	_ =	sdelay $0x3  }
0x36: {  	p1 =	seq.s32 s10, $0x1;
	s10 =	sld [smem:$0x3FAF];
	_ =	sdelay $0x3  }
0x37: {  	[smem:$0x3FAF] =	sst s10  }
0x38: {  	s10 =	sld [smem:$0x3FB0]  }
0x39: {  	_ = 	snop;
	(pc) =	sbr.ind lr, $3  }
0x3a: {  	_ = 	snop  }
0x3b: {  	_ = 	snop  }
0x3c: {  	p2 =	seq.s32 s10, $0x1;
	s10 =	sld [smem:$0x3FAF]  }
0x3d: {  	_ =	shalt  }
0x3e: {  	_ =	shalt  }
0x3f: {  	_ =	shalt  }
0x40: {  	_ =	shalt  }
0x41: {  	_ =	shalt  }
0x42: {  	_ =	shalt  }
0x43: {  	_ =	shalt  }
0x44: {  	_ =	shalt  }
0x45: {  	_ =	shalt  }
0x46: {  	_ =	shalt  }
0x47: {  	_ =	shalt  }
0x48: {  	_ =	shalt  }
0x49: {  	_ =	shalt  }
0x4a: {  	_ =	shalt  }
0x4b: {  	_ =	shalt  }
0x4c: {  	_ =	shalt  }
0x4d: {  	_ =	shalt  }
0x4e: {  	_ =	shalt  }
0x4f: {  	_ =	shalt  }
0x50: {  	_ =	shalt  }
0x51: {  	_ =	shalt  }
0x52: {  	_ =	shalt  }
0x53: {  	_ =	shalt  }
0x54: {  	_ =	shalt  }
0x55: {  	_ =	shalt  }
0x56: {  	_ =	shalt  }
0x57: {  	_ =	shalt  }
0x58: {  	_ =	shalt  }
0x59: {  	_ =	shalt  }
0x5a: {  	_ =	shalt  }
0x5b: {  	_ =	shalt  }
0x5c: {  	_ =	shalt  }
0x5d: {  	_ =	shalt  }
0x5e: {  	_ =	shalt  }
0x5f: {  	_ =	shalt  }
0x60: {  	_ =	shalt  }
0x61: {  	_ =	shalt  }
0x62: {  	_ =	shalt  }
0x63: {  	_ =	shalt  }
0x64: {  	_ =	shalt  }
0x65: {  	_ =	shalt  }
0x66: {  	_ =	shalt  }
0x67: {  	_ =	shalt  }
0x68: {  	_ =	shalt  }
0x69: {  	_ =	shalt  }
0x6a: {  	_ =	shalt  }
0x6b: {  	_ =	shalt  }
0x6c: {  	_ =	shalt  }
0x6d: {  	_ =	shalt  }
0x6e: {  	_ =	shalt  }
0x6f: {  	_ =	shalt  }
0x70: {  	_ =	shalt  }
0x71: {  	_ =	shalt  }
0x72: {  	_ =	shalt  }
0x73: {  	_ =	shalt  }
0x74: {  	_ =	shalt  }
0x75: {  	_ =	shalt  }
0x76: {  	_ =	shalt  }
0x77: {  	_ =	shalt  }
0x78: {  	_ =	shalt  }
0x79: {  	_ =	shalt  }
0x7a: {  	_ =	shalt  }
0x7b: {  	_ =	shalt  }
0x7c: {  	_ =	shalt  }
0x7d: {  	_ =	shalt  }
0x7e: {  	_ =	shalt  }
0x7f: {  	_ =	shalt  }
0x80: {  	_ =	shalt  }
0x81: {  	_ =	shalt  }
0x82: {  	_ =	shalt  }
0x83: {  	_ =	shalt  }
0x84: {  	_ =	shalt  }
0x85: {  	_ =	shalt  }
0x86: {  	_ =	shalt  }
0x87: {  	_ =	shalt  }
.Lfunc_end0:
.L_simem_size_0:
called_computation.3_lowered:
.L_overlay_start_0:
0x88: {  	s2 =	sld [smem:$0x3FD9]  }
0x89: {  	s3 =	sld [smem:$0x3FFE];
	_ =	sdelay $0x1  }
0x8a: {  	s1 =	srdreg.scid  }
0x8b: {  	s0 =	sand.u32 $0x1, s1  }
0x8c: {  	s16 =	sshll.u32 s0, $0xA;
	s2 =	sadd.s32 s3, s2  }
0x8d: {  	s2 =	sadd.s32 s2, s16  }
0x8e: {  	[smem:$0x3FBB] =	sst s2  }
0x8f: {  	_ = 	snop  }
0x90: {  	(tm) =	ssettm $0x1  }
0x91: {  	s17 =	sld [smem:$0x3FFB];
	_ =	sdelay $0x3  }
0x92: {  	_ =	strace s17  }
0x93: {  	s2 =	sld [smem:$0x3FFC];
	_ =	sdelay $0x3  }
0x94: {  	_ =	strace s2  }
0x95: {  	s2 =	sld [smem:$0x3FFD];
	_ =	sdelay $0x3  }
0x96: {  	_ =	strace s2  }
0x97: {  	_ =	strace $0x8FFFFFFF  }
0x98: {  	s18 =	sld [smem:$0x3FDB];
	_ =	sdelay $0x1  }
0x99: {  	s19 =	simm.s32 $_scs_section_size  }
0x9a: {  	s4 =	simm.s32 $_size__tile_overlayer_lowered;
	s5 =	simm.s32 $_tile_overlayer_lowered  }
0x9b: {  	s22 =	simm.s32 $0x1BFF;
	s21 =	sshll.u32 s5, $0x1;
	s2 =	sadd.s32 s19, s18  }
0x9c: {  	s6 =	simm.s32 $0x0;
	s20 =	sshll.u32 s4, $0x1;
	s4 =	sadd.s32 s21, s2  }
0x9d: {  	[timem:s6], [sflag:s22] =	dma.local [hbm:s4], s20  }
0x9e: {  	_ =	swait.ge [sflag:s22], s20  }
0x9f: {  	s3 =	ssub.s32 $0x0, s20;
	[sflag:s22] =	ssyncset.done $0x0  }
0xa0: {  	[sflag:s22] =	ssyncadd.s32 s3;
	_ =	sdelay $0x1  }
0xa1: {  	s23 =	simm.s32 $0x1B8B  }
0xa2: {  	_ =	swait.ge [sflag:s23], $0x1  }
0xa3: {  	[sflag:s23] =	ssyncset.done $0x0  }
0xa4: {  	s25 =	simm.s32 $0x1B8E;
	s24 =	sld [smem:$0x3FFE];
	[sflag:s23] =	ssyncadd.s32 $0xFFFFFFFF  }
0xa5: {  	s26 =	simm.s32 $execute0_lowered;
	[smem:$0x3FD2] =	sst s25  }
0xa6: {  	s4 =	sshll.u32 s26, $0x1;
	_ =	strace $0x8000004F;
	[dreg:$0x1] =	wrdreg $0xFFFFFFFF  }
0xa7: {  	s28 =	simm.s32 $_size_execute0_lowered;
	s2 =	sadd.s32 s2, s4;
	[dreg:$0x0] =	wrdreg $0x0  }
0xa8: {  	s4 =	sshll.u32 s28, $0x1;
	[dreg:$0x2] =	wrdreg s2  }
0xa9: {  	[dreg:$0x3] =	wrdreg s4  }
0xaa: {  	[dreg:$0x4] =	wrdreg $0xC0  }
0xab: {  	_ =	task [dreg:s6], $0x5FFFF  }
0xac: {  	[dreg:$0x1] =	wrdreg $0xFFFFFFFF  }
0xad: {  	[dreg:$0x0] =	wrdreg $0x60  }
0xae: {  	[dreg:$0x2] =	wrdreg s24  }
0xaf: {  	[dreg:$0x3] =	wrdreg $0x29800  }
0xb0: {  	[dreg:$0x4] =	wrdreg $0x9  }
0xb1: {  	_ =	task.clear_ibuf [dreg:s6], $0x5FFFF;
	_ =	strace $0x9000004F  }
0xb2: {  	s29 =	simm.s32 $0x9;
	_ =	strace $0x80000051  }
0xb3: {  	_ =	swait.ge [sflag:s29], $0x1  }
0xb4: {  	[sflag:s29] =	ssyncadd.s32 $0xFFFFFFFF  }
0xb5: {  	_ =	strace $0x90000051  }
0xb6: {  	_ =	sfence  }
0xb7: {  	s30 =	sld [smem:$0x0];
	_ =	sdelay $0x2  }
0xb8: {  	s31 =	sshll.u32 s1, $0xD;
	s1 =	sshrl.u32 s1, $0x2  }
0xb9: {  	s3 =	sand.u32 $0x4000, s31;
	s1 =	sadd.s32 s1, s30  }
0xba: {  	s0 =	sor.u32 s3, s0;
	s1 =	sshll.u32 s1, $0x11  }
0xbb: {  	s0 =	sor.u32 s1, s0  }
0xbc: {  	s0 =	sadd.s32 $0x8F2B, s0  }
0xbd: {  	[sflag:s0] =	ssyncadd.remote.s32 $0x1  }
0xbe: {  	_ =	sfence.sel $0xFFFF  }
0xbf: {  	[dreg:$0x0] =	wrdreg $0xFFFFFFFF;
	(pc) =	sbr.abs _section_cstart, $3  }
0xc0: {  	[dreg:$0x1] =	wrdreg $0xFFFFFFFF  }
0xc1: {  	_ =	task.clear_ibuf [dreg:s6], $0x2FFFF;
	_ =	strace $0x9FFFFFFF  }
0xc2: {  	(tm) =	ssettm $0x7FFFFFFF  }
0xc3: {  	_ =	shalt  }
tec
execute0_lowered:
.L_overlay_start_1:
0x0: {  	(tag) =	ssettag $0x1  }
0x1: {  	s1 =	srdreg.scid;
	s5 =	rddreg [dreg:$0x0]  }
0x2: {  	s0 =	stileid.u32;
	s2 =	rddreg [dreg:$0x1]  }
0x3: {  	s3 =	simm.s32 $0x0;
	s15 =	simm.s32 $0x2;
	s16 =	simm.s32 $0x100  }
0x4: {  	s17 =	simm.s32 $0x50;
	s18 =	simm.s32 $0x180;
	s4 =	smul.u32 $0x4E20, s0  }
0x5: {  	s19 =	simm.s32 $0x1;
	s20 =	simm.s32 $0x80;
	s8 =	smul.u32 $0x14000, s0  }
0x6: {  	s6 =	sand.u32 $0x1, s1;
	s1 =	rddreg [dreg:$0x2];
	s28 =	smul.u32 $0x50000, s0  }
0x7: {  	s21 =	simm.s32 $0x0;
	[smem:$0x7FF] =	sst s3;
	s7 =	smul.u32 $0x2710, s6  }
0x8: {  	s31 =	sshll.u32 s0, $0x6;
	s9 =	smul.u32 $0x500000, s6;
	s6 =	ssub.s32 $0x2, s6  }
0x9: {  	_ =	strace $0x80000050;
	s26 =	sshrl.u32 s8, $0x3;
	s29 =	sshrl.u32 s6, $0x1  }
0xa: {  	s30 =	sshrl.u32 s28, $0x2;
	s7 =	sadd.s32 s7, s4;
	s4 =	sadd.s32 $0x40200, s5  }
0xb: {  	s8 =	sadd.s32 s8, s9;
	s11 =	ssub.s32 s6, s29;
	s6 =	sor.u32 $0x1C02, s31  }
0xc: {  	s14 =	sadd.s32 s30, s2;
	s7 =	sshrl.u32 s7, $0x3;
	s8 =	sshrl.u32 s8, $0x3  }
0xd: {  	s13 =	sadd.s32 s7, s5;
	s7 =	sadd.s32 s26, s5;
	s10 =	sadd.s32 s8, s5  }
0xe: {  	s11 =	smax.u32 s11, $0x1;
	s5 =	sadd.s32 $0x18200, s7;
	s7 =	sadd.s32 $0xDC600, s10  }
0xf: {  	s14 =	sshrl.u32 s14, $0x3;
	s8 =	sadd.s32 $0x104600, s10;
	s9 =	sadd.s32 $0x12C600, s10  }
0x10: {  	s10 =	sadd.s32 $0x154600, s10;
	s12 =	sadd.s32 $0xE400, s13;
	s13 =	sadd.s32 $0x4600, s13  }
.LBB2_1:
0x11: {  	[spmem:s14], [sflag:s6] =	dma.local [hbm:s5], $0x2800  }
0x12: {  	_ =	swait.ge [sflag:s15], $0x2800  }
0x13: {  	[sflag:s15] =	ssyncset.done $0x0  }
0x14: {  	[sflag:s15] =	ssyncadd.s32 $0xFFFFD800  }
0x15: {  	s22 =	sadd.s32 $0x0, s13;
	[bflag:$0x0] =	sbarrier.arrive $0xFFFF  }
0x16: {  	[tilespmem:s3], [sflag:$0x2] =	stream.linear.gather [hbm4b:s22+s3], $0x50, $0x38;
	[tilespmem:$0x16980] =	vst v63  }
0x17: {  	_ =	swait.ge [sflag:s15], $0x50  }
0x18: {  	[sflag:s15] =	ssyncset.done $0x0  }
0x19: {  	s31 =	sadd.s32 $0x0, s12;
	[sflag:s15] =	ssyncadd.s32 $0xFFFFFFB0  }
0x1a: {  	[tilespmem:s16], [sflag:$0x2] =	stream.linear.gather [hbm4b:s31+s3], $0x50, $0x38;
	[tilespmem:$0x16980] =	vst v63  }
0x1b: {  	_ =	swait.ge [sflag:s15], $0x50  }
0x1c: {  	[sflag:s15] =	ssyncset.done $0x0  }
0x1d: {  	[sflag:s15] =	ssyncadd.s32 $0xFFFFFFB0  }
0x1e: {  	[tilespmem:s18], [sflag:$0x1] =	stream.indirect.gather [hbm4b:s4+s17], $0x80, s3, s17, $0xb8;
	[tilespmem:$0x16980] =	vst v63  }
0x1f: {  	_ =	swait.ge [sflag:s19], $0x2800  }
0x20: {  	[sflag:s19] =	ssyncset.done $0x0  }
0x21: {  	[sflag:s19] =	ssyncadd.s32 $0xFFFFD800  }
0x22: {  	[spmem:s2] =	stream.indirect.scatter.add.f32 [tilespmem:s18], [sflag:$0x2], $0x80, s16, s17, $0xb8;
	[tilespmem:$0x16980] =	vst v63  }
0x23: {  	_ =	swait.ge [sflag:s15], $0x2800  }
0x24: {  	s23 =	simm.s32 $0x14;
	s22 =	simm.s32 $0xA;
	[sflag:s15] =	ssyncset.done $0x0  }
.LBB2_2:
0x25: {  	s24 =	sadd.s32 s22, s13  }
0x26: {  	[sflag:s15] =	ssyncadd.s32 $0xFFFFD800;
	s25 =	smov.u32 s23;
	s26 =	sadd.s32 $0xA, s23  }
0x27: {  	[tilespmem:s3], [sflag:$0x2] =	stream.linear.gather [hbm4b:s24+s3], $0x50, $0x38;
	[tilespmem:$0x16980] =	vst v63  }
0x28: {  	p0 =	sne.s32 s23, $0x4D8;
	_ =	swait.ge [sflag:s15], $0x50  }
0x29: {  	[sflag:s15] =	ssyncset.done $0x0  }
0x2a: {  	s23 =	sadd.s32 s22, s12;
	s22 =	smov.u32 s25;
	[sflag:s15] =	ssyncadd.s32 $0xFFFFFFB0  }
0x2b: {  	[tilespmem:s16], [sflag:$0x2] =	stream.linear.gather [hbm4b:s23+s3], $0x50, $0x38;
	[tilespmem:$0x16980] =	vst v63  }
0x2c: {  	_ =	swait.ge [sflag:s15], $0x50  }
0x2d: {  	[sflag:s15] =	ssyncset.done $0x0  }
0x2e: {  	[sflag:s15] =	ssyncadd.s32 $0xFFFFFFB0  }
0x2f: {  	[tilespmem:s18], [sflag:$0x1] =	stream.indirect.gather [hbm4b:s4+s17], $0x80, s3, s17, $0xb8;
	[tilespmem:$0x16980] =	vst v63  }
0x30: {  	_ =	swait.ge [sflag:s19], $0x2800  }
.Ltmp0:
0x31: {  	[sflag:s19] =	ssyncset.done $0x0;
	(pc) =	sbr.rel @p0 .LBB2_2-.Ltmp0, $4  }
0x32: {  	[sflag:s19] =	ssyncadd.s32 $0xFFFFD800  }
0x33: {  	[spmem:s2] =	stream.indirect.scatter.add.f32 [tilespmem:s18], [sflag:$0x2], $0x80, s16, s17, $0xb8;
	[tilespmem:$0x16980] =	vst v63  }
0x34: {  	_ =	swait.ge [sflag:s15], $0x2800  }
0x35: {  	s23 =	smov.u32 s26;
	[sflag:s15] =	ssyncset.done $0x0  }
0x36: {  	s23 =	sadd.s32 s22, s13;
	[sflag:s15] =	ssyncadd.s32 $0xFFFFD800  }
0x37: {  	[tilespmem:s3], [sflag:$0x2] =	stream.linear.gather [hbm4b:s23+s3], $0x50, $0x38;
	[tilespmem:$0x16980] =	vst v63  }
0x38: {  	_ =	swait.ge [sflag:s15], $0x50  }
0x39: {  	[sflag:s15] =	ssyncset.done $0x0  }
0x3a: {  	s29 =	sadd.s32 s22, s12;
	[sflag:s15] =	ssyncadd.s32 $0xFFFFFFB0  }
0x3b: {  	[tilespmem:s16], [sflag:$0x2] =	stream.linear.gather [hbm4b:s29+s3], $0x50, $0x38;
	[tilespmem:$0x16980] =	vst v63  }
0x3c: {  	_ =	swait.ge [sflag:s15], $0x50  }
0x3d: {  	[sflag:s15] =	ssyncset.done $0x0  }
0x3e: {  	[sflag:s15] =	ssyncadd.s32 $0xFFFFFFB0  }
0x3f: {  	[tilespmem:s18], [sflag:$0x1] =	stream.indirect.gather [hbm4b:s4+s17], $0x80, s3, s17, $0xb8;
	[tilespmem:$0x16980] =	vst v63  }
0x40: {  	_ =	swait.ge [sflag:s19], $0x2800  }
0x41: {  	[sflag:s19] =	ssyncset.done $0x0  }
0x42: {  	[sflag:s19] =	ssyncadd.s32 $0xFFFFD800  }
0x43: {  	[spmem:s2] =	stream.indirect.scatter.add.f32 [tilespmem:s18], [sflag:$0x2], $0x80, s16, s17, $0xb8;
	[tilespmem:$0x16980] =	vst v63  }
0x44: {  	_ =	swait.ge [sflag:s15], $0x2800  }
0x45: {  	[sflag:s15] =	ssyncset.done $0x0  }
0x46: {  	[sflag:s15] =	ssyncadd.s32 $0xFFFFD800  }
0x47: {  	[bflag:$0x0] =	sbarrier.arrive $0xFFFF  }
0x48: {  	[hbm:s7], [sflag:s6] =	dma.local [spmem:s14], $0x2800  }
0x49: {  	_ =	swait.ge [sflag:s15], $0x2800  }
0x4a: {  	[sflag:s15] =	ssyncset.done $0x0  }
0x4b: {  	[sflag:s15] =	ssyncadd.s32 $0xFFFFD800  }
0x4c: {  	[spmem:s14], [sflag:s6] =	dma.local [hbm:s5], $0x2800  }
0x4d: {  	_ =	swait.ge [sflag:s15], $0x2800  }
0x4e: {  	[sflag:s15] =	ssyncset.done $0x0  }
0x4f: {  	[sflag:s15] =	ssyncadd.s32 $0xFFFFD800  }
0x50: {  	s30 =	sadd.s32 $0x0, s13;
	[bflag:$0x0] =	sbarrier.arrive $0xFFFF  }
0x51: {  	[tilespmem:s3], [sflag:$0x2] =	stream.linear.gather [hbm4b:s30+s3], $0x50, $0x38;
	[tilespmem:$0x16980] =	vst v63  }
0x52: {  	_ =	swait.ge [sflag:s15], $0x50  }
0x53: {  	[sflag:s15] =	ssyncset.done $0x0  }
0x54: {  	s31 =	sadd.s32 $0x0, s12;
	[sflag:s15] =	ssyncadd.s32 $0xFFFFFFB0  }
0x55: {  	[tilespmem:s16], [sflag:$0x2] =	stream.linear.gather [hbm4b:s31+s3], $0x50, $0x38;
	[tilespmem:$0x16980] =	vst v63  }
0x56: {  	_ =	swait.ge [sflag:s15], $0x50  }
0x57: {  	[sflag:s15] =	ssyncset.done $0x0  }
0x58: {  	[sflag:s15] =	ssyncadd.s32 $0xFFFFFFB0  }
0x59: {  	v0 =	vld [tilespmem:$0x40]  }
0x5a: {  	v1 =	vld [tilespmem:$0x20]  }
0x5b: {  	v2 =	vld [tilespmem:$0x30]  }
0x5c: {  	v3 =	vld [tilespmem:$0x10]  }
0x5d: {  	v4 =	vld [tilespmem:$0x0]  }
0x5e: {  	v0 =	vadd.s32 $0x2710, v0  }
0x5f: {  	v1 =	vadd.s32 $0x2710, v1;
	[tilespmem:$0xC0] =	vst v0  }
0x60: {  	v61 =	vadd.s32 $0x2710, v2;
	[tilespmem:$0xA0] =	vst v1  }
0x61: {  	v62 =	vadd.s32 $0x2710, v3;
	[tilespmem:$0xB0] =	vst v61  }
0x62: {  	v63 =	vadd.s32 $0x2710, v4;
	[tilespmem:$0x90] =	vst v62  }
0x63: {  	[tilespmem:$0x80] =	vst v63  }
0x64: {  	[tilespmem:s18], [sflag:$0x1] =	stream.indirect.gather [hbm4b:s4+s17], $0x80, s20, s17, $0xb8;
	[tilespmem:$0x16980] =	vst v63  }
0x65: {  	_ =	swait.ge [sflag:s19], $0x2800  }
0x66: {  	s22 =	simm.s32 $0xA;
	[sflag:s19] =	ssyncset.done $0x0  }
.LBB2_4:
0x67: {  	p0 =	sne.s32 s22, $0x4D8  }
0x68: {  	[sflag:s19] =	ssyncadd.s32 $0xFFFFD800;
	s23 =	smov.u32 s22;
	s22 =	sadd.s32 $0xA, s22  }
0x69: {  	[spmem:s2] =	stream.indirect.scatter.add.f32 [tilespmem:s18], [sflag:$0x2], $0x80, s16, s17, $0xb8;
	[tilespmem:$0x16980] =	vst v63  }
0x6a: {  	_ =	swait.ge [sflag:s15], $0x2800  }
0x6b: {  	[sflag:s15] =	ssyncset.done $0x0  }
0x6c: {  	s24 =	sadd.s32 s23, s13;
	[sflag:s15] =	ssyncadd.s32 $0xFFFFD800  }
0x6d: {  	[tilespmem:s3], [sflag:$0x2] =	stream.linear.gather [hbm4b:s24+s3], $0x50, $0x38;
	[tilespmem:$0x16980] =	vst v63  }
0x6e: {  	_ =	swait.ge [sflag:s15], $0x50  }
0x6f: {  	[sflag:s15] =	ssyncset.done $0x0  }
0x70: {  	s23 =	sadd.s32 s23, s12;
	[sflag:s15] =	ssyncadd.s32 $0xFFFFFFB0  }
0x71: {  	[tilespmem:s16], [sflag:$0x2] =	stream.linear.gather [hbm4b:s23+s3], $0x50, $0x38;
	[tilespmem:$0x16980] =	vst v63  }
0x72: {  	_ =	swait.ge [sflag:s15], $0x50  }
0x73: {  	[sflag:s15] =	ssyncset.done $0x0  }
0x74: {  	[sflag:s15] =	ssyncadd.s32 $0xFFFFFFB0  }
0x75: {  	v0 =	vld [tilespmem:$0x40]  }
0x76: {  	v1 =	vld [tilespmem:$0x20]  }
0x77: {  	v2 =	vld [tilespmem:$0x30]  }
0x78: {  	v3 =	vld [tilespmem:$0x10]  }
0x79: {  	v4 =	vld [tilespmem:$0x0]  }
0x7a: {  	v0 =	vadd.s32 $0x2710, v0  }
0x7b: {  	v1 =	vadd.s32 $0x2710, v1;
	[tilespmem:$0xC0] =	vst v0  }
0x7c: {  	[tilespmem:$0xA0] =	vst v1;
	v0 =	vadd.s32 $0x2710, v2  }
0x7d: {  	v1 =	vadd.s32 $0x2710, v3;
	[tilespmem:$0xB0] =	vst v0  }
.Ltmp1:
0x7e: {  	v0 =	vadd.s32 $0x2710, v4;
	[tilespmem:$0x90] =	vst v1;
	(pc) =	sbr.rel @p0 .LBB2_4-.Ltmp1, $4  }
0x7f: {  	[tilespmem:$0x80] =	vst v0  }
0x80: {  	[tilespmem:s18], [sflag:$0x1] =	stream.indirect.gather [hbm4b:s4+s17], $0x80, s20, s17, $0xb8;
	[tilespmem:$0x16980] =	vst v63  }
0x81: {  	_ =	swait.ge [sflag:s19], $0x2800  }
0x82: {  	[sflag:s19] =	ssyncset.done $0x0  }
0x83: {  	[sflag:s19] =	ssyncadd.s32 $0xFFFFD800  }
0x84: {  	[spmem:s2] =	stream.indirect.scatter.add.f32 [tilespmem:s18], [sflag:$0x2], $0x80, s16, s17, $0xb8;
	[tilespmem:$0x16980] =	vst v63  }
0x85: {  	_ =	swait.ge [sflag:s15], $0x2800  }
0x86: {  	[sflag:s15] =	ssyncset.done $0x0  }
0x87: {  	[sflag:s15] =	ssyncadd.s32 $0xFFFFD800  }
0x88: {  	[bflag:$0x0] =	sbarrier.arrive $0xFFFF  }
0x89: {  	[hbm:s8], [sflag:s6] =	dma.local [spmem:s14], $0x2800  }
0x8a: {  	_ =	swait.ge [sflag:s15], $0x2800  }
0x8b: {  	[sflag:s15] =	ssyncset.done $0x0  }
0x8c: {  	[sflag:s15] =	ssyncadd.s32 $0xFFFFD800  }
0x8d: {  	[spmem:s14], [sflag:s6] =	dma.local [hbm:s5], $0x2800  }
0x8e: {  	_ =	swait.ge [sflag:s15], $0x2800  }
0x8f: {  	[sflag:s15] =	ssyncset.done $0x0  }
0x90: {  	[sflag:s15] =	ssyncadd.s32 $0xFFFFD800  }
0x91: {  	s22 =	sadd.s32 $0x0, s13;
	[bflag:$0x0] =	sbarrier.arrive $0xFFFF  }
0x92: {  	[tilespmem:s3], [sflag:$0x2] =	stream.linear.gather [hbm4b:s22+s3], $0x50, $0x38;
	[tilespmem:$0x16980] =	vst v63  }
0x93: {  	_ =	swait.ge [sflag:s15], $0x50  }
0x94: {  	[sflag:s15] =	ssyncset.done $0x0  }
0x95: {  	s31 =	sadd.s32 $0x0, s12;
	[sflag:s15] =	ssyncadd.s32 $0xFFFFFFB0  }
0x96: {  	[tilespmem:s16], [sflag:$0x2] =	stream.linear.gather [hbm4b:s31+s3], $0x50, $0x38;
	[tilespmem:$0x16980] =	vst v63  }
0x97: {  	_ =	swait.ge [sflag:s15], $0x50  }
0x98: {  	[sflag:s15] =	ssyncset.done $0x0  }
0x99: {  	[sflag:s15] =	ssyncadd.s32 $0xFFFFFFB0  }
0x9a: {  	v0 =	vld [tilespmem:$0x40]  }
0x9b: {  	v1 =	vld [tilespmem:$0x20]  }
0x9c: {  	v2 =	vld [tilespmem:$0x30]  }
0x9d: {  	v3 =	vld [tilespmem:$0x10]  }
0x9e: {  	v4 =	vld [tilespmem:$0x0]  }
0x9f: {  	v0 =	vadd.s32 $0x4E20, v0  }
0xa0: {  	v1 =	vadd.s32 $0x4E20, v1;
	[tilespmem:$0xC0] =	vst v0  }
0xa1: {  	v61 =	vadd.s32 $0x4E20, v2;
	[tilespmem:$0xA0] =	vst v1  }
0xa2: {  	v62 =	vadd.s32 $0x4E20, v3;
	[tilespmem:$0xB0] =	vst v61  }
0xa3: {  	v63 =	vadd.s32 $0x4E20, v4;
	[tilespmem:$0x90] =	vst v62  }
0xa4: {  	[tilespmem:$0x80] =	vst v63  }
0xa5: {  	[tilespmem:s18], [sflag:$0x1] =	stream.indirect.gather [hbm4b:s4+s17], $0x80, s20, s17, $0xb8;
	[tilespmem:$0x16980] =	vst v63  }
0xa6: {  	_ =	swait.ge [sflag:s19], $0x2800  }
0xa7: {  	s22 =	simm.s32 $0xA;
	[sflag:s19] =	ssyncset.done $0x0  }
.LBB2_6:
0xa8: {  	p0 =	sne.s32 s22, $0x4D8  }
0xa9: {  	[sflag:s19] =	ssyncadd.s32 $0xFFFFD800;
	s23 =	smov.u32 s22;
	s22 =	sadd.s32 $0xA, s22  }
0xaa: {  	[spmem:s2] =	stream.indirect.scatter.add.f32 [tilespmem:s18], [sflag:$0x2], $0x80, s16, s17, $0xb8;
	[tilespmem:$0x16980] =	vst v63  }
0xab: {  	_ =	swait.ge [sflag:s15], $0x2800  }
0xac: {  	[sflag:s15] =	ssyncset.done $0x0  }
0xad: {  	s24 =	sadd.s32 s23, s13;
	[sflag:s15] =	ssyncadd.s32 $0xFFFFD800  }
0xae: {  	[tilespmem:s3], [sflag:$0x2] =	stream.linear.gather [hbm4b:s24+s3], $0x50, $0x38;
	[tilespmem:$0x16980] =	vst v63  }
0xaf: {  	_ =	swait.ge [sflag:s15], $0x50  }
0xb0: {  	[sflag:s15] =	ssyncset.done $0x0  }
0xb1: {  	s23 =	sadd.s32 s23, s12;
	[sflag:s15] =	ssyncadd.s32 $0xFFFFFFB0  }
0xb2: {  	[tilespmem:s16], [sflag:$0x2] =	stream.linear.gather [hbm4b:s23+s3], $0x50, $0x38;
	[tilespmem:$0x16980] =	vst v63  }
0xb3: {  	_ =	swait.ge [sflag:s15], $0x50  }
0xb4: {  	[sflag:s15] =	ssyncset.done $0x0  }
0xb5: {  	[sflag:s15] =	ssyncadd.s32 $0xFFFFFFB0  }
0xb6: {  	v0 =	vld [tilespmem:$0x40]  }
0xb7: {  	v1 =	vld [tilespmem:$0x20]  }
0xb8: {  	v2 =	vld [tilespmem:$0x30]  }
0xb9: {  	v3 =	vld [tilespmem:$0x10]  }
0xba: {  	v4 =	vld [tilespmem:$0x0]  }
0xbb: {  	v0 =	vadd.s32 $0x4E20, v0  }
0xbc: {  	v1 =	vadd.s32 $0x4E20, v1;
	[tilespmem:$0xC0] =	vst v0  }
0xbd: {  	[tilespmem:$0xA0] =	vst v1;
	v0 =	vadd.s32 $0x4E20, v2  }
0xbe: {  	v1 =	vadd.s32 $0x4E20, v3;
	[tilespmem:$0xB0] =	vst v0  }
.Ltmp2:
0xbf: {  	v0 =	vadd.s32 $0x4E20, v4;
	[tilespmem:$0x90] =	vst v1;
	(pc) =	sbr.rel @p0 .LBB2_6-.Ltmp2, $4  }
0xc0: {  	[tilespmem:$0x80] =	vst v0  }
0xc1: {  	[tilespmem:s18], [sflag:$0x1] =	stream.indirect.gather [hbm4b:s4+s17], $0x80, s20, s17, $0xb8;
	[tilespmem:$0x16980] =	vst v63  }
0xc2: {  	_ =	swait.ge [sflag:s19], $0x2800  }
0xc3: {  	[sflag:s19] =	ssyncset.done $0x0  }
0xc4: {  	[sflag:s19] =	ssyncadd.s32 $0xFFFFD800  }
0xc5: {  	[spmem:s2] =	stream.indirect.scatter.add.f32 [tilespmem:s18], [sflag:$0x2], $0x80, s16, s17, $0xb8;
	[tilespmem:$0x16980] =	vst v63  }
0xc6: {  	_ =	swait.ge [sflag:s15], $0x2800  }
0xc7: {  	[sflag:s15] =	ssyncset.done $0x0  }
0xc8: {  	[sflag:s15] =	ssyncadd.s32 $0xFFFFD800  }
0xc9: {  	[bflag:$0x0] =	sbarrier.arrive $0xFFFF  }
0xca: {  	[hbm:s9], [sflag:s6] =	dma.local [spmem:s14], $0x2800  }
0xcb: {  	_ =	swait.ge [sflag:s15], $0x2800  }
0xcc: {  	[sflag:s15] =	ssyncset.done $0x0  }
0xcd: {  	[sflag:s15] =	ssyncadd.s32 $0xFFFFD800  }
0xce: {  	[spmem:s14], [sflag:s6] =	dma.local [hbm:s5], $0x2800  }
0xcf: {  	_ =	swait.ge [sflag:s15], $0x2800  }
0xd0: {  	[sflag:s15] =	ssyncset.done $0x0  }
0xd1: {  	[sflag:s15] =	ssyncadd.s32 $0xFFFFD800  }
0xd2: {  	s22 =	sadd.s32 $0x0, s13;
	[bflag:$0x0] =	sbarrier.arrive $0xFFFF  }
0xd3: {  	[tilespmem:s3], [sflag:$0x2] =	stream.linear.gather [hbm4b:s22+s3], $0x50, $0x38;
	[tilespmem:$0x16980] =	vst v63  }
0xd4: {  	_ =	swait.ge [sflag:s15], $0x50  }
0xd5: {  	[sflag:s15] =	ssyncset.done $0x0  }
0xd6: {  	s31 =	sadd.s32 $0x0, s12;
	[sflag:s15] =	ssyncadd.s32 $0xFFFFFFB0  }
0xd7: {  	[tilespmem:s16], [sflag:$0x2] =	stream.linear.gather [hbm4b:s31+s3], $0x50, $0x38;
	[tilespmem:$0x16980] =	vst v63  }
0xd8: {  	_ =	swait.ge [sflag:s15], $0x50  }
0xd9: {  	[sflag:s15] =	ssyncset.done $0x0  }
0xda: {  	[sflag:s15] =	ssyncadd.s32 $0xFFFFFFB0  }
0xdb: {  	v0 =	vld [tilespmem:$0x40]  }
0xdc: {  	v1 =	vld [tilespmem:$0x20]  }
0xdd: {  	v2 =	vld [tilespmem:$0x30]  }
0xde: {  	v3 =	vld [tilespmem:$0x10]  }
0xdf: {  	v4 =	vld [tilespmem:$0x0]  }
0xe0: {  	v0 =	vadd.s32 $0x7530, v0  }
0xe1: {  	v1 =	vadd.s32 $0x7530, v1;
	[tilespmem:$0xC0] =	vst v0  }
0xe2: {  	v61 =	vadd.s32 $0x7530, v2;
	[tilespmem:$0xA0] =	vst v1  }
0xe3: {  	v62 =	vadd.s32 $0x7530, v3;
	[tilespmem:$0xB0] =	vst v61  }
0xe4: {  	v63 =	vadd.s32 $0x7530, v4;
	[tilespmem:$0x90] =	vst v62  }
0xe5: {  	[tilespmem:$0x80] =	vst v63  }
0xe6: {  	[tilespmem:s18], [sflag:$0x1] =	stream.indirect.gather [hbm4b:s4+s17], $0x80, s20, s17, $0xb8;
	[tilespmem:$0x16980] =	vst v63  }
0xe7: {  	_ =	swait.ge [sflag:s19], $0x2800  }
0xe8: {  	s22 =	simm.s32 $0xA;
	[sflag:s19] =	ssyncset.done $0x0  }
.LBB2_8:
0xe9: {  	p0 =	sne.s32 s22, $0x4D8  }
0xea: {  	[sflag:s19] =	ssyncadd.s32 $0xFFFFD800;
	s23 =	smov.u32 s22;
	s22 =	sadd.s32 $0xA, s22  }
0xeb: {  	[spmem:s2] =	stream.indirect.scatter.add.f32 [tilespmem:s18], [sflag:$0x2], $0x80, s16, s17, $0xb8;
	[tilespmem:$0x16980] =	vst v63  }
0xec: {  	_ =	swait.ge [sflag:s15], $0x2800  }
0xed: {  	[sflag:s15] =	ssyncset.done $0x0  }
0xee: {  	s24 =	sadd.s32 s23, s13;
	[sflag:s15] =	ssyncadd.s32 $0xFFFFD800  }
0xef: {  	[tilespmem:s3], [sflag:$0x2] =	stream.linear.gather [hbm4b:s24+s3], $0x50, $0x38;
	[tilespmem:$0x16980] =	vst v63  }
0xf0: {  	_ =	swait.ge [sflag:s15], $0x50  }
0xf1: {  	[sflag:s15] =	ssyncset.done $0x0  }
0xf2: {  	s23 =	sadd.s32 s23, s12;
	[sflag:s15] =	ssyncadd.s32 $0xFFFFFFB0  }
0xf3: {  	[tilespmem:s16], [sflag:$0x2] =	stream.linear.gather [hbm4b:s23+s3], $0x50, $0x38;
	[tilespmem:$0x16980] =	vst v63  }
0xf4: {  	_ =	swait.ge [sflag:s15], $0x50  }
0xf5: {  	[sflag:s15] =	ssyncset.done $0x0  }
0xf6: {  	[sflag:s15] =	ssyncadd.s32 $0xFFFFFFB0  }
0xf7: {  	v0 =	vld [tilespmem:$0x40]  }
0xf8: {  	v1 =	vld [tilespmem:$0x20]  }
0xf9: {  	v2 =	vld [tilespmem:$0x30]  }
0xfa: {  	v3 =	vld [tilespmem:$0x10]  }
0xfb: {  	v4 =	vld [tilespmem:$0x0]  }
0xfc: {  	v0 =	vadd.s32 $0x7530, v0  }
0xfd: {  	v1 =	vadd.s32 $0x7530, v1;
	[tilespmem:$0xC0] =	vst v0  }
0xfe: {  	[tilespmem:$0xA0] =	vst v1;
	v0 =	vadd.s32 $0x7530, v2  }
0xff: {  	v1 =	vadd.s32 $0x7530, v3;
	[tilespmem:$0xB0] =	vst v0  }
.Ltmp3:
0x100: {  	v0 =	vadd.s32 $0x7530, v4;
	[tilespmem:$0x90] =	vst v1;
	(pc) =	sbr.rel @p0 .LBB2_8-.Ltmp3, $4  }
0x101: {  	[tilespmem:$0x80] =	vst v0  }
0x102: {  	[tilespmem:s18], [sflag:$0x1] =	stream.indirect.gather [hbm4b:s4+s17], $0x80, s20, s17, $0xb8;
	[tilespmem:$0x16980] =	vst v63  }
0x103: {  	_ =	swait.ge [sflag:s19], $0x2800  }
0x104: {  	[sflag:s19] =	ssyncset.done $0x0  }
0x105: {  	[sflag:s19] =	ssyncadd.s32 $0xFFFFD800  }
0x106: {  	[spmem:s2] =	stream.indirect.scatter.add.f32 [tilespmem:s18], [sflag:$0x2], $0x80, s16, s17, $0xb8;
	[tilespmem:$0x16980] =	vst v63  }
0x107: {  	_ =	swait.ge [sflag:s15], $0x2800  }
0x108: {  	s21 =	sadd.s32 $0x1, s21;
	[sflag:s15] =	ssyncset.done $0x0  }
0x109: {  	p0 =	sne.s32 s21, s11;
	[sflag:s15] =	ssyncadd.s32 $0xFFFFD800  }
.Ltmp4:
0x10a: {  	[bflag:$0x0] =	sbarrier.arrive $0xFFFF;
	(pc) =	sbr.rel @p0 .LBB2_1-.Ltmp4, $4  }
0x10b: {  	[hbm:s10], [sflag:s6] =	dma.local [spmem:s14], $0x2800  }
0x10c: {  	_ =	swait.ge [sflag:s15], $0x2800  }
0x10d: {  	[sflag:s15] =	ssyncset.done $0x0  }
0x10e: {  	[sflag:s15] =	ssyncadd.s32 $0xFFFFD800  }
0x10f: {  	_ =	sfence.sel $0x180000  }
0x110: {  	[bflag:$0x0] =	sbarrier.arrive $0xFFFF  }
0x111: {  	p0 =	sne.s32 s0, $0x0;
	_ =	strace $0x90000050  }
0x112: {  	s0 =	sadd.s32 @!p0 $0x100000, s1;
	[bflag:$0x2] =	sbarrier.arrive $0xFFFF  }
0x113: {  	[sflag:s0] =	ssyncadd.tile.s32 @!p0 $0x1;
	_ =	shalt  }
.Lfunc_end2:
_tile_overlayer_lowered:
.L_overlay_start_2:
0x114: {  	(tag) =	ssettag $0x2  }
0x115: {  	s0 =	rddreg [dreg:$0x0];
	s2 =	stileid.u32  }
0x116: {  	s1 =	rddreg [dreg:$0x1];
	p0 =	sne.s32 s2, $0x0  }
0x117: {  	s3 =	rddreg [dreg:$0x2];
	[bflag:$0x3] =	sbarrier.arrive $0xFFFF;
	s2 =	simm.s32 @!p0 $0x1C02  }
0x118: {  	[timem:s3], [sflag:s2] =	dma.local @!p0 [hbm:s0], s1  }
0x119: {  	s0 =	simm.s32 @!p0 $0x2  }
0x11a: {  	_ =	swait.ge @!p0 [sflag:s0], s1  }
0x11b: {  	s1 =	ssub.s32 @!p0 $0x0, s1;
	[sflag:s0] =	ssyncset.done @!p0 $0x0  }
0x11c: {  	[sflag:s0] =	ssyncadd.s32 @!p0 s1  }
0x11d: {  	[bflag:$0x3] =	sbarrier.arrive $0xFFFF  }
0x11e: {  	_ =	shalt  }

</sc_bundles>
